<compile_context>
chip_gen: v7x
topology: tpu7x:2x2x1
jax: 0.10.2.dev20260603
libtpu: 0.0.44.dev20260713+nightly
codegen_flags: <defaults>
</compile_context>

<pallas_src>
import functools

import jax
import jax.numpy as jnp
from jax import lax
from jax.experimental import pallas as pl
from jax.experimental.pallas import tpu as pltpu
from jax.experimental.pallas import tpu_sc as plsc

NUM_NODES = 100000
FEAT_DIM = 128
EDGE_RAW = 4
B = 1024
NN = 50
PL_LEN = 50
K = 5
D = 64
TD = 16


_PROJ_BLK = 1000
AUG = 80


def _proj_body(nrf_ref, wf_ref, bf_ref, out_ref):
    mm = (jnp.dot(nrf_ref[...], wf_ref[...],
                  preferred_element_type=jnp.float32) + bf_ref[...])
    out_ref[...] = jnp.concatenate(
        [mm, nrf_ref[:, 0:1],
         jnp.zeros((_PROJ_BLK, AUG - D - 1), jnp.float32)], axis=1)


_EB = 10000


def _edge_pad_body(e_ref, out_ref):
    out_ref[...] = jnp.concatenate(
        [e_ref[...], jnp.zeros((_EB, 16 - EDGE_RAW), jnp.float32)], axis=1)


def _pad_edges(edge_raw):
    grid = 1000000 // _EB
    return pl.pallas_call(
        _edge_pad_body,
        grid=(grid,),
        in_specs=[pl.BlockSpec((_EB, EDGE_RAW), lambda i: (i, 0))],
        out_specs=pl.BlockSpec((_EB, 16), lambda i: (i, 0)),
        out_shape=jax.ShapeDtypeStruct((1000000, 16), jnp.float32),
    )(edge_raw)


def _project_table(nrf, W_feat, b_feat):
    grid = NUM_NODES // _PROJ_BLK
    return pl.pallas_call(
        _proj_body,
        grid=(grid,),
        in_specs=[
            pl.BlockSpec((_PROJ_BLK, FEAT_DIM), lambda i: (i, 0)),
            pl.BlockSpec((FEAT_DIM, D), lambda i: (0, 0)),
            pl.BlockSpec((1, D), lambda i: (0, 0)),
        ],
        out_specs=pl.BlockSpec((_PROJ_BLK, AUG), lambda i: (i, 0)),
        out_shape=jax.ShapeDtypeStruct((NUM_NODES, AUG), jnp.float32),
    )(nrf, W_feat, b_feat.reshape(1, D))



_BB1 = 64
_RN = NN * _BB1
FP = 24
IP = 16


def _gru_scan(gx_ref, whhT, bhh, h0):
    def step(t, h):
        gx_t = gx_ref[pl.ds(t * _BB1, _BB1), :]
        gh = jnp.dot(h, whhT, preferred_element_type=jnp.float32) + bhh
        r = jax.nn.sigmoid(gx_t[:, :D] + gh[:, :D])
        z = jax.nn.sigmoid(gx_t[:, D:2 * D] + gh[:, D:2 * D])
        n = jnp.tanh(gx_t[:, 2 * D:] + r * gh[:, 2 * D:])
        return (1.0 - z) * n + z * h

    return lax.fori_loop(0, NN, step, h0)


def _c1_body(lproj_ref, dproj_ref, lfp_ref, dfp_ref, lip_ref, dip_ref,
             w_es_ref, w_time_ref, bias_ref, ln_g_ref, ln_b_ref,
             gl_wihT_ref, gl_whhT_ref, gl_bih_ref, gl_bhh_ref,
             gq_wihT_ref, gq_whhT_ref, gq_bih_ref, gq_bhh_ref,
             w_out_ref, b_out_ref,
             lemb_ref, out2_ref, gx_ref):
    bias = bias_ref[...]
    ln_g = ln_g_ref[...]
    ln_b = ln_b_ref[...]
    mavg = jnp.full((D, D), 1.0 / D, jnp.float32)

    def feats(aug3, fp3, ip3):
        aug = aug3.reshape(_RN, AUG)
        proj = aug[:, 0:D]
        fp = fp3.reshape(_RN, FP)
        ip = ip3.reshape(_RN, IP)
        tt = fp[:, 0:8]
        te = jnp.concatenate([jnp.cos(tt), jnp.exp(-jnp.abs(tt))], axis=1)
        tf = jnp.dot(te, w_time_ref[...],
                     preferred_element_type=jnp.float32)
        sk8 = (aug[:, D:D + 8].astype(jnp.int32)
               == fp[:, 16:24].astype(jnp.int32)).astype(jnp.float32)
        co8 = (ip[:, 0:8] == ip[:, 8:16]).astype(jnp.float32)
        sm = sk8 + co8 + fp[:, 8:16]
        es = jnp.dot(sm, w_es_ref[...],
                     preferred_element_type=jnp.float32)
        x = proj + tf + es + bias
        m = jnp.dot(x, mavg, preferred_element_type=jnp.float32)
        c = x - m
        v = jnp.dot(c * c, mavg, preferred_element_type=jnp.float32)
        return c * lax.rsqrt(v + 1e-5) * ln_g + ln_b

    h0 = jnp.zeros((_BB1, D), jnp.float32)

    lf = feats(lproj_ref[...], lfp_ref[...], lip_ref[...])
    gx_ref[...] = (
        jnp.dot(lf, gl_wihT_ref[...], preferred_element_type=jnp.float32)
        + gl_bih_ref[...])
    lemb_ref[...] = _gru_scan(gx_ref, gl_whhT_ref[...], gl_bhh_ref[...], h0)

    qf = feats(dproj_ref[...], dfp_ref[...], dip_ref[...])
    gx_ref[...] = (
        jnp.dot(qf, gq_wihT_ref[...], preferred_element_type=jnp.float32)
        + gq_bih_ref[...])
    q_emb = _gru_scan(gx_ref, gq_whhT_ref[...], gq_bhh_ref[...], h0)
    out2_ref[...] = (
        jnp.dot(q_emb, w_out_ref[...], preferred_element_type=jnp.float32)
        + b_out_ref[...])


def _c1_stage(lproj3, dproj3, lfp3, dfp3, lip3, dip3,
              w_es, w_time, bias, ln_g, ln_b,
              gl_wihT, gl_whhT, gl_bih, gl_bhh,
              gq_wihT, gq_whhT, gq_bih, gq_bhh, w_out, b_out):
    grid = B // _BB1

    def tb(ch):
        return pl.BlockSpec((NN, _BB1, ch), lambda i: (0, i, 0))

    def rep(shape):
        nd = len(shape)
        return pl.BlockSpec(shape, lambda i, nd=nd: (0,) * nd)

    in_specs = [
        tb(AUG), tb(AUG), tb(FP), tb(FP), tb(IP), tb(IP),
        rep((8, D)), rep((TD, D)), rep((1, D)), rep((1, D)), rep((1, D)),
        rep((D, 3 * D)), rep((D, 3 * D)), rep((1, 3 * D)), rep((1, 3 * D)),
        rep((D, 3 * D)), rep((D, 3 * D)), rep((1, 3 * D)), rep((1, 3 * D)),
        rep((D, D)), rep((1, D)),
    ]
    out_specs = [
        pl.BlockSpec((_BB1, D), lambda i: (i, 0)),
        pl.BlockSpec((_BB1, D), lambda i: (i, 0)),
    ]
    return pl.pallas_call(
        _c1_body,
        grid=(grid,),
        in_specs=in_specs,
        out_specs=out_specs,
        out_shape=[
            jax.ShapeDtypeStruct((B, D), jnp.float32),
            jax.ShapeDtypeStruct((B, D), jnp.float32),
        ],
        scratch_shapes=[pltpu.VMEM((_RN, 3 * D), jnp.float32)],
    )(lproj3, dproj3, lfp3, dfp3, lip3, dip3,
      w_es, w_time, bias, ln_g, ln_b,
      gl_wihT, gl_whhT, gl_bih, gl_bhh,
      gq_wihT, gq_whhT, gq_bih, gq_bhh, w_out, b_out)



_BB2 = 32
_RP2 = _BB2 * K * PL_LEN


def _c2_body(pa_ref, x_ref, lemb_ref, m3_ref,
             w_gcn_ref, b_gcn_ref, w_mlp_ref, b_mlp_ref,
             w_out_ref, b_out_ref, out1_ref):
    q = (pa_ref[...] > 0).astype(jnp.float32)
    s = jnp.dot(q, m3_ref[...], preferred_element_type=jnp.float32)
    em8 = (s == 3.0).astype(jnp.float32)
    row8 = lax.broadcasted_iota(jnp.int32, (8, D), 0)
    r0 = (row8 == 0).astype(jnp.float32)
    r1 = (row8 == 1).astype(jnp.float32)
    r01 = (row8 <= 1).astype(jnp.float32)
    emD = jnp.dot(em8, r0, preferred_element_type=jnp.float32)
    empD = jnp.dot(em8, r1, preferred_element_type=jnp.float32)
    degD = jnp.dot(em8, r01, preferred_element_type=jnp.float32)
    validD = jnp.dot(q, r0, preferred_element_type=jnp.float32)

    x = x_ref[...][:, 0:D]
    zD = jnp.zeros((1, D), jnp.float32)
    xnext = jnp.concatenate([x[1:], zD], axis=0)
    xprev = jnp.concatenate([zD, x[:-1]], axis=0)
    msg = (xnext * emD + xprev * empD + x) / (degD + 1.0)
    h = jax.nn.relu(
        jnp.dot(msg, w_gcn_ref[...], preferred_element_type=jnp.float32)
        + b_gcn_ref[...]) * validD
    hsum = jnp.sum(h.reshape(_BB2, K * PL_LEN, D), axis=1)
    vcnt = jnp.sum(validD.reshape(_BB2, K * PL_LEN, D), axis=1)
    global_emb = hsum / jnp.maximum(vcnt, 1.0)

    comb = jnp.concatenate([lemb_ref[...], global_emb], axis=1)
    fs = jax.nn.relu(
        jnp.dot(comb, w_mlp_ref[...], preferred_element_type=jnp.float32)
        + b_mlp_ref[...])
    out1_ref[...] = (
        jnp.dot(fs, w_out_ref[...], preferred_element_type=jnp.float32)
        + b_out_ref[...])


def _c2_stage(pa, x_pool, lemb, w_gcn, b_gcn, w_mlp, b_mlp, w_out, b_out):
    grid = B // _BB2
    m3 = jnp.zeros((8, 8), jnp.float32)
    m3 = m3.at[0, 0].set(1.0).at[1, 0].set(1.0).at[2, 0].set(1.0)
    m3 = m3.at[0, 1].set(1.0).at[3, 1].set(1.0).at[4, 1].set(1.0)

    def rep(shape):
        nd = len(shape)
        return pl.BlockSpec(shape, lambda i, nd=nd: (0,) * nd)

    in_specs = [
        pl.BlockSpec((_RP2, 8), lambda i: (i, 0)),
        pl.BlockSpec((_RP2, AUG), lambda i: (i, 0)),
        pl.BlockSpec((_BB2, D), lambda i: (i, 0)),
        rep((8, 8)),
        rep((D, D)), rep((1, D)), rep((2 * D, D)), rep((1, D)),
        rep((D, D)), rep((1, D)),
    ]
    return pl.pallas_call(
        _c2_body,
        grid=(grid,),
        in_specs=in_specs,
        out_specs=pl.BlockSpec((_BB2, D), lambda i: (i, 0)),
        out_shape=jax.ShapeDtypeStruct((B, D), jnp.float32),
    )(pa, x_pool, lemb, m3, w_gcn, b_gcn, w_mlp, b_mlp, w_out, b_out)



_PT = 160
_PC = 4
_NT = 1600
_NC = 80


PLP = 64


def _sc_pool_ids_body(pool_table, ridx, pool_ids, idxp, ids, sem0, sem1):
    wid = lax.axis_index("s") * 2 + lax.axis_index("c")
    pltpu.sync_copy(ridx.at[pl.ds(wid * _PT, _PT)], idxp)
    g0 = pltpu.async_copy(pool_table.at[idxp.at[pl.ds(0, 80)]],
                          ids.at[pl.ds(0, 80)], sem0)
    g1 = pltpu.async_copy(pool_table.at[idxp.at[pl.ds(80, 80)]],
                          ids.at[pl.ds(80, 80)], sem1)
    g0.wait()
    pltpu.sync_copy(ids.at[pl.ds(0, 80)],
                    pool_ids.at[pl.ds(wid * _PT, 80)])
    g1.wait()
    pltpu.sync_copy(ids.at[pl.ds(80, 80)],
                    pool_ids.at[pl.ds(wid * _PT + 80, 80)])


_PN = B * K * PL_LEN // 32


_KD = 4


EP = 16


def _sc_gather_body(aug, edgep, pflat,
                    lnid, leid, dnid, deid, dstid, srcid,
                    x_pool, laug, daug, ledge, dedge, skdst, sksrc,
                    pidx, nidx, eidx, gbufs, ebufs, bidx, bbuf,
                    gsems, esems):
    wid = lax.axis_index("s") * 2 + lax.axis_index("c")

    pltpu.sync_copy(pflat.at[pl.ds(wid * _PN, _PN)], pidx)
    nch2 = _PN // _NC

    def p2_body(i, _):
        hs = [pltpu.async_copy(
            aug.at[pidx.at[pl.ds((_KD * i + j) * _NC, _NC)]],
            gbufs[j], gsems[j]) for j in range(_KD)]
        for j in range(_KD):
            hs[j].wait()
            pltpu.sync_copy(
                gbufs[j],
                x_pool.at[pl.ds(wid * _PN + (_KD * i + j) * _NC, _NC)])
        return 0

    lax.fori_loop(0, nch2 // _KD, p2_body, 0)

    def side(nid_h, eid_h, aug_o, edge_o):
        pltpu.sync_copy(nid_h.at[pl.ds(wid * _NT, _NT)], nidx)
        pltpu.sync_copy(eid_h.at[pl.ds(wid * _NT, _NT)], eidx)
        nch3 = _NT // _NC

        def s_body(i, _):
            hg = [pltpu.async_copy(
                aug.at[nidx.at[pl.ds((_KD * i + j) * _NC, _NC)]],
                gbufs[j], gsems[j]) for j in range(_KD)]
            he = [pltpu.async_copy(
                edgep.at[eidx.at[pl.ds((_KD * i + j) * _NC, _NC)]],
                ebufs[j], esems[j]) for j in range(_KD)]
            for j in range(_KD):
                o = wid * _NT + (_KD * i + j) * _NC
                hg[j].wait()
                pltpu.sync_copy(gbufs[j], aug_o.at[pl.ds(o, _NC)])
                he[j].wait()
                pltpu.sync_copy(ebufs[j], edge_o.at[pl.ds(o, _NC)])
            return 0

        lax.fori_loop(0, nch3 // _KD, s_body, 0)

    side(lnid, leid, laug, ledge)
    side(dnid, deid, daug, dedge)

    pltpu.sync_copy(dstid.at[pl.ds(wid * 32, 32)], bidx)
    pltpu.async_copy(aug.at[bidx], bbuf, gsems[0]).wait()
    pltpu.sync_copy(bbuf, skdst.at[pl.ds(wid * 32, 32)])
    pltpu.sync_copy(srcid.at[pl.ds(wid * 32, 32)], bidx)
    pltpu.async_copy(aug.at[bidx], bbuf, gsems[0]).wait()
    pltpu.sync_copy(bbuf, sksrc.at[pl.ds(wid * 32, 32)])


def _gathers(aug, edgep, pool_table_p, retrieved_indices,
             local_neighbor_ids_T, local_edge_ids_T, dst_neighbor_ids_T,
             dst_edge_ids_T, src_node_ids, dst_node_ids):
    f32, i32 = jnp.float32, jnp.int32
    mesh = plsc.VectorSubcoreMesh(core_axis_name="c", subcore_axis_name="s")

    sc_params = pltpu.CompilerParams(use_tc_tiling_on_sc=False)
    pool_ids_p = pl.kernel(
        _sc_pool_ids_body,
        out_type=jax.ShapeDtypeStruct((B * K, PLP), i32),
        mesh=mesh,
        compiler_params=sc_params,
        scratch_types=[
            pltpu.VMEM((_PT,), i32),
            pltpu.VMEM((_PT, PLP), i32),
            pltpu.SemaphoreType.DMA,
            pltpu.SemaphoreType.DMA,
        ],
    )(pool_table_p, retrieved_indices.reshape(B * K))

    pflat = pool_ids_p[:, :PL_LEN].reshape(B * K * PL_LEN)

    out_type = [
        jax.ShapeDtypeStruct((B * K * PL_LEN, AUG), f32),
        jax.ShapeDtypeStruct((NN * B, AUG), f32),
        jax.ShapeDtypeStruct((NN * B, AUG), f32),
        jax.ShapeDtypeStruct((NN * B, EP), f32),
        jax.ShapeDtypeStruct((NN * B, EP), f32),
        jax.ShapeDtypeStruct((B, AUG), f32),
        jax.ShapeDtypeStruct((B, AUG), f32),
    ]
    scratch = [
        pltpu.VMEM((_PN,), i32),
        pltpu.VMEM((_NT,), i32),
        pltpu.VMEM((_NT,), i32),
        tuple(pltpu.VMEM((_NC, AUG), f32) for _ in range(_KD)),
        tuple(pltpu.VMEM((_NC, EP), f32) for _ in range(_KD)),
        pltpu.VMEM((32,), i32),
        pltpu.VMEM((32, AUG), f32),
        tuple(pltpu.SemaphoreType.DMA for _ in range(_KD)),
        tuple(pltpu.SemaphoreType.DMA for _ in range(_KD)),
    ]
    (x_pool, laug, daug, ledge, dedge, skdst_r, sksrc_r
     ) = pl.kernel(
        _sc_gather_body, out_type=out_type, mesh=mesh,
        compiler_params=sc_params,
        scratch_types=scratch,
    )(aug, edgep, pflat,
      local_neighbor_ids_T, local_edge_ids_T,
      dst_neighbor_ids_T, dst_edge_ids_T,
      dst_node_ids, src_node_ids)
    return (pool_ids_p, x_pool, laug, daug, ledge, dedge,
            skdst_r[:, D], sksrc_r[:, D])




def _pack_side(augf, e0f, timesT, idsT, cur_ids, cur_skill, basis):
    aug3 = augf.reshape(NN, B, AUG)
    tt = timesT[:, :, None] * basis
    zf = jnp.zeros((NN, B), jnp.float32)
    big = jnp.full((NN, B), 1e9, jnp.float32)
    e0 = e0f.reshape(NN, B)
    cskill = jnp.broadcast_to(cur_skill[None, :], (NN, B))
    fp3 = jnp.concatenate([
        tt,
        jnp.stack([zf, zf, e0, zf, zf, zf, zf, zf], axis=-1),
        jnp.stack([cskill, -big, -big, -big, -big, -big, -big, -big],
                  axis=-1),
    ], axis=-1)
    ids = idsT.reshape(NN, B)
    cid = jnp.broadcast_to(cur_ids[None, :], (NN, B))
    n1 = jnp.full((NN, B), -1, jnp.int32)
    n2 = jnp.full((NN, B), -2, jnp.int32)
    ip3 = jnp.concatenate([
        jnp.stack([n1, ids, n1, n1, n1, n1, n1, n1], axis=-1),
        jnp.stack([n2, cid, n2, n2, n2, n2, n2, n2], axis=-1),
    ], axis=-1)
    return aug3, fp3, ip3


def kernel(node_raw_features, edge_raw_features, retrieval_pool_nodes,
           src_node_ids, dst_node_ids, node_interact_times,
           retrieved_indices, local_neighbor_ids, local_edge_ids,
           local_times, dst_neighbor_ids, dst_edge_ids, dst_times,
           W_feat, b_feat, W_edge, b_edge, W_time, b_time, W_struct,
           b_struct, ln_g, ln_b, gru_l_Wih, gru_l_Whh, gru_l_bih,
           gru_l_bhh, gru_q_Wih, gru_q_Whh, gru_q_bih, gru_q_bhh,
           W_gcn, b_gcn, W_mlp, b_mlp, W_out, b_out):
    aug = _project_table(node_raw_features, W_feat, b_feat)
    edgep = _pad_edges(edge_raw_features)
    pool_p = jnp.pad(retrieval_pool_nodes, ((0, 0), (0, PLP - PL_LEN)))

    ln_T = local_neighbor_ids.T.reshape(-1)
    le_T = local_edge_ids.T.reshape(-1)
    dn_T = dst_neighbor_ids.T.reshape(-1)
    de_T = dst_edge_ids.T.reshape(-1)

    (pool_ids_p, x_pool, laug, daug, ledge, dedge,
     skill_dst, skill_src) = _gathers(
        aug, edgep, pool_p, retrieved_indices,
        ln_T, le_T, dn_T, de_T, src_node_ids, dst_node_ids)

    half = TD // 2
    basis = (1.0 / (10.0 ** (jnp.arange(half, dtype=jnp.float32) / half))
             ).reshape(1, 1, half)
    bias = (b_edge + b_time + 2.0 * b_struct).reshape(1, D)
    w_es = jnp.concatenate(
        [W_struct.reshape(1, D), W_struct.reshape(1, D),
         W_edge.reshape(1, D),
         jnp.zeros((5, D), jnp.float32)], axis=0)

    lproj3, lfp3, lip3 = _pack_side(
        laug, ledge[:, 0], local_times.T, ln_T,
        dst_node_ids, skill_dst, basis)
    dproj3, dfp3, dip3 = _pack_side(
        daug, dedge[:, 0], dst_times.T, dn_T,
        src_node_ids, skill_src, basis)

    lemb, out2 = _c1_stage(
        lproj3, dproj3, lfp3, dfp3, lip3, dip3,
        w_es, W_time, bias, ln_g.reshape(1, D), ln_b.reshape(1, D),
        gru_l_Wih.T, gru_l_Whh.T, gru_l_bih.reshape(1, 3 * D),
        gru_l_bhh.reshape(1, 3 * D),
        gru_q_Wih.T, gru_q_Whh.T, gru_q_bih.reshape(1, 3 * D),
        gru_q_bhh.reshape(1, 3 * D), W_out, b_out.reshape(1, D))

    ids2 = pool_ids_p[:, :PL_LEN]
    zi = jnp.zeros((B * K, 1), jnp.int32)
    idnext = jnp.concatenate([ids2[:, 1:], zi], axis=1)
    idprev = jnp.concatenate([zi, ids2[:, :-1]], axis=1)
    pos = jnp.broadcast_to(jnp.arange(PL_LEN, dtype=jnp.int32)[None, :],
                           (B * K, PL_LEN))
    zi2 = jnp.zeros((B * K, PL_LEN), jnp.int32)
    pa = jnp.stack([ids2, idnext, PL_LEN - 1 - pos, idprev, pos,
                    zi2, zi2, zi2], axis=-1).reshape(B * K * PL_LEN, 8)

    out1 = _c2_stage(pa, x_pool, lemb, W_gcn, b_gcn.reshape(1, D),
                     W_mlp, b_mlp.reshape(1, D), W_out,
                     b_out.reshape(1, D))
    return out1, out2

# --- scband reference (transcript-rebuilt; emitter-appended) ---
"""Pipeline reference for scband-rag-dy-gkt-69415261438456 (READ-ONLY COPY).

The authoritative reference and input builder live on the scoring server;
editing this copy changes nothing except your own understanding.
"""

import jax, jax.numpy as jnp
import numpy as np

NUM_NODES=100000; FEAT_DIM=128; NUM_EDGES=1000000; EDGE_FEAT=4
B=1024; NN=50; POOL=10000; PL=50; K=5; NODE_DIM=64; TIME_DIM=16

def _te(t):
    half=TIME_DIM//2
    basis=1.0/(10.0**(jnp.arange(half,dtype=jnp.float32)/half))
    tt=t[...,None]
    return jnp.concatenate([jnp.cos(tt*basis),jnp.exp(-jnp.abs(tt)*basis)],axis=-1)

def _ln(x,g,b,eps=1e-5):
    m=x.mean(-1,keepdims=True); v=x.var(-1,keepdims=True)
    return (x-m)/jnp.sqrt(v+eps)*g+b

def _gru(x,Wih,Whh,bih,bhh):
    H=Whh.shape[1]
    def step(h,xt):
        gx=xt@Wih.T+bih; gh=h@Whh.T+bhh
        r=jax.nn.sigmoid(gx[:,:H]+gh[:,:H]); z=jax.nn.sigmoid(gx[:,H:2*H]+gh[:,H:2*H])
        n=jnp.tanh(gx[:,2*H:]+r*gh[:,2*H:])
        return (1.0-z)*n+z*h, None
    h0=jnp.zeros((x.shape[0],H),dtype=x.dtype)
    hT,_=jax.lax.scan(step,h0,jnp.swapaxes(x,0,1))
    return hT

def setup_inputs():
    key=jax.random.key(0)
    ks=[jax.random.fold_in(key,i) for i in range(40)]
    d={}
    d['node_raw_features']=jax.random.normal(ks[0],(NUM_NODES,FEAT_DIM),dtype=jnp.float32)
    d['edge_raw_features']=jax.random.normal(ks[1],(NUM_EDGES,EDGE_FEAT),dtype=jnp.float32)
    d['retrieval_pool_nodes']=jax.random.randint(ks[2],(POOL,PL),0,NUM_NODES)
    d['src_node_ids']=jax.random.randint(ks[3],(B,),0,NUM_NODES)
    d['dst_node_ids']=jax.random.randint(ks[4],(B,),0,NUM_NODES)
    d['node_interact_times']=jax.random.uniform(ks[5],(B,),dtype=jnp.float32)
    d['retrieved_indices']=jax.random.randint(ks[6],(B,K),0,POOL)
    d['local_neighbor_ids']=jax.random.randint(ks[7],(B,NN),0,NUM_NODES)
    d['local_edge_ids']=jax.random.randint(ks[8],(B,NN),0,NUM_EDGES)
    d['local_times']=jax.random.uniform(ks[9],(B,NN),dtype=jnp.float32)
    d['dst_neighbor_ids']=jax.random.randint(ks[10],(B,NN),0,NUM_NODES)
    d['dst_edge_ids']=jax.random.randint(ks[11],(B,NN),0,NUM_EDGES)
    d['dst_times']=jax.random.uniform(ks[12],(B,NN),dtype=jnp.float32)
    s=0.05
    d['W_feat']=jax.random.normal(ks[13],(FEAT_DIM,NODE_DIM))*s; d['b_feat']=jnp.zeros((NODE_DIM,))
    d['W_edge']=jax.random.normal(ks[14],(1,NODE_DIM))*s; d['b_edge']=jnp.zeros((NODE_DIM,))
    d['W_time']=jax.random.normal(ks[15],(TIME_DIM,NODE_DIM))*s; d['b_time']=jnp.zeros((NODE_DIM,))
    d['W_struct']=jax.random.normal(ks[16],(1,NODE_DIM))*s; d['b_struct']=jnp.zeros((NODE_DIM,))
    d['ln_g']=jnp.ones((NODE_DIM,)); d['ln_b']=jnp.zeros((NODE_DIM,))
    d['gru_l_Wih']=jax.random.normal(ks[17],(3*NODE_DIM,NODE_DIM))*s; d['gru_l_Whh']=jax.random.normal(ks[18],(3*NODE_DIM,NODE_DIM))*s
    d['gru_l_bih']=jnp.zeros((3*NODE_DIM,)); d['gru_l_bhh']=jnp.zeros((3*NODE_DIM,))
    d['gru_q_Wih']=jax.random.normal(ks[19],(3*NODE_DIM,NODE_DIM))*s; d['gru_q_Whh']=jax.random.normal(ks[20],(3*NODE_DIM,NODE_DIM))*s
    d['gru_q_bih']=jnp.zeros((3*NODE_DIM,)); d['gru_q_bhh']=jnp.zeros((3*NODE_DIM,))
    d['W_gcn']=jax.random.normal(ks[21],(NODE_DIM,NODE_DIM))*s; d['b_gcn']=jnp.zeros((NODE_DIM,))
    d['W_mlp']=jax.random.normal(ks[22],(2*NODE_DIM,NODE_DIM))*s; d['b_mlp']=jnp.zeros((NODE_DIM,))
    d['W_out']=jax.random.normal(ks[23],(NODE_DIM,NODE_DIM))*s; d['b_out']=jnp.zeros((NODE_DIM,))
    return d

def reference(node_raw_features, edge_raw_features, retrieval_pool_nodes, src_node_ids, dst_node_ids, node_interact_times, retrieved_indices, local_neighbor_ids, local_edge_ids, local_times, dst_neighbor_ids, dst_edge_ids, dst_times, W_feat, b_feat, W_edge, b_edge, W_time, b_time, W_struct, b_struct, ln_g, ln_b, gru_l_Wih, gru_l_Whh, gru_l_bih, gru_l_bhh, gru_q_Wih, gru_q_Whh, gru_q_bih, gru_q_bhh, W_gcn, b_gcn, W_mlp, b_mlp, W_out, b_out):
    def feats(nids,eids,times,cur_dst,cur_skill):
        nf=node_raw_features[nids]@W_feat+b_feat
        ef=edge_raw_features[eids][...,0:1]@W_edge+b_edge
        tf=_te(times)@W_time+b_time
        co=(nids==cur_dst[:,None]).astype(jnp.float32)[...,None]
        se=co@W_struct+b_struct
        sh=jax.lax.stop_gradient(node_raw_features[nids][...,0]).astype(jnp.int32)
        sk=(sh==cur_skill[:,None]).astype(jnp.float32)[...,None]
        ke=sk@W_struct+b_struct
        return _ln(nf+ef+tf+se+ke,ln_g,ln_b)
    skill_dst=jax.lax.stop_gradient(node_raw_features[dst_node_ids][:,0]).astype(jnp.int32)
    lf=feats(local_neighbor_ids,local_edge_ids,local_times,dst_node_ids,skill_dst)
    local_emb=_gru(lf,gru_l_Wih,gru_l_Whh,gru_l_bih,gru_l_bhh)
    nodes=retrieval_pool_nodes[retrieved_indices]
    valid=(nodes>0).astype(jnp.float32)
    x=node_raw_features[nodes]@W_feat+b_feat
    em=valid[:,:,:-1]*valid[:,:,1:]
    nb=jnp.zeros_like(x)
    nb=nb.at[:,:,:-1].add(x[:,:,1:]*em[...,None])
    nb=nb.at[:,:,1:].add(x[:,:,:-1]*em[...,None])
    deg=jnp.zeros(valid.shape,dtype=jnp.float32)
    deg=deg.at[:,:,:-1].add(em)
    deg=deg.at[:,:,1:].add(em)
    h=jax.nn.relu(((nb+x)/(deg[...,None]+1.0))@W_gcn+b_gcn)
    h=h*valid[...,None]
    denom=jnp.maximum(valid.sum(axis=(1,2)),1.0)
    global_emb=h.sum(axis=(1,2))/denom[:,None]
    comb=jnp.concatenate([local_emb,global_emb],axis=1)
    fs=jax.nn.relu(comb@W_mlp+b_mlp)
    skill_src=jax.lax.stop_gradient(node_raw_features[src_node_ids][:,0]).astype(jnp.int32)
    qf=feats(dst_neighbor_ids,dst_edge_ids,dst_times,src_node_ids,skill_src)
    q_emb=_gru(qf,gru_q_Wih,gru_q_Whh,gru_q_bih,gru_q_bhh)
    return (fs@W_out+b_out, q_emb@W_out+b_out)

if __name__ == "__main__":
    import jax
    _d = setup_inputs()
    print(jax.jit(kernel)(*tuple(_d.values())))

</pallas_src>

<mosaic_0001>
#map = affine_map<(d0, d1) -> (0, 0)>
#map1 = affine_map<(d0, d1) -> (0)>
module attributes {stable_mosaic.version = 14 : i64} {
  func.func @_sc_gather_body(%arg0: i32, %arg1: i32, %arg2: memref<100000x80xf32, #tpu.memory_space<hbm>>, %arg3: memref<1000000x16xf32, #tpu.memory_space<hbm>>, %arg4: memref<256000xi32, #tpu.memory_space<hbm>>, %arg5: memref<51200xi32, #tpu.memory_space<hbm>>, %arg6: memref<51200xi32, #tpu.memory_space<hbm>>, %arg7: memref<51200xi32, #tpu.memory_space<hbm>>, %arg8: memref<51200xi32, #tpu.memory_space<hbm>>, %arg9: memref<1024xi32, #tpu.memory_space<hbm>>, %arg10: memref<1024xi32, #tpu.memory_space<hbm>>, %arg11: memref<256000x80xf32, #tpu.memory_space<hbm>>, %arg12: memref<51200x80xf32, #tpu.memory_space<hbm>>, %arg13: memref<51200x80xf32, #tpu.memory_space<hbm>>, %arg14: memref<51200x16xf32, #tpu.memory_space<hbm>>, %arg15: memref<51200x16xf32, #tpu.memory_space<hbm>>, %arg16: memref<1024x80xf32, #tpu.memory_space<hbm>>, %arg17: memref<1024x80xf32, #tpu.memory_space<hbm>>, %arg18: memref<8000xi32, #tpu.memory_space<vmem>>, %arg19: memref<1600xi32, #tpu.memory_space<vmem>>, %arg20: memref<1600xi32, #tpu.memory_space<vmem>>, %arg21: memref<80x80xf32, #tpu.memory_space<vmem>>, %arg22: memref<80x80xf32, #tpu.memory_space<vmem>>, %arg23: memref<80x80xf32, #tpu.memory_space<vmem>>, %arg24: memref<80x80xf32, #tpu.memory_space<vmem>>, %arg25: memref<80x16xf32, #tpu.memory_space<vmem>>, %arg26: memref<80x16xf32, #tpu.memory_space<vmem>>, %arg27: memref<80x16xf32, #tpu.memory_space<vmem>>, %arg28: memref<80x16xf32, #tpu.memory_space<vmem>>, %arg29: memref<32xi32, #tpu.memory_space<vmem>>, %arg30: memref<32x80xf32, #tpu.memory_space<vmem>>, %arg31: memref<!tpu.dma_semaphore, #tpu.memory_space<semaphore_mem>>, %arg32: memref<!tpu.dma_semaphore, #tpu.memory_space<semaphore_mem>>, %arg33: memref<!tpu.dma_semaphore, #tpu.memory_space<semaphore_mem>>, %arg34: memref<!tpu.dma_semaphore, #tpu.memory_space<semaphore_mem>>, %arg35: memref<!tpu.dma_semaphore, #tpu.memory_space<semaphore_mem>>, %arg36: memref<!tpu.dma_semaphore, #tpu.memory_space<semaphore_mem>>, %arg37: memref<!tpu.dma_semaphore, #tpu.memory_space<semaphore_mem>>, %arg38: memref<!tpu.dma_semaphore, #tpu.memory_space<semaphore_mem>>) attributes {dimension_semantics = [#tpu.dimension_semantics<core_parallel>, #tpu.dimension_semantics<subcore_parallel>], iteration_bounds = array<i64: 2, 16>, scalar_prefetch = 0 : i64, scratch_operands = 21 : i64, tpu.core_type = #tpu.core_type<sc_vector_subcore>, window_params = [{transform_indices = #map}, {transform_indices = #map}, {transform_indices = #map1}, {transform_indices = #map1}, {transform_indices = #map1}, {transform_indices = #map1}, {transform_indices = #map1}, {transform_indices = #map1}, {transform_indices = #map1}, {transform_indices = #map}, {transform_indices = #map}, {transform_indices = #map}, {transform_indices = #map}, {transform_indices = #map}, {transform_indices = #map}, {transform_indices = #map}]} {
    %mul3A = arith.constant 2 : i32
    %mul3A_0 = arith.muli %arg1, %mul3A : i32
    %add3A = arith.addi %mul3A_0, %arg0 : i32
    %mul3A_1 = arith.constant 8000 : i32
    %mul3A_2 = arith.muli %add3A, %mul3A_1 : i32
    "tpu.region"() ({
      %run_scoped3A = tpu.sem_alloc : memref<!tpu.dma_semaphore, #tpu.memory_space<semaphore_mem>>
      %dma_start3A_49 = tpu.memref_slice %arg4[%mul3A_2] : memref<256000xi32, #tpu.memory_space<hbm>> -> memref<8000xi32, #tpu.memory_space<hbm>>
      %dma_start3A_50 = tpu.memref_slice %arg4[%mul3A_2] : memref<256000xi32, #tpu.memory_space<hbm>> -> memref<8000xi32, #tpu.memory_space<hbm>>
      tpu.enqueue_dma source(%dma_start3A_50 : memref<8000xi32, #tpu.memory_space<hbm>>) target(%arg18 : memref<8000xi32, #tpu.memory_space<vmem>>) target_semaphore(%run_scoped3A : memref<!tpu.dma_semaphore, #tpu.memory_space<semaphore_mem>>)
      %dma_wait3A_51 = tpu.memref_slice %arg4[%mul3A_2] : memref<256000xi32, #tpu.memory_space<hbm>> -> memref<8000xi32, #tpu.memory_space<hbm>>
      %dma_wait3A_52 = tpu.memref_slice %arg4[%mul3A_2] : memref<256000xi32, #tpu.memory_space<hbm>> -> memref<8000xi32, #tpu.memory_space<hbm>>
      tpu.wait_dma2 semaphore(%run_scoped3A : memref<!tpu.dma_semaphore, #tpu.memory_space<semaphore_mem>>) src(%dma_wait3A_52 : memref<8000xi32, #tpu.memory_space<hbm>>) dst(%arg18 : memref<8000xi32, #tpu.memory_space<vmem>>)
      tpu.yield
    }) : () -> ()
    %scan3A = arith.constant 0 : i32
    %scan3A_3 = arith.constant 0 : i32
    %scan3A_4 = arith.constant 25 : i32
    %scan3A_5 = arith.addi %scan3A_3, %scan3A_4 : i32
    %scan3A_6 = arith.constant 1 : i32
    %scan3A_7 = scf.for %scan3A_49 = %scan3A_3 to %scan3A_5 step %scan3A_6 iter_args(%scan3A_50 = %scan3A) -> (i32)  : i32 {
      %mul3A_51 = arith.constant 4 : i32
      %mul3A_52 = arith.muli %mul3A_51, %scan3A_49 : i32
      %add3A_53 = arith.constant 0 : i32
      %add3A_54 = arith.addi %mul3A_52, %add3A_53 : i32
      %mul3A_55 = arith.constant 80 : i32
      %mul3A_56 = arith.muli %add3A_54, %mul3A_55 : i32
      %dma_start3A_57 = tpu.memref_slice %arg18[%mul3A_56] : memref<8000xi32, #tpu.memory_space<vmem>> -> memref<80xi32, #tpu.memory_space<vmem>>
      %dma_start3A_58 = arith.constant 0 : i32
      %dma_start3A_59 = arith.constant 0 : i32
      %dma_start3A_60 = tpu.memref_slice %arg2[%dma_start3A_58, %dma_start3A_59] : memref<100000x80xf32, #tpu.memory_space<hbm>> -> memref<100000x80xf32, #tpu.memory_space<hbm>>
      tpu.enqueue_indirect_dma source(%dma_start3A_60 : memref<100000x80xf32, #tpu.memory_space<hbm>>) target(%arg21 : memref<80x80xf32, #tpu.memory_space<vmem>>) offsets(%dma_start3A_57 : memref<80xi32, #tpu.memory_space<vmem>>) semaphore(%arg31 : memref<!tpu.dma_semaphore, #tpu.memory_space<semaphore_mem>>)
      %mul3A_61 = arith.constant 4 : i32
      %mul3A_62 = arith.muli %mul3A_61, %scan3A_49 : i32
      %add3A_63 = arith.constant 1 : i32
      %add3A_64 = arith.addi %mul3A_62, %add3A_63 : i32
      %mul3A_65 = arith.constant 80 : i32
      %mul3A_66 = arith.muli %add3A_64, %mul3A_65 : i32
      %dma_start3A_67 = tpu.memref_slice %arg18[%mul3A_66] : memref<8000xi32, #tpu.memory_space<vmem>> -> memref<80xi32, #tpu.memory_space<vmem>>
      %dma_start3A_68 = arith.constant 0 : i32
      %dma_start3A_69 = arith.constant 0 : i32
      %dma_start3A_70 = tpu.memref_slice %arg2[%dma_start3A_68, %dma_start3A_69] : memref<100000x80xf32, #tpu.memory_space<hbm>> -> memref<100000x80xf32, #tpu.memory_space<hbm>>
      tpu.enqueue_indirect_dma source(%dma_start3A_70 : memref<100000x80xf32, #tpu.memory_space<hbm>>) target(%arg22 : memref<80x80xf32, #tpu.memory_space<vmem>>) offsets(%dma_start3A_67 : memref<80xi32, #tpu.memory_space<vmem>>) semaphore(%arg32 : memref<!tpu.dma_semaphore, #tpu.memory_space<semaphore_mem>>)
      %mul3A_71 = arith.constant 4 : i32
      %mul3A_72 = arith.muli %mul3A_71, %scan3A_49 : i32
      %add3A_73 = arith.constant 2 : i32
      %add3A_74 = arith.addi %mul3A_72, %add3A_73 : i32
      %mul3A_75 = arith.constant 80 : i32
      %mul3A_76 = arith.muli %add3A_74, %mul3A_75 : i32
      %dma_start3A_77 = tpu.memref_slice %arg18[%mul3A_76] : memref<8000xi32, #tpu.memory_space<vmem>> -> memref<80xi32, #tpu.memory_space<vmem>>
      %dma_start3A_78 = arith.constant 0 : i32
      %dma_start3A_79 = arith.constant 0 : i32
      %dma_start3A_80 = tpu.memref_slice %arg2[%dma_start3A_78, %dma_start3A_79] : memref<100000x80xf32, #tpu.memory_space<hbm>> -> memref<100000x80xf32, #tpu.memory_space<hbm>>
      tpu.enqueue_indirect_dma source(%dma_start3A_80 : memref<100000x80xf32, #tpu.memory_space<hbm>>) target(%arg23 : memref<80x80xf32, #tpu.memory_space<vmem>>) offsets(%dma_start3A_77 : memref<80xi32, #tpu.memory_space<vmem>>) semaphore(%arg33 : memref<!tpu.dma_semaphore, #tpu.memory_space<semaphore_mem>>)
      %mul3A_81 = arith.constant 4 : i32
      %mul3A_82 = arith.muli %mul3A_81, %scan3A_49 : i32
      %add3A_83 = arith.constant 3 : i32
      %add3A_84 = arith.addi %mul3A_82, %add3A_83 : i32
      %mul3A_85 = arith.constant 80 : i32
      %mul3A_86 = arith.muli %add3A_84, %mul3A_85 : i32
      %dma_start3A_87 = tpu.memref_slice %arg18[%mul3A_86] : memref<8000xi32, #tpu.memory_space<vmem>> -> memref<80xi32, #tpu.memory_space<vmem>>
      %dma_start3A_88 = arith.constant 0 : i32
      %dma_start3A_89 = arith.constant 0 : i32
      %dma_start3A_90 = tpu.memref_slice %arg2[%dma_start3A_88, %dma_start3A_89] : memref<100000x80xf32, #tpu.memory_space<hbm>> -> memref<100000x80xf32, #tpu.memory_space<hbm>>
      tpu.enqueue_indirect_dma source(%dma_start3A_90 : memref<100000x80xf32, #tpu.memory_space<hbm>>) target(%arg24 : memref<80x80xf32, #tpu.memory_space<vmem>>) offsets(%dma_start3A_87 : memref<80xi32, #tpu.memory_space<vmem>>) semaphore(%arg34 : memref<!tpu.dma_semaphore, #tpu.memory_space<semaphore_mem>>)
      %dma_wait3A_91 = tpu.memref_slice %arg18[%mul3A_56] : memref<8000xi32, #tpu.memory_space<vmem>> -> memref<80xi32, #tpu.memory_space<vmem>>
      %dma_wait3A_92 = arith.constant 0 : i32
      %dma_wait3A_93 = arith.constant 0 : i32
      %dma_wait3A_94 = tpu.memref_slice %arg2[%dma_wait3A_92, %dma_wait3A_93] : memref<100000x80xf32, #tpu.memory_space<hbm>> -> memref<100000x80xf32, #tpu.memory_space<hbm>>
      tpu.wait_indirect_dma semaphore(%arg31 : memref<!tpu.dma_semaphore, #tpu.memory_space<semaphore_mem>>) src(%dma_wait3A_94 : memref<100000x80xf32, #tpu.memory_space<hbm>>) dst(%arg21 : memref<80x80xf32, #tpu.memory_space<vmem>>)
      %mul3A_95 = arith.constant 8000 : i32
      %mul3A_96 = arith.muli %add3A, %mul3A_95 : i32
      %mul3A_97 = arith.constant 4 : i32
      %mul3A_98 = arith.muli %mul3A_97, %scan3A_49 : i32
      %add3A_99 = arith.constant 0 : i32
      %add3A_100 = arith.addi %mul3A_98, %add3A_99 : i32
      %mul3A_101 = arith.constant 80 : i32
      %mul3A_102 = arith.muli %add3A_100, %mul3A_101 : i32
      %add3A_103 = arith.addi %mul3A_96, %mul3A_102 : i32
      "tpu.region"() ({
        %run_scoped3A = tpu.sem_alloc : memref<!tpu.dma_semaphore, #tpu.memory_space<semaphore_mem>>
        %dma_start3A_144 = arith.constant 0 : i32
        %dma_start3A_145 = tpu.memref_slice %arg11[%add3A_103, %dma_start3A_144] : memref<256000x80xf32, #tpu.memory_space<hbm>> -> memref<80x80xf32, #tpu.memory_space<hbm>>
        %dma_start3A_146 = arith.constant 0 : i32
        %dma_start3A_147 = tpu.memref_slice %arg11[%add3A_103, %dma_start3A_146] : memref<256000x80xf32, #tpu.memory_space<hbm>> -> memref<80x80xf32, #tpu.memory_space<hbm>>
        tpu.enqueue_dma source(%arg21 : memref<80x80xf32, #tpu.memory_space<vmem>>) target(%dma_start3A_147 : memref<80x80xf32, #tpu.memory_space<hbm>>) target_semaphore(%run_scoped3A : memref<!tpu.dma_semaphore, #tpu.memory_space<semaphore_mem>>)
        %dma_wait3A_148 = arith.constant 0 : i32
        %dma_wait3A_149 = tpu.memref_slice %arg11[%add3A_103, %dma_wait3A_148] : memref<256000x80xf32, #tpu.memory_space<hbm>> -> memref<80x80xf32, #tpu.memory_space<hbm>>
        %dma_wait3A_150 = arith.constant 0 : i32
        %dma_wait3A_151 = tpu.memref_slice %arg11[%add3A_103, %dma_wait3A_150] : memref<256000x80xf32, #tpu.memory_space<hbm>> -> memref<80x80xf32, #tpu.memory_space<hbm>>
        tpu.wait_dma2 semaphore(%run_scoped3A : memref<!tpu.dma_semaphore, #tpu.memory_space<semaphore_mem>>) src(%arg21 : memref<80x80xf32, #tpu.memory_space<vmem>>) dst(%dma_wait3A_151 : memref<80x80xf32, #tpu.memory_space<hbm>>)
        tpu.yield
      }) : () -> ()
      %dma_wait3A_104 = tpu.memref_slice %arg18[%mul3A_66] : memref<8000xi32, #tpu.memory_space<vmem>> -> memref<80xi32, #tpu.memory_space<vmem>>
      %dma_wait3A_105 = arith.constant 0 : i32
      %dma_wait3A_106 = arith.constant 0 : i32
      %dma_wait3A_107 = tpu.memref_slice %arg2[%dma_wait3A_105, %dma_wait3A_106] : memref<100000x80xf32, #tpu.memory_space<hbm>> -> memref<100000x80xf32, #tpu.memory_space<hbm>>
      tpu.wait_indirect_dma semaphore(%arg32 : memref<!tpu.dma_semaphore, #tpu.memory_space<semaphore_mem>>) src(%dma_wait3A_107 : memref<100000x80xf32, #tpu.memory_space<hbm>>) dst(%arg22 : memref<80x80xf32, #tpu.memory_space<vmem>>)
      %mul3A_108 = arith.constant 8000 : i32
      %mul3A_109 = arith.muli %add3A, %mul3A_108 : i32
      %mul3A_110 = arith.constant 4 : i32
      %mul3A_111 = arith.muli %mul3A_110, %scan3A_49 : i32
      %add3A_112 = arith.constant 1 : i32
      %add3A_113 = arith.addi %mul3A_111, %add3A_112 : i32
      %mul3A_114 = arith.constant 80 : i32
      %mul3A_115 = arith.muli %add3A_113, %mul3A_114 : i32
      %add3A_116 = arith.addi %mul3A_109, %mul3A_115 : i32
      "tpu.region"() ({
        %run_scoped3A = tpu.sem_alloc : memref<!tpu.dma_semaphore, #tpu.memory_space<semaphore_mem>>
        %dma_start3A_144 = arith.constant 0 : i32
        %dma_start3A_145 = tpu.memref_slice %arg11[%add3A_116, %dma_start3A_144] : memref<256000x80xf32, #tpu.memory_space<hbm>> -> memref<80x80xf32, #tpu.memory_space<hbm>>
        %dma_start3A_146 = arith.constant 0 : i32
        %dma_start3A_147 = tpu.memref_slice %arg11[%add3A_116, %dma_start3A_146] : memref<256000x80xf32, #tpu.memory_space<hbm>> -> memref<80x80xf32, #tpu.memory_space<hbm>>
        tpu.enqueue_dma source(%arg22 : memref<80x80xf32, #tpu.memory_space<vmem>>) target(%dma_start3A_147 : memref<80x80xf32, #tpu.memory_space<hbm>>) target_semaphore(%run_scoped3A : memref<!tpu.dma_semaphore, #tpu.memory_space<semaphore_mem>>)
        %dma_wait3A_148 = arith.constant 0 : i32
        %dma_wait3A_149 = tpu.memref_slice %arg11[%add3A_116, %dma_wait3A_148] : memref<256000x80xf32, #tpu.memory_space<hbm>> -> memref<80x80xf32, #tpu.memory_space<hbm>>
        %dma_wait3A_150 = arith.constant 0 : i32
        %dma_wait3A_151 = tpu.memref_slice %arg11[%add3A_116, %dma_wait3A_150] : memref<256000x80xf32, #tpu.memory_space<hbm>> -> memref<80x80xf32, #tpu.memory_space<hbm>>
        tpu.wait_dma2 semaphore(%run_scoped3A : memref<!tpu.dma_semaphore, #tpu.memory_space<semaphore_mem>>) src(%arg22 : memref<80x80xf32, #tpu.memory_space<vmem>>) dst(%dma_wait3A_151 : memref<80x80xf32, #tpu.memory_space<hbm>>)
        tpu.yield
      }) : () -> ()
      %dma_wait3A_117 = tpu.memref_slice %arg18[%mul3A_76] : memref<8000xi32, #tpu.memory_space<vmem>> -> memref<80xi32, #tpu.memory_space<vmem>>
      %dma_wait3A_118 = arith.constant 0 : i32
      %dma_wait3A_119 = arith.constant 0 : i32
      %dma_wait3A_120 = tpu.memref_slice %arg2[%dma_wait3A_118, %dma_wait3A_119] : memref<100000x80xf32, #tpu.memory_space<hbm>> -> memref<100000x80xf32, #tpu.memory_space<hbm>>
      tpu.wait_indirect_dma semaphore(%arg33 : memref<!tpu.dma_semaphore, #tpu.memory_space<semaphore_mem>>) src(%dma_wait3A_120 : memref<100000x80xf32, #tpu.memory_space<hbm>>) dst(%arg23 : memref<80x80xf32, #tpu.memory_space<vmem>>)
      %mul3A_121 = arith.constant 8000 : i32
      %mul3A_122 = arith.muli %add3A, %mul3A_121 : i32
      %mul3A_123 = arith.constant 4 : i32
      %mul3A_124 = arith.muli %mul3A_123, %scan3A_49 : i32
      %add3A_125 = arith.constant 2 : i32
      %add3A_126 = arith.addi %mul3A_124, %add3A_125 : i32
      %mul3A_127 = arith.constant 80 : i32
      %mul3A_128 = arith.muli %add3A_126, %mul3A_127 : i32
      %add3A_129 = arith.addi %mul3A_122, %mul3A_128 : i32
      "tpu.region"() ({
        %run_scoped3A = tpu.sem_alloc : memref<!tpu.dma_semaphore, #tpu.memory_space<semaphore_mem>>
        %dma_start3A_144 = arith.constant 0 : i32
        %dma_start3A_145 = tpu.memref_slice %arg11[%add3A_129, %dma_start3A_144] : memref<256000x80xf32, #tpu.memory_space<hbm>> -> memref<80x80xf32, #tpu.memory_space<hbm>>
        %dma_start3A_146 = arith.constant 0 : i32
        %dma_start3A_147 = tpu.memref_slice %arg11[%add3A_129, %dma_start3A_146] : memref<256000x80xf32, #tpu.memory_space<hbm>> -> memref<80x80xf32, #tpu.memory_space<hbm>>
        tpu.enqueue_dma source(%arg23 : memref<80x80xf32, #tpu.memory_space<vmem>>) target(%dma_start3A_147 : memref<80x80xf32, #tpu.memory_space<hbm>>) target_semaphore(%run_scoped3A : memref<!tpu.dma_semaphore, #tpu.memory_space<semaphore_mem>>)
        %dma_wait3A_148 = arith.constant 0 : i32
        %dma_wait3A_149 = tpu.memref_slice %arg11[%add3A_129, %dma_wait3A_148] : memref<256000x80xf32, #tpu.memory_space<hbm>> -> memref<80x80xf32, #tpu.memory_space<hbm>>
        %dma_wait3A_150 = arith.constant 0 : i32
        %dma_wait3A_151 = tpu.memref_slice %arg11[%add3A_129, %dma_wait3A_150] : memref<256000x80xf32, #tpu.memory_space<hbm>> -> memref<80x80xf32, #tpu.memory_space<hbm>>
        tpu.wait_dma2 semaphore(%run_scoped3A : memref<!tpu.dma_semaphore, #tpu.memory_space<semaphore_mem>>) src(%arg23 : memref<80x80xf32, #tpu.memory_space<vmem>>) dst(%dma_wait3A_151 : memref<80x80xf32, #tpu.memory_space<hbm>>)
        tpu.yield
      }) : () -> ()
      %dma_wait3A_130 = tpu.memref_slice %arg18[%mul3A_86] : memref<8000xi32, #tpu.memory_space<vmem>> -> memref<80xi32, #tpu.memory_space<vmem>>
      %dma_wait3A_131 = arith.constant 0 : i32
      %dma_wait3A_132 = arith.constant 0 : i32
      %dma_wait3A_133 = tpu.memref_slice %arg2[%dma_wait3A_131, %dma_wait3A_132] : memref<100000x80xf32, #tpu.memory_space<hbm>> -> memref<100000x80xf32, #tpu.memory_space<hbm>>
      tpu.wait_indirect_dma semaphore(%arg34 : memref<!tpu.dma_semaphore, #tpu.memory_space<semaphore_mem>>) src(%dma_wait3A_133 : memref<100000x80xf32, #tpu.memory_space<hbm>>) dst(%arg24 : memref<80x80xf32, #tpu.memory_space<vmem>>)
      %mul3A_134 = arith.constant 8000 : i32
      %mul3A_135 = arith.muli %add3A, %mul3A_134 : i32
      %mul3A_136 = arith.constant 4 : i32
      %mul3A_137 = arith.muli %mul3A_136, %scan3A_49 : i32
      %add3A_138 = arith.constant 3 : i32
      %add3A_139 = arith.addi %mul3A_137, %add3A_138 : i32
      %mul3A_140 = arith.constant 80 : i32
      %mul3A_141 = arith.muli %add3A_139, %mul3A_140 : i32
      %add3A_142 = arith.addi %mul3A_135, %mul3A_141 : i32
      "tpu.region"() ({
        %run_scoped3A = tpu.sem_alloc : memref<!tpu.dma_semaphore, #tpu.memory_space<semaphore_mem>>
        %dma_start3A_144 = arith.constant 0 : i32
        %dma_start3A_145 = tpu.memref_slice %arg11[%add3A_142, %dma_start3A_144] : memref<256000x80xf32, #tpu.memory_space<hbm>> -> memref<80x80xf32, #tpu.memory_space<hbm>>
        %dma_start3A_146 = arith.constant 0 : i32
        %dma_start3A_147 = tpu.memref_slice %arg11[%add3A_142, %dma_start3A_146] : memref<256000x80xf32, #tpu.memory_space<hbm>> -> memref<80x80xf32, #tpu.memory_space<hbm>>
        tpu.enqueue_dma source(%arg24 : memref<80x80xf32, #tpu.memory_space<vmem>>) target(%dma_start3A_147 : memref<80x80xf32, #tpu.memory_space<hbm>>) target_semaphore(%run_scoped3A : memref<!tpu.dma_semaphore, #tpu.memory_space<semaphore_mem>>)
        %dma_wait3A_148 = arith.constant 0 : i32
        %dma_wait3A_149 = tpu.memref_slice %arg11[%add3A_142, %dma_wait3A_148] : memref<256000x80xf32, #tpu.memory_space<hbm>> -> memref<80x80xf32, #tpu.memory_space<hbm>>
        %dma_wait3A_150 = arith.constant 0 : i32
        %dma_wait3A_151 = tpu.memref_slice %arg11[%add3A_142, %dma_wait3A_150] : memref<256000x80xf32, #tpu.memory_space<hbm>> -> memref<80x80xf32, #tpu.memory_space<hbm>>
        tpu.wait_dma2 semaphore(%run_scoped3A : memref<!tpu.dma_semaphore, #tpu.memory_space<semaphore_mem>>) src(%arg24 : memref<80x80xf32, #tpu.memory_space<vmem>>) dst(%dma_wait3A_151 : memref<80x80xf32, #tpu.memory_space<hbm>>)
        tpu.yield
      }) : () -> ()
      %scan3A_143 = arith.constant 0 : i32
      scf.yield %scan3A_143 : i32
    }
    %scan3A_8 = arith.constant 25 : i32
    %mul3A_9 = arith.constant 1600 : i32
    %mul3A_10 = arith.muli %add3A, %mul3A_9 : i32
    "tpu.region"() ({
      %run_scoped3A = tpu.sem_alloc : memref<!tpu.dma_semaphore, #tpu.memory_space<semaphore_mem>>
      %dma_start3A_49 = tpu.memref_slice %arg5[%mul3A_10] : memref<51200xi32, #tpu.memory_space<hbm>> -> memref<1600xi32, #tpu.memory_space<hbm>>
      %dma_start3A_50 = tpu.memref_slice %arg5[%mul3A_10] : memref<51200xi32, #tpu.memory_space<hbm>> -> memref<1600xi32, #tpu.memory_space<hbm>>
      tpu.enqueue_dma source(%dma_start3A_50 : memref<1600xi32, #tpu.memory_space<hbm>>) target(%arg19 : memref<1600xi32, #tpu.memory_space<vmem>>) target_semaphore(%run_scoped3A : memref<!tpu.dma_semaphore, #tpu.memory_space<semaphore_mem>>)
      %dma_wait3A_51 = tpu.memref_slice %arg5[%mul3A_10] : memref<51200xi32, #tpu.memory_space<hbm>> -> memref<1600xi32, #tpu.memory_space<hbm>>
      %dma_wait3A_52 = tpu.memref_slice %arg5[%mul3A_10] : memref<51200xi32, #tpu.memory_space<hbm>> -> memref<1600xi32, #tpu.memory_space<hbm>>
      tpu.wait_dma2 semaphore(%run_scoped3A : memref<!tpu.dma_semaphore, #tpu.memory_space<semaphore_mem>>) src(%dma_wait3A_52 : memref<1600xi32, #tpu.memory_space<hbm>>) dst(%arg19 : memref<1600xi32, #tpu.memory_space<vmem>>)
      tpu.yield
    }) : () -> ()
    %mul3A_11 = arith.constant 1600 : i32
    %mul3A_12 = arith.muli %add3A, %mul3A_11 : i32
    "tpu.region"() ({
      %run_scoped3A = tpu.sem_alloc : memref<!tpu.dma_semaphore, #tpu.memory_space<semaphore_mem>>
      %dma_start3A_49 = tpu.memref_slice %arg6[%mul3A_12] : memref<51200xi32, #tpu.memory_space<hbm>> -> memref<1600xi32, #tpu.memory_space<hbm>>
      %dma_start3A_50 = tpu.memref_slice %arg6[%mul3A_12] : memref<51200xi32, #tpu.memory_space<hbm>> -> memref<1600xi32, #tpu.memory_space<hbm>>
      tpu.enqueue_dma source(%dma_start3A_50 : memref<1600xi32, #tpu.memory_space<hbm>>) target(%arg20 : memref<1600xi32, #tpu.memory_space<vmem>>) target_semaphore(%run_scoped3A : memref<!tpu.dma_semaphore, #tpu.memory_space<semaphore_mem>>)
      %dma_wait3A_51 = tpu.memref_slice %arg6[%mul3A_12] : memref<51200xi32, #tpu.memory_space<hbm>> -> memref<1600xi32, #tpu.memory_space<hbm>>
      %dma_wait3A_52 = tpu.memref_slice %arg6[%mul3A_12] : memref<51200xi32, #tpu.memory_space<hbm>> -> memref<1600xi32, #tpu.memory_space<hbm>>
      tpu.wait_dma2 semaphore(%run_scoped3A : memref<!tpu.dma_semaphore, #tpu.memory_space<semaphore_mem>>) src(%dma_wait3A_52 : memref<1600xi32, #tpu.memory_space<hbm>>) dst(%arg20 : memref<1600xi32, #tpu.memory_space<vmem>>)
      tpu.yield
    }) : () -> ()
    %scan3A_13 = arith.constant 0 : i32
    %scan3A_14 = arith.constant 0 : i32
    %scan3A_15 = arith.constant 5 : i32
    %scan3A_16 = arith.addi %scan3A_14, %scan3A_15 : i32
    %scan3A_17 = arith.constant 1 : i32
    %scan3A_18 = scf.for %scan3A_49 = %scan3A_14 to %scan3A_16 step %scan3A_17 iter_args(%scan3A_50 = %scan3A_13) -> (i32)  : i32 {
      %mul3A_51 = arith.constant 4 : i32
      %mul3A_52 = arith.muli %mul3A_51, %scan3A_49 : i32
      %add3A_53 = arith.constant 0 : i32
      %add3A_54 = arith.addi %mul3A_52, %add3A_53 : i32
      %mul3A_55 = arith.constant 80 : i32
      %mul3A_56 = arith.muli %add3A_54, %mul3A_55 : i32
      %dma_start3A_57 = tpu.memref_slice %arg19[%mul3A_56] : memref<1600xi32, #tpu.memory_space<vmem>> -> memref<80xi32, #tpu.memory_space<vmem>>
      %dma_start3A_58 = arith.constant 0 : i32
      %dma_start3A_59 = arith.constant 0 : i32
      %dma_start3A_60 = tpu.memref_slice %arg2[%dma_start3A_58, %dma_start3A_59] : memref<100000x80xf32, #tpu.memory_space<hbm>> -> memref<100000x80xf32, #tpu.memory_space<hbm>>
      tpu.enqueue_indirect_dma source(%dma_start3A_60 : memref<100000x80xf32, #tpu.memory_space<hbm>>) target(%arg21 : memref<80x80xf32, #tpu.memory_space<vmem>>) offsets(%dma_start3A_57 : memref<80xi32, #tpu.memory_space<vmem>>) semaphore(%arg31 : memref<!tpu.dma_semaphore, #tpu.memory_space<semaphore_mem>>)
      %mul3A_61 = arith.constant 4 : i32
      %mul3A_62 = arith.muli %mul3A_61, %scan3A_49 : i32
      %add3A_63 = arith.constant 1 : i32
      %add3A_64 = arith.addi %mul3A_62, %add3A_63 : i32
      %mul3A_65 = arith.constant 80 : i32
      %mul3A_66 = arith.muli %add3A_64, %mul3A_65 : i32
      %dma_start3A_67 = tpu.memref_slice %arg19[%mul3A_66] : memref<1600xi32, #tpu.memory_space<vmem>> -> memref<80xi32, #tpu.memory_space<vmem>>
      %dma_start3A_68 = arith.constant 0 : i32
      %dma_start3A_69 = arith.constant 0 : i32
      %dma_start3A_70 = tpu.memref_slice %arg2[%dma_start3A_68, %dma_start3A_69] : memref<100000x80xf32, #tpu.memory_space<hbm>> -> memref<100000x80xf32, #tpu.memory_space<hbm>>
      tpu.enqueue_indirect_dma source(%dma_start3A_70 : memref<100000x80xf32, #tpu.memory_space<hbm>>) target(%arg22 : memref<80x80xf32, #tpu.memory_space<vmem>>) offsets(%dma_start3A_67 : memref<80xi32, #tpu.memory_space<vmem>>) semaphore(%arg32 : memref<!tpu.dma_semaphore, #tpu.memory_space<semaphore_mem>>)
      %mul3A_71 = arith.constant 4 : i32
      %mul3A_72 = arith.muli %mul3A_71, %scan3A_49 : i32
      %add3A_73 = arith.constant 2 : i32
      %add3A_74 = arith.addi %mul3A_72, %add3A_73 : i32
      %mul3A_75 = arith.constant 80 : i32
      %mul3A_76 = arith.muli %add3A_74, %mul3A_75 : i32
      %dma_start3A_77 = tpu.memref_slice %arg19[%mul3A_76] : memref<1600xi32, #tpu.memory_space<vmem>> -> memref<80xi32, #tpu.memory_space<vmem>>
      %dma_start3A_78 = arith.constant 0 : i32
      %dma_start3A_79 = arith.constant 0 : i32
      %dma_start3A_80 = tpu.memref_slice %arg2[%dma_start3A_78, %dma_start3A_79] : memref<100000x80xf32, #tpu.memory_space<hbm>> -> memref<100000x80xf32, #tpu.memory_space<hbm>>
      tpu.enqueue_indirect_dma source(%dma_start3A_80 : memref<100000x80xf32, #tpu.memory_space<hbm>>) target(%arg23 : memref<80x80xf32, #tpu.memory_space<vmem>>) offsets(%dma_start3A_77 : memref<80xi32, #tpu.memory_space<vmem>>) semaphore(%arg33 : memref<!tpu.dma_semaphore, #tpu.memory_space<semaphore_mem>>)
      %mul3A_81 = arith.constant 4 : i32
      %mul3A_82 = arith.muli %mul3A_81, %scan3A_49 : i32
      %add3A_83 = arith.constant 3 : i32
      %add3A_84 = arith.addi %mul3A_82, %add3A_83 : i32
      %mul3A_85 = arith.constant 80 : i32
      %mul3A_86 = arith.muli %add3A_84, %mul3A_85 : i32
      %dma_start3A_87 = tpu.memref_slice %arg19[%mul3A_86] : memref<1600xi32, #tpu.memory_space<vmem>> -> memref<80xi32, #tpu.memory_space<vmem>>
      %dma_start3A_88 = arith.constant 0 : i32
      %dma_start3A_89 = arith.constant 0 : i32
      %dma_start3A_90 = tpu.memref_slice %arg2[%dma_start3A_88, %dma_start3A_89] : memref<100000x80xf32, #tpu.memory_space<hbm>> -> memref<100000x80xf32, #tpu.memory_space<hbm>>
      tpu.enqueue_indirect_dma source(%dma_start3A_90 : memref<100000x80xf32, #tpu.memory_space<hbm>>) target(%arg24 : memref<80x80xf32, #tpu.memory_space<vmem>>) offsets(%dma_start3A_87 : memref<80xi32, #tpu.memory_space<vmem>>) semaphore(%arg34 : memref<!tpu.dma_semaphore, #tpu.memory_space<semaphore_mem>>)
      %mul3A_91 = arith.constant 4 : i32
      %mul3A_92 = arith.muli %mul3A_91, %scan3A_49 : i32
      %add3A_93 = arith.constant 0 : i32
      %add3A_94 = arith.addi %mul3A_92, %add3A_93 : i32
      %mul3A_95 = arith.constant 80 : i32
      %mul3A_96 = arith.muli %add3A_94, %mul3A_95 : i32
      %dma_start3A_97 = tpu.memref_slice %arg20[%mul3A_96] : memref<1600xi32, #tpu.memory_space<vmem>> -> memref<80xi32, #tpu.memory_space<vmem>>
      %dma_start3A_98 = arith.constant 0 : i32
      %dma_start3A_99 = arith.constant 0 : i32
      %dma_start3A_100 = tpu.memref_slice %arg3[%dma_start3A_98, %dma_start3A_99] : memref<1000000x16xf32, #tpu.memory_space<hbm>> -> memref<1000000x16xf32, #tpu.memory_space<hbm>>
      tpu.enqueue_indirect_dma source(%dma_start3A_100 : memref<1000000x16xf32, #tpu.memory_space<hbm>>) target(%arg25 : memref<80x16xf32, #tpu.memory_space<vmem>>) offsets(%dma_start3A_97 : memref<80xi32, #tpu.memory_space<vmem>>) semaphore(%arg35 : memref<!tpu.dma_semaphore, #tpu.memory_space<semaphore_mem>>)
      %mul3A_101 = arith.constant 4 : i32
      %mul3A_102 = arith.muli %mul3A_101, %scan3A_49 : i32
      %add3A_103 = arith.constant 1 : i32
      %add3A_104 = arith.addi %mul3A_102, %add3A_103 : i32
      %mul3A_105 = arith.constant 80 : i32
      %mul3A_106 = arith.muli %add3A_104, %mul3A_105 : i32
      %dma_start3A_107 = tpu.memref_slice %arg20[%mul3A_106] : memref<1600xi32, #tpu.memory_space<vmem>> -> memref<80xi32, #tpu.memory_space<vmem>>
      %dma_start3A_108 = arith.constant 0 : i32
      %dma_start3A_109 = arith.constant 0 : i32
      %dma_start3A_110 = tpu.memref_slice %arg3[%dma_start3A_108, %dma_start3A_109] : memref<1000000x16xf32, #tpu.memory_space<hbm>> -> memref<1000000x16xf32, #tpu.memory_space<hbm>>
      tpu.enqueue_indirect_dma source(%dma_start3A_110 : memref<1000000x16xf32, #tpu.memory_space<hbm>>) target(%arg26 : memref<80x16xf32, #tpu.memory_space<vmem>>) offsets(%dma_start3A_107 : memref<80xi32, #tpu.memory_space<vmem>>) semaphore(%arg36 : memref<!tpu.dma_semaphore, #tpu.memory_space<semaphore_mem>>)
      %mul3A_111 = arith.constant 4 : i32
      %mul3A_112 = arith.muli %mul3A_111, %scan3A_49 : i32
      %add3A_113 = arith.constant 2 : i32
      %add3A_114 = arith.addi %mul3A_112, %add3A_113 : i32
      %mul3A_115 = arith.constant 80 : i32
      %mul3A_116 = arith.muli %add3A_114, %mul3A_115 : i32
      %dma_start3A_117 = tpu.memref_slice %arg20[%mul3A_116] : memref<1600xi32, #tpu.memory_space<vmem>> -> memref<80xi32, #tpu.memory_space<vmem>>
      %dma_start3A_118 = arith.constant 0 : i32
      %dma_start3A_119 = arith.constant 0 : i32
      %dma_start3A_120 = tpu.memref_slice %arg3[%dma_start3A_118, %dma_start3A_119] : memref<1000000x16xf32, #tpu.memory_space<hbm>> -> memref<1000000x16xf32, #tpu.memory_space<hbm>>
      tpu.enqueue_indirect_dma source(%dma_start3A_120 : memref<1000000x16xf32, #tpu.memory_space<hbm>>) target(%arg27 : memref<80x16xf32, #tpu.memory_space<vmem>>) offsets(%dma_start3A_117 : memref<80xi32, #tpu.memory_space<vmem>>) semaphore(%arg37 : memref<!tpu.dma_semaphore, #tpu.memory_space<semaphore_mem>>)
      %mul3A_121 = arith.constant 4 : i32
      %mul3A_122 = arith.muli %mul3A_121, %scan3A_49 : i32
      %add3A_123 = arith.constant 3 : i32
      %add3A_124 = arith.addi %mul3A_122, %add3A_123 : i32
      %mul3A_125 = arith.constant 80 : i32
      %mul3A_126 = arith.muli %add3A_124, %mul3A_125 : i32
      %dma_start3A_127 = tpu.memref_slice %arg20[%mul3A_126] : memref<1600xi32, #tpu.memory_space<vmem>> -> memref<80xi32, #tpu.memory_space<vmem>>
      %dma_start3A_128 = arith.constant 0 : i32
      %dma_start3A_129 = arith.constant 0 : i32
      %dma_start3A_130 = tpu.memref_slice %arg3[%dma_start3A_128, %dma_start3A_129] : memref<1000000x16xf32, #tpu.memory_space<hbm>> -> memref<1000000x16xf32, #tpu.memory_space<hbm>>
      tpu.enqueue_indirect_dma source(%dma_start3A_130 : memref<1000000x16xf32, #tpu.memory_space<hbm>>) target(%arg28 : memref<80x16xf32, #tpu.memory_space<vmem>>) offsets(%dma_start3A_127 : memref<80xi32, #tpu.memory_space<vmem>>) semaphore(%arg38 : memref<!tpu.dma_semaphore, #tpu.memory_space<semaphore_mem>>)
      %mul3A_131 = arith.constant 1600 : i32
      %mul3A_132 = arith.muli %add3A, %mul3A_131 : i32
      %mul3A_133 = arith.constant 4 : i32
      %mul3A_134 = arith.muli %mul3A_133, %scan3A_49 : i32
      %add3A_135 = arith.constant 0 : i32
      %add3A_136 = arith.addi %mul3A_134, %add3A_135 : i32
      %mul3A_137 = arith.constant 80 : i32
      %mul3A_138 = arith.muli %add3A_136, %mul3A_137 : i32
      %add3A_139 = arith.addi %mul3A_132, %mul3A_138 : i32
      %dma_wait3A_140 = tpu.memref_slice %arg19[%mul3A_56] : memref<1600xi32, #tpu.memory_space<vmem>> -> memref<80xi32, #tpu.memory_space<vmem>>
      %dma_wait3A_141 = arith.constant 0 : i32
      %dma_wait3A_142 = arith.constant 0 : i32
      %dma_wait3A_143 = tpu.memref_slice %arg2[%dma_wait3A_141, %dma_wait3A_142] : memref<100000x80xf32, #tpu.memory_space<hbm>> -> memref<100000x80xf32, #tpu.memory_space<hbm>>
      tpu.wait_indirect_dma semaphore(%arg31 : memref<!tpu.dma_semaphore, #tpu.memory_space<semaphore_mem>>) src(%dma_wait3A_143 : memref<100000x80xf32, #tpu.memory_space<hbm>>) dst(%arg21 : memref<80x80xf32, #tpu.memory_space<vmem>>)
      "tpu.region"() ({
        %run_scoped3A = tpu.sem_alloc : memref<!tpu.dma_semaphore, #tpu.memory_space<semaphore_mem>>
        %dma_start3A_200 = arith.constant 0 : i32
        %dma_start3A_201 = tpu.memref_slice %arg12[%add3A_139, %dma_start3A_200] : memref<51200x80xf32, #tpu.memory_space<hbm>> -> memref<80x80xf32, #tpu.memory_space<hbm>>
        %dma_start3A_202 = arith.constant 0 : i32
        %dma_start3A_203 = tpu.memref_slice %arg12[%add3A_139, %dma_start3A_202] : memref<51200x80xf32, #tpu.memory_space<hbm>> -> memref<80x80xf32, #tpu.memory_space<hbm>>
        tpu.enqueue_dma source(%arg21 : memref<80x80xf32, #tpu.memory_space<vmem>>) target(%dma_start3A_203 : memref<80x80xf32, #tpu.memory_space<hbm>>) target_semaphore(%run_scoped3A : memref<!tpu.dma_semaphore, #tpu.memory_space<semaphore_mem>>)
        %dma_wait3A_204 = arith.constant 0 : i32
        %dma_wait3A_205 = tpu.memref_slice %arg12[%add3A_139, %dma_wait3A_204] : memref<51200x80xf32, #tpu.memory_space<hbm>> -> memref<80x80xf32, #tpu.memory_space<hbm>>
        %dma_wait3A_206 = arith.constant 0 : i32
        %dma_wait3A_207 = tpu.memref_slice %arg12[%add3A_139, %dma_wait3A_206] : memref<51200x80xf32, #tpu.memory_space<hbm>> -> memref<80x80xf32, #tpu.memory_space<hbm>>
        tpu.wait_dma2 semaphore(%run_scoped3A : memref<!tpu.dma_semaphore, #tpu.memory_space<semaphore_mem>>) src(%arg21 : memref<80x80xf32, #tpu.memory_space<vmem>>) dst(%dma_wait3A_207 : memref<80x80xf32, #tpu.memory_space<hbm>>)
        tpu.yield
      }) : () -> ()
      %dma_wait3A_144 = tpu.memref_slice %arg20[%mul3A_96] : memref<1600xi32, #tpu.memory_space<vmem>> -> memref<80xi32, #tpu.memory_space<vmem>>
      %dma_wait3A_145 = arith.constant 0 : i32
      %dma_wait3A_146 = arith.constant 0 : i32
      %dma_wait3A_147 = tpu.memref_slice %arg3[%dma_wait3A_145, %dma_wait3A_146] : memref<1000000x16xf32, #tpu.memory_space<hbm>> -> memref<1000000x16xf32, #tpu.memory_space<hbm>>
      tpu.wait_indirect_dma semaphore(%arg35 : memref<!tpu.dma_semaphore, #tpu.memory_space<semaphore_mem>>) src(%dma_wait3A_147 : memref<1000000x16xf32, #tpu.memory_space<hbm>>) dst(%arg25 : memref<80x16xf32, #tpu.memory_space<vmem>>)
      "tpu.region"() ({
        %run_scoped3A = tpu.sem_alloc : memref<!tpu.dma_semaphore, #tpu.memory_space<semaphore_mem>>
        %dma_start3A_200 = arith.constant 0 : i32
        %dma_start3A_201 = tpu.memref_slice %arg14[%add3A_139, %dma_start3A_200] : memref<51200x16xf32, #tpu.memory_space<hbm>> -> memref<80x16xf32, #tpu.memory_space<hbm>>
        %dma_start3A_202 = arith.constant 0 : i32
        %dma_start3A_203 = tpu.memref_slice %arg14[%add3A_139, %dma_start3A_202] : memref<51200x16xf32, #tpu.memory_space<hbm>> -> memref<80x16xf32, #tpu.memory_space<hbm>>
        tpu.enqueue_dma source(%arg25 : memref<80x16xf32, #tpu.memory_space<vmem>>) target(%dma_start3A_203 : memref<80x16xf32, #tpu.memory_space<hbm>>) target_semaphore(%run_scoped3A : memref<!tpu.dma_semaphore, #tpu.memory_space<semaphore_mem>>)
        %dma_wait3A_204 = arith.constant 0 : i32
        %dma_wait3A_205 = tpu.memref_slice %arg14[%add3A_139, %dma_wait3A_204] : memref<51200x16xf32, #tpu.memory_space<hbm>> -> memref<80x16xf32, #tpu.memory_space<hbm>>
        %dma_wait3A_206 = arith.constant 0 : i32
        %dma_wait3A_207 = tpu.memref_slice %arg14[%add3A_139, %dma_wait3A_206] : memref<51200x16xf32, #tpu.memory_space<hbm>> -> memref<80x16xf32, #tpu.memory_space<hbm>>
        tpu.wait_dma2 semaphore(%run_scoped3A : memref<!tpu.dma_semaphore, #tpu.memory_space<semaphore_mem>>) src(%arg25 : memref<80x16xf32, #tpu.memory_space<vmem>>) dst(%dma_wait3A_207 : memref<80x16xf32, #tpu.memory_space<hbm>>)
        tpu.yield
      }) : () -> ()
      %mul3A_148 = arith.constant 1600 : i32
      %mul3A_149 = arith.muli %add3A, %mul3A_148 : i32
      %mul3A_150 = arith.constant 4 : i32
      %mul3A_151 = arith.muli %mul3A_150, %scan3A_49 : i32
      %add3A_152 = arith.constant 1 : i32
      %add3A_153 = arith.addi %mul3A_151, %add3A_152 : i32
      %mul3A_154 = arith.constant 80 : i32
      %mul3A_155 = arith.muli %add3A_153, %mul3A_154 : i32
      %add3A_156 = arith.addi %mul3A_149, %mul3A_155 : i32
      %dma_wait3A_157 = tpu.memref_slice %arg19[%mul3A_66] : memref<1600xi32, #tpu.memory_space<vmem>> -> memref<80xi32, #tpu.memory_space<vmem>>
      %dma_wait3A_158 = arith.constant 0 : i32
      %dma_wait3A_159 = arith.constant 0 : i32
      %dma_wait3A_160 = tpu.memref_slice %arg2[%dma_wait3A_158, %dma_wait3A_159] : memref<100000x80xf32, #tpu.memory_space<hbm>> -> memref<100000x80xf32, #tpu.memory_space<hbm>>
      tpu.wait_indirect_dma semaphore(%arg32 : memref<!tpu.dma_semaphore, #tpu.memory_space<semaphore_mem>>) src(%dma_wait3A_160 : memref<100000x80xf32, #tpu.memory_space<hbm>>) dst(%arg22 : memref<80x80xf32, #tpu.memory_space<vmem>>)
      "tpu.region"() ({
        %run_scoped3A = tpu.sem_alloc : memref<!tpu.dma_semaphore, #tpu.memory_space<semaphore_mem>>
        %dma_start3A_200 = arith.constant 0 : i32
        %dma_start3A_201 = tpu.memref_slice %arg12[%add3A_156, %dma_start3A_200] : memref<51200x80xf32, #tpu.memory_space<hbm>> -> memref<80x80xf32, #tpu.memory_space<hbm>>
        %dma_start3A_202 = arith.constant 0 : i32
        %dma_start3A_203 = tpu.memref_slice %arg12[%add3A_156, %dma_start3A_202] : memref<51200x80xf32, #tpu.memory_space<hbm>> -> memref<80x80xf32, #tpu.memory_space<hbm>>
        tpu.enqueue_dma source(%arg22 : memref<80x80xf32, #tpu.memory_space<vmem>>) target(%dma_start3A_203 : memref<80x80xf32, #tpu.memory_space<hbm>>) target_semaphore(%run_scoped3A : memref<!tpu.dma_semaphore, #tpu.memory_space<semaphore_mem>>)
        %dma_wait3A_204 = arith.constant 0 : i32
        %dma_wait3A_205 = tpu.memref_slice %arg12[%add3A_156, %dma_wait3A_204] : memref<51200x80xf32, #tpu.memory_space<hbm>> -> memref<80x80xf32, #tpu.memory_space<hbm>>
        %dma_wait3A_206 = arith.constant 0 : i32
        %dma_wait3A_207 = tpu.memref_slice %arg12[%add3A_156, %dma_wait3A_206] : memref<51200x80xf32, #tpu.memory_space<hbm>> -> memref<80x80xf32, #tpu.memory_space<hbm>>
        tpu.wait_dma2 semaphore(%run_scoped3A : memref<!tpu.dma_semaphore, #tpu.memory_space<semaphore_mem>>) src(%arg22 : memref<80x80xf32, #tpu.memory_space<vmem>>) dst(%dma_wait3A_207 : memref<80x80xf32, #tpu.memory_space<hbm>>)
        tpu.yield
      }) : () -> ()
      %dma_wait3A_161 = tpu.memref_slice %arg20[%mul3A_106] : memref<1600xi32, #tpu.memory_space<vmem>> -> memref<80xi32, #tpu.memory_space<vmem>>
      %dma_wait3A_162 = arith.constant 0 : i32
      %dma_wait3A_163 = arith.constant 0 : i32
      %dma_wait3A_164 = tpu.memref_slice %arg3[%dma_wait3A_162, %dma_wait3A_163] : memref<1000000x16xf32, #tpu.memory_space<hbm>> -> memref<1000000x16xf32, #tpu.memory_space<hbm>>
      tpu.wait_indirect_dma semaphore(%arg36 : memref<!tpu.dma_semaphore, #tpu.memory_space<semaphore_mem>>) src(%dma_wait3A_164 : memref<1000000x16xf32, #tpu.memory_space<hbm>>) dst(%arg26 : memref<80x16xf32, #tpu.memory_space<vmem>>)
      "tpu.region"() ({
        %run_scoped3A = tpu.sem_alloc : memref<!tpu.dma_semaphore, #tpu.memory_space<semaphore_mem>>
        %dma_start3A_200 = arith.constant 0 : i32
        %dma_start3A_201 = tpu.memref_slice %arg14[%add3A_156, %dma_start3A_200] : memref<51200x16xf32, #tpu.memory_space<hbm>> -> memref<80x16xf32, #tpu.memory_space<hbm>>
        %dma_start3A_202 = arith.constant 0 : i32
        %dma_start3A_203 = tpu.memref_slice %arg14[%add3A_156, %dma_start3A_202] : memref<51200x16xf32, #tpu.memory_space<hbm>> -> memref<80x16xf32, #tpu.memory_space<hbm>>
        tpu.enqueue_dma source(%arg26 : memref<80x16xf32, #tpu.memory_space<vmem>>) target(%dma_start3A_203 : memref<80x16xf32, #tpu.memory_space<hbm>>) target_semaphore(%run_scoped3A : memref<!tpu.dma_semaphore, #tpu.memory_space<semaphore_mem>>)
        %dma_wait3A_204 = arith.constant 0 : i32
        %dma_wait3A_205 = tpu.memref_slice %arg14[%add3A_156, %dma_wait3A_204] : memref<51200x16xf32, #tpu.memory_space<hbm>> -> memref<80x16xf32, #tpu.memory_space<hbm>>
        %dma_wait3A_206 = arith.constant 0 : i32
        %dma_wait3A_207 = tpu.memref_slice %arg14[%add3A_156, %dma_wait3A_206] : memref<51200x16xf32, #tpu.memory_space<hbm>> -> memref<80x16xf32, #tpu.memory_space<hbm>>
        tpu.wait_dma2 semaphore(%run_scoped3A : memref<!tpu.dma_semaphore, #tpu.memory_space<semaphore_mem>>) src(%arg26 : memref<80x16xf32, #tpu.memory_space<vmem>>) dst(%dma_wait3A_207 : memref<80x16xf32, #tpu.memory_space<hbm>>)
        tpu.yield
      }) : () -> ()
      %mul3A_165 = arith.constant 1600 : i32
      %mul3A_166 = arith.muli %add3A, %mul3A_165 : i32
      %mul3A_167 = arith.constant 4 : i32
      %mul3A_168 = arith.muli %mul3A_167, %scan3A_49 : i32
      %add3A_169 = arith.constant 2 : i32
      %add3A_170 = arith.addi %mul3A_168, %add3A_169 : i32
      %mul3A_171 = arith.constant 80 : i32
      %mul3A_172 = arith.muli %add3A_170, %mul3A_171 : i32
      %add3A_173 = arith.addi %mul3A_166, %mul3A_172 : i32
      %dma_wait3A_174 = tpu.memref_slice %arg19[%mul3A_76] : memref<1600xi32, #tpu.memory_space<vmem>> -> memref<80xi32, #tpu.memory_space<vmem>>
      %dma_wait3A_175 = arith.constant 0 : i32
      %dma_wait3A_176 = arith.constant 0 : i32
      %dma_wait3A_177 = tpu.memref_slice %arg2[%dma_wait3A_175, %dma_wait3A_176] : memref<100000x80xf32, #tpu.memory_space<hbm>> -> memref<100000x80xf32, #tpu.memory_space<hbm>>
      tpu.wait_indirect_dma semaphore(%arg33 : memref<!tpu.dma_semaphore, #tpu.memory_space<semaphore_mem>>) src(%dma_wait3A_177 : memref<100000x80xf32, #tpu.memory_space<hbm>>) dst(%arg23 : memref<80x80xf32, #tpu.memory_space<vmem>>)
      "tpu.region"() ({
        %run_scoped3A = tpu.sem_alloc : memref<!tpu.dma_semaphore, #tpu.memory_space<semaphore_mem>>
        %dma_start3A_200 = arith.constant 0 : i32
        %dma_start3A_201 = tpu.memref_slice %arg12[%add3A_173, %dma_start3A_200] : memref<51200x80xf32, #tpu.memory_space<hbm>> -> memref<80x80xf32, #tpu.memory_space<hbm>>
        %dma_start3A_202 = arith.constant 0 : i32
        %dma_start3A_203 = tpu.memref_slice %arg12[%add3A_173, %dma_start3A_202] : memref<51200x80xf32, #tpu.memory_space<hbm>> -> memref<80x80xf32, #tpu.memory_space<hbm>>
        tpu.enqueue_dma source(%arg23 : memref<80x80xf32, #tpu.memory_space<vmem>>) target(%dma_start3A_203 : memref<80x80xf32, #tpu.memory_space<hbm>>) target_semaphore(%run_scoped3A : memref<!tpu.dma_semaphore, #tpu.memory_space<semaphore_mem>>)
        %dma_wait3A_204 = arith.constant 0 : i32
        %dma_wait3A_205 = tpu.memref_slice %arg12[%add3A_173, %dma_wait3A_204] : memref<51200x80xf32, #tpu.memory_space<hbm>> -> memref<80x80xf32, #tpu.memory_space<hbm>>
        %dma_wait3A_206 = arith.constant 0 : i32
        %dma_wait3A_207 = tpu.memref_slice %arg12[%add3A_173, %dma_wait3A_206] : memref<51200x80xf32, #tpu.memory_space<hbm>> -> memref<80x80xf32, #tpu.memory_space<hbm>>
        tpu.wait_dma2 semaphore(%run_scoped3A : memref<!tpu.dma_semaphore, #tpu.memory_space<semaphore_mem>>) src(%arg23 : memref<80x80xf32, #tpu.memory_space<vmem>>) dst(%dma_wait3A_207 : memref<80x80xf32, #tpu.memory_space<hbm>>)
        tpu.yield
      }) : () -> ()
      %dma_wait3A_178 = tpu.memref_slice %arg20[%mul3A_116] : memref<1600xi32, #tpu.memory_space<vmem>> -> memref<80xi32, #tpu.memory_space<vmem>>
      %dma_wait3A_179 = arith.constant 0 : i32
      %dma_wait3A_180 = arith.constant 0 : i32
      %dma_wait3A_181 = tpu.memref_slice %arg3[%dma_wait3A_179, %dma_wait3A_180] : memref<1000000x16xf32, #tpu.memory_space<hbm>> -> memref<1000000x16xf32, #tpu.memory_space<hbm>>
      tpu.wait_indirect_dma semaphore(%arg37 : memref<!tpu.dma_semaphore, #tpu.memory_space<semaphore_mem>>) src(%dma_wait3A_181 : memref<1000000x16xf32, #tpu.memory_space<hbm>>) dst(%arg27 : memref<80x16xf32, #tpu.memory_space<vmem>>)
      "tpu.region"() ({
        %run_scoped3A = tpu.sem_alloc : memref<!tpu.dma_semaphore, #tpu.memory_space<semaphore_mem>>
        %dma_start3A_200 = arith.constant 0 : i32
        %dma_start3A_201 = tpu.memref_slice %arg14[%add3A_173, %dma_start3A_200] : memref<51200x16xf32, #tpu.memory_space<hbm>> -> memref<80x16xf32, #tpu.memory_space<hbm>>
        %dma_start3A_202 = arith.constant 0 : i32
        %dma_start3A_203 = tpu.memref_slice %arg14[%add3A_173, %dma_start3A_202] : memref<51200x16xf32, #tpu.memory_space<hbm>> -> memref<80x16xf32, #tpu.memory_space<hbm>>
        tpu.enqueue_dma source(%arg27 : memref<80x16xf32, #tpu.memory_space<vmem>>) target(%dma_start3A_203 : memref<80x16xf32, #tpu.memory_space<hbm>>) target_semaphore(%run_scoped3A : memref<!tpu.dma_semaphore, #tpu.memory_space<semaphore_mem>>)
        %dma_wait3A_204 = arith.constant 0 : i32
        %dma_wait3A_205 = tpu.memref_slice %arg14[%add3A_173, %dma_wait3A_204] : memref<51200x16xf32, #tpu.memory_space<hbm>> -> memref<80x16xf32, #tpu.memory_space<hbm>>
        %dma_wait3A_206 = arith.constant 0 : i32
        %dma_wait3A_207 = tpu.memref_slice %arg14[%add3A_173, %dma_wait3A_206] : memref<51200x16xf32, #tpu.memory_space<hbm>> -> memref<80x16xf32, #tpu.memory_space<hbm>>
        tpu.wait_dma2 semaphore(%run_scoped3A : memref<!tpu.dma_semaphore, #tpu.memory_space<semaphore_mem>>) src(%arg27 : memref<80x16xf32, #tpu.memory_space<vmem>>) dst(%dma_wait3A_207 : memref<80x16xf32, #tpu.memory_space<hbm>>)
        tpu.yield
      }) : () -> ()
      %mul3A_182 = arith.constant 1600 : i32
      %mul3A_183 = arith.muli %add3A, %mul3A_182 : i32
      %mul3A_184 = arith.constant 4 : i32
      %mul3A_185 = arith.muli %mul3A_184, %scan3A_49 : i32
      %add3A_186 = arith.constant 3 : i32
      %add3A_187 = arith.addi %mul3A_185, %add3A_186 : i32
      %mul3A_188 = arith.constant 80 : i32
      %mul3A_189 = arith.muli %add3A_187, %mul3A_188 : i32
      %add3A_190 = arith.addi %mul3A_183, %mul3A_189 : i32
      %dma_wait3A_191 = tpu.memref_slice %arg19[%mul3A_86] : memref<1600xi32, #tpu.memory_space<vmem>> -> memref<80xi32, #tpu.memory_space<vmem>>
      %dma_wait3A_192 = arith.constant 0 : i32
      %dma_wait3A_193 = arith.constant 0 : i32
      %dma_wait3A_194 = tpu.memref_slice %arg2[%dma_wait3A_192, %dma_wait3A_193] : memref<100000x80xf32, #tpu.memory_space<hbm>> -> memref<100000x80xf32, #tpu.memory_space<hbm>>
      tpu.wait_indirect_dma semaphore(%arg34 : memref<!tpu.dma_semaphore, #tpu.memory_space<semaphore_mem>>) src(%dma_wait3A_194 : memref<100000x80xf32, #tpu.memory_space<hbm>>) dst(%arg24 : memref<80x80xf32, #tpu.memory_space<vmem>>)
      "tpu.region"() ({
        %run_scoped3A = tpu.sem_alloc : memref<!tpu.dma_semaphore, #tpu.memory_space<semaphore_mem>>
        %dma_start3A_200 = arith.constant 0 : i32
        %dma_start3A_201 = tpu.memref_slice %arg12[%add3A_190, %dma_start3A_200] : memref<51200x80xf32, #tpu.memory_space<hbm>> -> memref<80x80xf32, #tpu.memory_space<hbm>>
        %dma_start3A_202 = arith.constant 0 : i32
        %dma_start3A_203 = tpu.memref_slice %arg12[%add3A_190, %dma_start3A_202] : memref<51200x80xf32, #tpu.memory_space<hbm>> -> memref<80x80xf32, #tpu.memory_space<hbm>>
        tpu.enqueue_dma source(%arg24 : memref<80x80xf32, #tpu.memory_space<vmem>>) target(%dma_start3A_203 : memref<80x80xf32, #tpu.memory_space<hbm>>) target_semaphore(%run_scoped3A : memref<!tpu.dma_semaphore, #tpu.memory_space<semaphore_mem>>)
        %dma_wait3A_204 = arith.constant 0 : i32
        %dma_wait3A_205 = tpu.memref_slice %arg12[%add3A_190, %dma_wait3A_204] : memref<51200x80xf32, #tpu.memory_space<hbm>> -> memref<80x80xf32, #tpu.memory_space<hbm>>
        %dma_wait3A_206 = arith.constant 0 : i32
        %dma_wait3A_207 = tpu.memref_slice %arg12[%add3A_190, %dma_wait3A_206] : memref<51200x80xf32, #tpu.memory_space<hbm>> -> memref<80x80xf32, #tpu.memory_space<hbm>>
        tpu.wait_dma2 semaphore(%run_scoped3A : memref<!tpu.dma_semaphore, #tpu.memory_space<semaphore_mem>>) src(%arg24 : memref<80x80xf32, #tpu.memory_space<vmem>>) dst(%dma_wait3A_207 : memref<80x80xf32, #tpu.memory_space<hbm>>)
        tpu.yield
      }) : () -> ()
      %dma_wait3A_195 = tpu.memref_slice %arg20[%mul3A_126] : memref<1600xi32, #tpu.memory_space<vmem>> -> memref<80xi32, #tpu.memory_space<vmem>>
      %dma_wait3A_196 = arith.constant 0 : i32
      %dma_wait3A_197 = arith.constant 0 : i32
      %dma_wait3A_198 = tpu.memref_slice %arg3[%dma_wait3A_196, %dma_wait3A_197] : memref<1000000x16xf32, #tpu.memory_space<hbm>> -> memref<1000000x16xf32, #tpu.memory_space<hbm>>
      tpu.wait_indirect_dma semaphore(%arg38 : memref<!tpu.dma_semaphore, #tpu.memory_space<semaphore_mem>>) src(%dma_wait3A_198 : memref<1000000x16xf32, #tpu.memory_space<hbm>>) dst(%arg28 : memref<80x16xf32, #tpu.memory_space<vmem>>)
      "tpu.region"() ({
        %run_scoped3A = tpu.sem_alloc : memref<!tpu.dma_semaphore, #tpu.memory_space<semaphore_mem>>
        %dma_start3A_200 = arith.constant 0 : i32
        %dma_start3A_201 = tpu.memref_slice %arg14[%add3A_190, %dma_start3A_200] : memref<51200x16xf32, #tpu.memory_space<hbm>> -> memref<80x16xf32, #tpu.memory_space<hbm>>
        %dma_start3A_202 = arith.constant 0 : i32
        %dma_start3A_203 = tpu.memref_slice %arg14[%add3A_190, %dma_start3A_202] : memref<51200x16xf32, #tpu.memory_space<hbm>> -> memref<80x16xf32, #tpu.memory_space<hbm>>
        tpu.enqueue_dma source(%arg28 : memref<80x16xf32, #tpu.memory_space<vmem>>) target(%dma_start3A_203 : memref<80x16xf32, #tpu.memory_space<hbm>>) target_semaphore(%run_scoped3A : memref<!tpu.dma_semaphore, #tpu.memory_space<semaphore_mem>>)
        %dma_wait3A_204 = arith.constant 0 : i32
        %dma_wait3A_205 = tpu.memref_slice %arg14[%add3A_190, %dma_wait3A_204] : memref<51200x16xf32, #tpu.memory_space<hbm>> -> memref<80x16xf32, #tpu.memory_space<hbm>>
        %dma_wait3A_206 = arith.constant 0 : i32
        %dma_wait3A_207 = tpu.memref_slice %arg14[%add3A_190, %dma_wait3A_206] : memref<51200x16xf32, #tpu.memory_space<hbm>> -> memref<80x16xf32, #tpu.memory_space<hbm>>
        tpu.wait_dma2 semaphore(%run_scoped3A : memref<!tpu.dma_semaphore, #tpu.memory_space<semaphore_mem>>) src(%arg28 : memref<80x16xf32, #tpu.memory_space<vmem>>) dst(%dma_wait3A_207 : memref<80x16xf32, #tpu.memory_space<hbm>>)
        tpu.yield
      }) : () -> ()
      %scan3A_199 = arith.constant 0 : i32
      scf.yield %scan3A_199 : i32
    }
    %scan3A_19 = arith.constant 5 : i32
    %mul3A_20 = arith.constant 1600 : i32
    %mul3A_21 = arith.muli %add3A, %mul3A_20 : i32
    "tpu.region"() ({
      %run_scoped3A = tpu.sem_alloc : memref<!tpu.dma_semaphore, #tpu.memory_space<semaphore_mem>>
      %dma_start3A_49 = tpu.memref_slice %arg7[%mul3A_21] : memref<51200xi32, #tpu.memory_space<hbm>> -> memref<1600xi32, #tpu.memory_space<hbm>>
      %dma_start3A_50 = tpu.memref_slice %arg7[%mul3A_21] : memref<51200xi32, #tpu.memory_space<hbm>> -> memref<1600xi32, #tpu.memory_space<hbm>>
      tpu.enqueue_dma source(%dma_start3A_50 : memref<1600xi32, #tpu.memory_space<hbm>>) target(%arg19 : memref<1600xi32, #tpu.memory_space<vmem>>) target_semaphore(%run_scoped3A : memref<!tpu.dma_semaphore, #tpu.memory_space<semaphore_mem>>)
      %dma_wait3A_51 = tpu.memref_slice %arg7[%mul3A_21] : memref<51200xi32, #tpu.memory_space<hbm>> -> memref<1600xi32, #tpu.memory_space<hbm>>
      %dma_wait3A_52 = tpu.memref_slice %arg7[%mul3A_21] : memref<51200xi32, #tpu.memory_space<hbm>> -> memref<1600xi32, #tpu.memory_space<hbm>>
      tpu.wait_dma2 semaphore(%run_scoped3A : memref<!tpu.dma_semaphore, #tpu.memory_space<semaphore_mem>>) src(%dma_wait3A_52 : memref<1600xi32, #tpu.memory_space<hbm>>) dst(%arg19 : memref<1600xi32, #tpu.memory_space<vmem>>)
      tpu.yield
    }) : () -> ()
    %mul3A_22 = arith.constant 1600 : i32
    %mul3A_23 = arith.muli %add3A, %mul3A_22 : i32
    "tpu.region"() ({
      %run_scoped3A = tpu.sem_alloc : memref<!tpu.dma_semaphore, #tpu.memory_space<semaphore_mem>>
      %dma_start3A_49 = tpu.memref_slice %arg8[%mul3A_23] : memref<51200xi32, #tpu.memory_space<hbm>> -> memref<1600xi32, #tpu.memory_space<hbm>>
      %dma_start3A_50 = tpu.memref_slice %arg8[%mul3A_23] : memref<51200xi32, #tpu.memory_space<hbm>> -> memref<1600xi32, #tpu.memory_space<hbm>>
      tpu.enqueue_dma source(%dma_start3A_50 : memref<1600xi32, #tpu.memory_space<hbm>>) target(%arg20 : memref<1600xi32, #tpu.memory_space<vmem>>) target_semaphore(%run_scoped3A : memref<!tpu.dma_semaphore, #tpu.memory_space<semaphore_mem>>)
      %dma_wait3A_51 = tpu.memref_slice %arg8[%mul3A_23] : memref<51200xi32, #tpu.memory_space<hbm>> -> memref<1600xi32, #tpu.memory_space<hbm>>
      %dma_wait3A_52 = tpu.memref_slice %arg8[%mul3A_23] : memref<51200xi32, #tpu.memory_space<hbm>> -> memref<1600xi32, #tpu.memory_space<hbm>>
      tpu.wait_dma2 semaphore(%run_scoped3A : memref<!tpu.dma_semaphore, #tpu.memory_space<semaphore_mem>>) src(%dma_wait3A_52 : memref<1600xi32, #tpu.memory_space<hbm>>) dst(%arg20 : memref<1600xi32, #tpu.memory_space<vmem>>)
      tpu.yield
    }) : () -> ()
    %scan3A_24 = arith.constant 0 : i32
    %scan3A_25 = arith.constant 0 : i32
    %scan3A_26 = arith.constant 5 : i32
    %scan3A_27 = arith.addi %scan3A_25, %scan3A_26 : i32
    %scan3A_28 = arith.constant 1 : i32
    %scan3A_29 = scf.for %scan3A_49 = %scan3A_25 to %scan3A_27 step %scan3A_28 iter_args(%scan3A_50 = %scan3A_24) -> (i32)  : i32 {
      %mul3A_51 = arith.constant 4 : i32
      %mul3A_52 = arith.muli %mul3A_51, %scan3A_49 : i32
      %add3A_53 = arith.constant 0 : i32
      %add3A_54 = arith.addi %mul3A_52, %add3A_53 : i32
      %mul3A_55 = arith.constant 80 : i32
      %mul3A_56 = arith.muli %add3A_54, %mul3A_55 : i32
      %dma_start3A_57 = tpu.memref_slice %arg19[%mul3A_56] : memref<1600xi32, #tpu.memory_space<vmem>> -> memref<80xi32, #tpu.memory_space<vmem>>
      %dma_start3A_58 = arith.constant 0 : i32
      %dma_start3A_59 = arith.constant 0 : i32
      %dma_start3A_60 = tpu.memref_slice %arg2[%dma_start3A_58, %dma_start3A_59] : memref<100000x80xf32, #tpu.memory_space<hbm>> -> memref<100000x80xf32, #tpu.memory_space<hbm>>
      tpu.enqueue_indirect_dma source(%dma_start3A_60 : memref<100000x80xf32, #tpu.memory_space<hbm>>) target(%arg21 : memref<80x80xf32, #tpu.memory_space<vmem>>) offsets(%dma_start3A_57 : memref<80xi32, #tpu.memory_space<vmem>>) semaphore(%arg31 : memref<!tpu.dma_semaphore, #tpu.memory_space<semaphore_mem>>)
      %mul3A_61 = arith.constant 4 : i32
      %mul3A_62 = arith.muli %mul3A_61, %scan3A_49 : i32
      %add3A_63 = arith.constant 1 : i32
      %add3A_64 = arith.addi %mul3A_62, %add3A_63 : i32
      %mul3A_65 = arith.constant 80 : i32
      %mul3A_66 = arith.muli %add3A_64, %mul3A_65 : i32
      %dma_start3A_67 = tpu.memref_slice %arg19[%mul3A_66] : memref<1600xi32, #tpu.memory_space<vmem>> -> memref<80xi32, #tpu.memory_space<vmem>>
      %dma_start3A_68 = arith.constant 0 : i32
      %dma_start3A_69 = arith.constant 0 : i32
      %dma_start3A_70 = tpu.memref_slice %arg2[%dma_start3A_68, %dma_start3A_69] : memref<100000x80xf32, #tpu.memory_space<hbm>> -> memref<100000x80xf32, #tpu.memory_space<hbm>>
      tpu.enqueue_indirect_dma source(%dma_start3A_70 : memref<100000x80xf32, #tpu.memory_space<hbm>>) target(%arg22 : memref<80x80xf32, #tpu.memory_space<vmem>>) offsets(%dma_start3A_67 : memref<80xi32, #tpu.memory_space<vmem>>) semaphore(%arg32 : memref<!tpu.dma_semaphore, #tpu.memory_space<semaphore_mem>>)
      %mul3A_71 = arith.constant 4 : i32
      %mul3A_72 = arith.muli %mul3A_71, %scan3A_49 : i32
      %add3A_73 = arith.constant 2 : i32
      %add3A_74 = arith.addi %mul3A_72, %add3A_73 : i32
      %mul3A_75 = arith.constant 80 : i32
      %mul3A_76 = arith.muli %add3A_74, %mul3A_75 : i32
      %dma_start3A_77 = tpu.memref_slice %arg19[%mul3A_76] : memref<1600xi32, #tpu.memory_space<vmem>> -> memref<80xi32, #tpu.memory_space<vmem>>
      %dma_start3A_78 = arith.constant 0 : i32
      %dma_start3A_79 = arith.constant 0 : i32
      %dma_start3A_80 = tpu.memref_slice %arg2[%dma_start3A_78, %dma_start3A_79] : memref<100000x80xf32, #tpu.memory_space<hbm>> -> memref<100000x80xf32, #tpu.memory_space<hbm>>
      tpu.enqueue_indirect_dma source(%dma_start3A_80 : memref<100000x80xf32, #tpu.memory_space<hbm>>) target(%arg23 : memref<80x80xf32, #tpu.memory_space<vmem>>) offsets(%dma_start3A_77 : memref<80xi32, #tpu.memory_space<vmem>>) semaphore(%arg33 : memref<!tpu.dma_semaphore, #tpu.memory_space<semaphore_mem>>)
      %mul3A_81 = arith.constant 4 : i32
      %mul3A_82 = arith.muli %mul3A_81, %scan3A_49 : i32
      %add3A_83 = arith.constant 3 : i32
      %add3A_84 = arith.addi %mul3A_82, %add3A_83 : i32
      %mul3A_85 = arith.constant 80 : i32
      %mul3A_86 = arith.muli %add3A_84, %mul3A_85 : i32
      %dma_start3A_87 = tpu.memref_slice %arg19[%mul3A_86] : memref<1600xi32, #tpu.memory_space<vmem>> -> memref<80xi32, #tpu.memory_space<vmem>>
      %dma_start3A_88 = arith.constant 0 : i32
      %dma_start3A_89 = arith.constant 0 : i32
      %dma_start3A_90 = tpu.memref_slice %arg2[%dma_start3A_88, %dma_start3A_89] : memref<100000x80xf32, #tpu.memory_space<hbm>> -> memref<100000x80xf32, #tpu.memory_space<hbm>>
      tpu.enqueue_indirect_dma source(%dma_start3A_90 : memref<100000x80xf32, #tpu.memory_space<hbm>>) target(%arg24 : memref<80x80xf32, #tpu.memory_space<vmem>>) offsets(%dma_start3A_87 : memref<80xi32, #tpu.memory_space<vmem>>) semaphore(%arg34 : memref<!tpu.dma_semaphore, #tpu.memory_space<semaphore_mem>>)
      %mul3A_91 = arith.constant 4 : i32
      %mul3A_92 = arith.muli %mul3A_91, %scan3A_49 : i32
      %add3A_93 = arith.constant 0 : i32
      %add3A_94 = arith.addi %mul3A_92, %add3A_93 : i32
      %mul3A_95 = arith.constant 80 : i32
      %mul3A_96 = arith.muli %add3A_94, %mul3A_95 : i32
      %dma_start3A_97 = tpu.memref_slice %arg20[%mul3A_96] : memref<1600xi32, #tpu.memory_space<vmem>> -> memref<80xi32, #tpu.memory_space<vmem>>
      %dma_start3A_98 = arith.constant 0 : i32
      %dma_start3A_99 = arith.constant 0 : i32
      %dma_start3A_100 = tpu.memref_slice %arg3[%dma_start3A_98, %dma_start3A_99] : memref<1000000x16xf32, #tpu.memory_space<hbm>> -> memref<1000000x16xf32, #tpu.memory_space<hbm>>
      tpu.enqueue_indirect_dma source(%dma_start3A_100 : memref<1000000x16xf32, #tpu.memory_space<hbm>>) target(%arg25 : memref<80x16xf32, #tpu.memory_space<vmem>>) offsets(%dma_start3A_97 : memref<80xi32, #tpu.memory_space<vmem>>) semaphore(%arg35 : memref<!tpu.dma_semaphore, #tpu.memory_space<semaphore_mem>>)
      %mul3A_101 = arith.constant 4 : i32
      %mul3A_102 = arith.muli %mul3A_101, %scan3A_49 : i32
      %add3A_103 = arith.constant 1 : i32
      %add3A_104 = arith.addi %mul3A_102, %add3A_103 : i32
      %mul3A_105 = arith.constant 80 : i32
      %mul3A_106 = arith.muli %add3A_104, %mul3A_105 : i32
      %dma_start3A_107 = tpu.memref_slice %arg20[%mul3A_106] : memref<1600xi32, #tpu.memory_space<vmem>> -> memref<80xi32, #tpu.memory_space<vmem>>
      %dma_start3A_108 = arith.constant 0 : i32
      %dma_start3A_109 = arith.constant 0 : i32
      %dma_start3A_110 = tpu.memref_slice %arg3[%dma_start3A_108, %dma_start3A_109] : memref<1000000x16xf32, #tpu.memory_space<hbm>> -> memref<1000000x16xf32, #tpu.memory_space<hbm>>
      tpu.enqueue_indirect_dma source(%dma_start3A_110 : memref<1000000x16xf32, #tpu.memory_space<hbm>>) target(%arg26 : memref<80x16xf32, #tpu.memory_space<vmem>>) offsets(%dma_start3A_107 : memref<80xi32, #tpu.memory_space<vmem>>) semaphore(%arg36 : memref<!tpu.dma_semaphore, #tpu.memory_space<semaphore_mem>>)
      %mul3A_111 = arith.constant 4 : i32
      %mul3A_112 = arith.muli %mul3A_111, %scan3A_49 : i32
      %add3A_113 = arith.constant 2 : i32
      %add3A_114 = arith.addi %mul3A_112, %add3A_113 : i32
      %mul3A_115 = arith.constant 80 : i32
      %mul3A_116 = arith.muli %add3A_114, %mul3A_115 : i32
      %dma_start3A_117 = tpu.memref_slice %arg20[%mul3A_116] : memref<1600xi32, #tpu.memory_space<vmem>> -> memref<80xi32, #tpu.memory_space<vmem>>
      %dma_start3A_118 = arith.constant 0 : i32
      %dma_start3A_119 = arith.constant 0 : i32
      %dma_start3A_120 = tpu.memref_slice %arg3[%dma_start3A_118, %dma_start3A_119] : memref<1000000x16xf32, #tpu.memory_space<hbm>> -> memref<1000000x16xf32, #tpu.memory_space<hbm>>
      tpu.enqueue_indirect_dma source(%dma_start3A_120 : memref<1000000x16xf32, #tpu.memory_space<hbm>>) target(%arg27 : memref<80x16xf32, #tpu.memory_space<vmem>>) offsets(%dma_start3A_117 : memref<80xi32, #tpu.memory_space<vmem>>) semaphore(%arg37 : memref<!tpu.dma_semaphore, #tpu.memory_space<semaphore_mem>>)
      %mul3A_121 = arith.constant 4 : i32
      %mul3A_122 = arith.muli %mul3A_121, %scan3A_49 : i32
      %add3A_123 = arith.constant 3 : i32
      %add3A_124 = arith.addi %mul3A_122, %add3A_123 : i32
      %mul3A_125 = arith.constant 80 : i32
      %mul3A_126 = arith.muli %add3A_124, %mul3A_125 : i32
      %dma_start3A_127 = tpu.memref_slice %arg20[%mul3A_126] : memref<1600xi32, #tpu.memory_space<vmem>> -> memref<80xi32, #tpu.memory_space<vmem>>
      %dma_start3A_128 = arith.constant 0 : i32
      %dma_start3A_129 = arith.constant 0 : i32
      %dma_start3A_130 = tpu.memref_slice %arg3[%dma_start3A_128, %dma_start3A_129] : memref<1000000x16xf32, #tpu.memory_space<hbm>> -> memref<1000000x16xf32, #tpu.memory_space<hbm>>
      tpu.enqueue_indirect_dma source(%dma_start3A_130 : memref<1000000x16xf32, #tpu.memory_space<hbm>>) target(%arg28 : memref<80x16xf32, #tpu.memory_space<vmem>>) offsets(%dma_start3A_127 : memref<80xi32, #tpu.memory_space<vmem>>) semaphore(%arg38 : memref<!tpu.dma_semaphore, #tpu.memory_space<semaphore_mem>>)
      %mul3A_131 = arith.constant 1600 : i32
      %mul3A_132 = arith.muli %add3A, %mul3A_131 : i32
      %mul3A_133 = arith.constant 4 : i32
      %mul3A_134 = arith.muli %mul3A_133, %scan3A_49 : i32
      %add3A_135 = arith.constant 0 : i32
      %add3A_136 = arith.addi %mul3A_134, %add3A_135 : i32
      %mul3A_137 = arith.constant 80 : i32
      %mul3A_138 = arith.muli %add3A_136, %mul3A_137 : i32
      %add3A_139 = arith.addi %mul3A_132, %mul3A_138 : i32
      %dma_wait3A_140 = tpu.memref_slice %arg19[%mul3A_56] : memref<1600xi32, #tpu.memory_space<vmem>> -> memref<80xi32, #tpu.memory_space<vmem>>
      %dma_wait3A_141 = arith.constant 0 : i32
      %dma_wait3A_142 = arith.constant 0 : i32
      %dma_wait3A_143 = tpu.memref_slice %arg2[%dma_wait3A_141, %dma_wait3A_142] : memref<100000x80xf32, #tpu.memory_space<hbm>> -> memref<100000x80xf32, #tpu.memory_space<hbm>>
      tpu.wait_indirect_dma semaphore(%arg31 : memref<!tpu.dma_semaphore, #tpu.memory_space<semaphore_mem>>) src(%dma_wait3A_143 : memref<100000x80xf32, #tpu.memory_space<hbm>>) dst(%arg21 : memref<80x80xf32, #tpu.memory_space<vmem>>)
      "tpu.region"() ({
        %run_scoped3A = tpu.sem_alloc : memref<!tpu.dma_semaphore, #tpu.memory_space<semaphore_mem>>
        %dma_start3A_200 = arith.constant 0 : i32
        %dma_start3A_201 = tpu.memref_slice %arg13[%add3A_139, %dma_start3A_200] : memref<51200x80xf32, #tpu.memory_space<hbm>> -> memref<80x80xf32, #tpu.memory_space<hbm>>
        %dma_start3A_202 = arith.constant 0 : i32
        %dma_start3A_203 = tpu.memref_slice %arg13[%add3A_139, %dma_start3A_202] : memref<51200x80xf32, #tpu.memory_space<hbm>> -> memref<80x80xf32, #tpu.memory_space<hbm>>
        tpu.enqueue_dma source(%arg21 : memref<80x80xf32, #tpu.memory_space<vmem>>) target(%dma_start3A_203 : memref<80x80xf32, #tpu.memory_space<hbm>>) target_semaphore(%run_scoped3A : memref<!tpu.dma_semaphore, #tpu.memory_space<semaphore_mem>>)
        %dma_wait3A_204 = arith.constant 0 : i32
        %dma_wait3A_205 = tpu.memref_slice %arg13[%add3A_139, %dma_wait3A_204] : memref<51200x80xf32, #tpu.memory_space<hbm>> -> memref<80x80xf32, #tpu.memory_space<hbm>>
        %dma_wait3A_206 = arith.constant 0 : i32
        %dma_wait3A_207 = tpu.memref_slice %arg13[%add3A_139, %dma_wait3A_206] : memref<51200x80xf32, #tpu.memory_space<hbm>> -> memref<80x80xf32, #tpu.memory_space<hbm>>
        tpu.wait_dma2 semaphore(%run_scoped3A : memref<!tpu.dma_semaphore, #tpu.memory_space<semaphore_mem>>) src(%arg21 : memref<80x80xf32, #tpu.memory_space<vmem>>) dst(%dma_wait3A_207 : memref<80x80xf32, #tpu.memory_space<hbm>>)
        tpu.yield
      }) : () -> ()
      %dma_wait3A_144 = tpu.memref_slice %arg20[%mul3A_96] : memref<1600xi32, #tpu.memory_space<vmem>> -> memref<80xi32, #tpu.memory_space<vmem>>
      %dma_wait3A_145 = arith.constant 0 : i32
      %dma_wait3A_146 = arith.constant 0 : i32
      %dma_wait3A_147 = tpu.memref_slice %arg3[%dma_wait3A_145, %dma_wait3A_146] : memref<1000000x16xf32, #tpu.memory_space<hbm>> -> memref<1000000x16xf32, #tpu.memory_space<hbm>>
      tpu.wait_indirect_dma semaphore(%arg35 : memref<!tpu.dma_semaphore, #tpu.memory_space<semaphore_mem>>) src(%dma_wait3A_147 : memref<1000000x16xf32, #tpu.memory_space<hbm>>) dst(%arg25 : memref<80x16xf32, #tpu.memory_space<vmem>>)
      "tpu.region"() ({
        %run_scoped3A = tpu.sem_alloc : memref<!tpu.dma_semaphore, #tpu.memory_space<semaphore_mem>>
        %dma_start3A_200 = arith.constant 0 : i32
        %dma_start3A_201 = tpu.memref_slice %arg15[%add3A_139, %dma_start3A_200] : memref<51200x16xf32, #tpu.memory_space<hbm>> -> memref<80x16xf32, #tpu.memory_space<hbm>>
        %dma_start3A_202 = arith.constant 0 : i32
        %dma_start3A_203 = tpu.memref_slice %arg15[%add3A_139, %dma_start3A_202] : memref<51200x16xf32, #tpu.memory_space<hbm>> -> memref<80x16xf32, #tpu.memory_space<hbm>>
        tpu.enqueue_dma source(%arg25 : memref<80x16xf32, #tpu.memory_space<vmem>>) target(%dma_start3A_203 : memref<80x16xf32, #tpu.memory_space<hbm>>) target_semaphore(%run_scoped3A : memref<!tpu.dma_semaphore, #tpu.memory_space<semaphore_mem>>)
        %dma_wait3A_204 = arith.constant 0 : i32
        %dma_wait3A_205 = tpu.memref_slice %arg15[%add3A_139, %dma_wait3A_204] : memref<51200x16xf32, #tpu.memory_space<hbm>> -> memref<80x16xf32, #tpu.memory_space<hbm>>
        %dma_wait3A_206 = arith.constant 0 : i32
        %dma_wait3A_207 = tpu.memref_slice %arg15[%add3A_139, %dma_wait3A_206] : memref<51200x16xf32, #tpu.memory_space<hbm>> -> memref<80x16xf32, #tpu.memory_space<hbm>>
        tpu.wait_dma2 semaphore(%run_scoped3A : memref<!tpu.dma_semaphore, #tpu.memory_space<semaphore_mem>>) src(%arg25 : memref<80x16xf32, #tpu.memory_space<vmem>>) dst(%dma_wait3A_207 : memref<80x16xf32, #tpu.memory_space<hbm>>)
        tpu.yield
      }) : () -> ()
      %mul3A_148 = arith.constant 1600 : i32
      %mul3A_149 = arith.muli %add3A, %mul3A_148 : i32
      %mul3A_150 = arith.constant 4 : i32
      %mul3A_151 = arith.muli %mul3A_150, %scan3A_49 : i32
      %add3A_152 = arith.constant 1 : i32
      %add3A_153 = arith.addi %mul3A_151, %add3A_152 : i32
      %mul3A_154 = arith.constant 80 : i32
      %mul3A_155 = arith.muli %add3A_153, %mul3A_154 : i32
      %add3A_156 = arith.addi %mul3A_149, %mul3A_155 : i32
      %dma_wait3A_157 = tpu.memref_slice %arg19[%mul3A_66] : memref<1600xi32, #tpu.memory_space<vmem>> -> memref<80xi32, #tpu.memory_space<vmem>>
      %dma_wait3A_158 = arith.constant 0 : i32
      %dma_wait3A_159 = arith.constant 0 : i32
      %dma_wait3A_160 = tpu.memref_slice %arg2[%dma_wait3A_158, %dma_wait3A_159] : memref<100000x80xf32, #tpu.memory_space<hbm>> -> memref<100000x80xf32, #tpu.memory_space<hbm>>
      tpu.wait_indirect_dma semaphore(%arg32 : memref<!tpu.dma_semaphore, #tpu.memory_space<semaphore_mem>>) src(%dma_wait3A_160 : memref<100000x80xf32, #tpu.memory_space<hbm>>) dst(%arg22 : memref<80x80xf32, #tpu.memory_space<vmem>>)
      "tpu.region"() ({
        %run_scoped3A = tpu.sem_alloc : memref<!tpu.dma_semaphore, #tpu.memory_space<semaphore_mem>>
        %dma_start3A_200 = arith.constant 0 : i32
        %dma_start3A_201 = tpu.memref_slice %arg13[%add3A_156, %dma_start3A_200] : memref<51200x80xf32, #tpu.memory_space<hbm>> -> memref<80x80xf32, #tpu.memory_space<hbm>>
        %dma_start3A_202 = arith.constant 0 : i32
        %dma_start3A_203 = tpu.memref_slice %arg13[%add3A_156, %dma_start3A_202] : memref<51200x80xf32, #tpu.memory_space<hbm>> -> memref<80x80xf32, #tpu.memory_space<hbm>>
        tpu.enqueue_dma source(%arg22 : memref<80x80xf32, #tpu.memory_space<vmem>>) target(%dma_start3A_203 : memref<80x80xf32, #tpu.memory_space<hbm>>) target_semaphore(%run_scoped3A : memref<!tpu.dma_semaphore, #tpu.memory_space<semaphore_mem>>)
        %dma_wait3A_204 = arith.constant 0 : i32
        %dma_wait3A_205 = tpu.memref_slice %arg13[%add3A_156, %dma_wait3A_204] : memref<51200x80xf32, #tpu.memory_space<hbm>> -> memref<80x80xf32, #tpu.memory_space<hbm>>
        %dma_wait3A_206 = arith.constant 0 : i32
        %dma_wait3A_207 = tpu.memref_slice %arg13[%add3A_156, %dma_wait3A_206] : memref<51200x80xf32, #tpu.memory_space<hbm>> -> memref<80x80xf32, #tpu.memory_space<hbm>>
        tpu.wait_dma2 semaphore(%run_scoped3A : memref<!tpu.dma_semaphore, #tpu.memory_space<semaphore_mem>>) src(%arg22 : memref<80x80xf32, #tpu.memory_space<vmem>>) dst(%dma_wait3A_207 : memref<80x80xf32, #tpu.memory_space<hbm>>)
        tpu.yield
      }) : () -> ()
      %dma_wait3A_161 = tpu.memref_slice %arg20[%mul3A_106] : memref<1600xi32, #tpu.memory_space<vmem>> -> memref<80xi32, #tpu.memory_space<vmem>>
      %dma_wait3A_162 = arith.constant 0 : i32
      %dma_wait3A_163 = arith.constant 0 : i32
      %dma_wait3A_164 = tpu.memref_slice %arg3[%dma_wait3A_162, %dma_wait3A_163] : memref<1000000x16xf32, #tpu.memory_space<hbm>> -> memref<1000000x16xf32, #tpu.memory_space<hbm>>
      tpu.wait_indirect_dma semaphore(%arg36 : memref<!tpu.dma_semaphore, #tpu.memory_space<semaphore_mem>>) src(%dma_wait3A_164 : memref<1000000x16xf32, #tpu.memory_space<hbm>>) dst(%arg26 : memref<80x16xf32, #tpu.memory_space<vmem>>)
      "tpu.region"() ({
        %run_scoped3A = tpu.sem_alloc : memref<!tpu.dma_semaphore, #tpu.memory_space<semaphore_mem>>
        %dma_start3A_200 = arith.constant 0 : i32
        %dma_start3A_201 = tpu.memref_slice %arg15[%add3A_156, %dma_start3A_200] : memref<51200x16xf32, #tpu.memory_space<hbm>> -> memref<80x16xf32, #tpu.memory_space<hbm>>
        %dma_start3A_202 = arith.constant 0 : i32
        %dma_start3A_203 = tpu.memref_slice %arg15[%add3A_156, %dma_start3A_202] : memref<51200x16xf32, #tpu.memory_space<hbm>> -> memref<80x16xf32, #tpu.memory_space<hbm>>
        tpu.enqueue_dma source(%arg26 : memref<80x16xf32, #tpu.memory_space<vmem>>) target(%dma_start3A_203 : memref<80x16xf32, #tpu.memory_space<hbm>>) target_semaphore(%run_scoped3A : memref<!tpu.dma_semaphore, #tpu.memory_space<semaphore_mem>>)
        %dma_wait3A_204 = arith.constant 0 : i32
        %dma_wait3A_205 = tpu.memref_slice %arg15[%add3A_156, %dma_wait3A_204] : memref<51200x16xf32, #tpu.memory_space<hbm>> -> memref<80x16xf32, #tpu.memory_space<hbm>>
        %dma_wait3A_206 = arith.constant 0 : i32
        %dma_wait3A_207 = tpu.memref_slice %arg15[%add3A_156, %dma_wait3A_206] : memref<51200x16xf32, #tpu.memory_space<hbm>> -> memref<80x16xf32, #tpu.memory_space<hbm>>
        tpu.wait_dma2 semaphore(%run_scoped3A : memref<!tpu.dma_semaphore, #tpu.memory_space<semaphore_mem>>) src(%arg26 : memref<80x16xf32, #tpu.memory_space<vmem>>) dst(%dma_wait3A_207 : memref<80x16xf32, #tpu.memory_space<hbm>>)
        tpu.yield
      }) : () -> ()
      %mul3A_165 = arith.constant 1600 : i32
      %mul3A_166 = arith.muli %add3A, %mul3A_165 : i32
      %mul3A_167 = arith.constant 4 : i32
      %mul3A_168 = arith.muli %mul3A_167, %scan3A_49 : i32
      %add3A_169 = arith.constant 2 : i32
      %add3A_170 = arith.addi %mul3A_168, %add3A_169 : i32
      %mul3A_171 = arith.constant 80 : i32
      %mul3A_172 = arith.muli %add3A_170, %mul3A_171 : i32
      %add3A_173 = arith.addi %mul3A_166, %mul3A_172 : i32
      %dma_wait3A_174 = tpu.memref_slice %arg19[%mul3A_76] : memref<1600xi32, #tpu.memory_space<vmem>> -> memref<80xi32, #tpu.memory_space<vmem>>
      %dma_wait3A_175 = arith.constant 0 : i32
      %dma_wait3A_176 = arith.constant 0 : i32
      %dma_wait3A_177 = tpu.memref_slice %arg2[%dma_wait3A_175, %dma_wait3A_176] : memref<100000x80xf32, #tpu.memory_space<hbm>> -> memref<100000x80xf32, #tpu.memory_space<hbm>>
      tpu.wait_indirect_dma semaphore(%arg33 : memref<!tpu.dma_semaphore, #tpu.memory_space<semaphore_mem>>) src(%dma_wait3A_177 : memref<100000x80xf32, #tpu.memory_space<hbm>>) dst(%arg23 : memref<80x80xf32, #tpu.memory_space<vmem>>)
      "tpu.region"() ({
        %run_scoped3A = tpu.sem_alloc : memref<!tpu.dma_semaphore, #tpu.memory_space<semaphore_mem>>
        %dma_start3A_200 = arith.constant 0 : i32
        %dma_start3A_201 = tpu.memref_slice %arg13[%add3A_173, %dma_start3A_200] : memref<51200x80xf32, #tpu.memory_space<hbm>> -> memref<80x80xf32, #tpu.memory_space<hbm>>
        %dma_start3A_202 = arith.constant 0 : i32
        %dma_start3A_203 = tpu.memref_slice %arg13[%add3A_173, %dma_start3A_202] : memref<51200x80xf32, #tpu.memory_space<hbm>> -> memref<80x80xf32, #tpu.memory_space<hbm>>
        tpu.enqueue_dma source(%arg23 : memref<80x80xf32, #tpu.memory_space<vmem>>) target(%dma_start3A_203 : memref<80x80xf32, #tpu.memory_space<hbm>>) target_semaphore(%run_scoped3A : memref<!tpu.dma_semaphore, #tpu.memory_space<semaphore_mem>>)
        %dma_wait3A_204 = arith.constant 0 : i32
        %dma_wait3A_205 = tpu.memref_slice %arg13[%add3A_173, %dma_wait3A_204] : memref<51200x80xf32, #tpu.memory_space<hbm>> -> memref<80x80xf32, #tpu.memory_space<hbm>>
        %dma_wait3A_206 = arith.constant 0 : i32
        %dma_wait3A_207 = tpu.memref_slice %arg13[%add3A_173, %dma_wait3A_206] : memref<51200x80xf32, #tpu.memory_space<hbm>> -> memref<80x80xf32, #tpu.memory_space<hbm>>
        tpu.wait_dma2 semaphore(%run_scoped3A : memref<!tpu.dma_semaphore, #tpu.memory_space<semaphore_mem>>) src(%arg23 : memref<80x80xf32, #tpu.memory_space<vmem>>) dst(%dma_wait3A_207 : memref<80x80xf32, #tpu.memory_space<hbm>>)
        tpu.yield
      }) : () -> ()
      %dma_wait3A_178 = tpu.memref_slice %arg20[%mul3A_116] : memref<1600xi32, #tpu.memory_space<vmem>> -> memref<80xi32, #tpu.memory_space<vmem>>
      %dma_wait3A_179 = arith.constant 0 : i32
      %dma_wait3A_180 = arith.constant 0 : i32
      %dma_wait3A_181 = tpu.memref_slice %arg3[%dma_wait3A_179, %dma_wait3A_180] : memref<1000000x16xf32, #tpu.memory_space<hbm>> -> memref<1000000x16xf32, #tpu.memory_space<hbm>>
      tpu.wait_indirect_dma semaphore(%arg37 : memref<!tpu.dma_semaphore, #tpu.memory_space<semaphore_mem>>) src(%dma_wait3A_181 : memref<1000000x16xf32, #tpu.memory_space<hbm>>) dst(%arg27 : memref<80x16xf32, #tpu.memory_space<vmem>>)
      "tpu.region"() ({
        %run_scoped3A = tpu.sem_alloc : memref<!tpu.dma_semaphore, #tpu.memory_space<semaphore_mem>>
        %dma_start3A_200 = arith.constant 0 : i32
        %dma_start3A_201 = tpu.memref_slice %arg15[%add3A_173, %dma_start3A_200] : memref<51200x16xf32, #tpu.memory_space<hbm>> -> memref<80x16xf32, #tpu.memory_space<hbm>>
        %dma_start3A_202 = arith.constant 0 : i32
        %dma_start3A_203 = tpu.memref_slice %arg15[%add3A_173, %dma_start3A_202] : memref<51200x16xf32, #tpu.memory_space<hbm>> -> memref<80x16xf32, #tpu.memory_space<hbm>>
        tpu.enqueue_dma source(%arg27 : memref<80x16xf32, #tpu.memory_space<vmem>>) target(%dma_start3A_203 : memref<80x16xf32, #tpu.memory_space<hbm>>) target_semaphore(%run_scoped3A : memref<!tpu.dma_semaphore, #tpu.memory_space<semaphore_mem>>)
        %dma_wait3A_204 = arith.constant 0 : i32
        %dma_wait3A_205 = tpu.memref_slice %arg15[%add3A_173, %dma_wait3A_204] : memref<51200x16xf32, #tpu.memory_space<hbm>> -> memref<80x16xf32, #tpu.memory_space<hbm>>
        %dma_wait3A_206 = arith.constant 0 : i32
        %dma_wait3A_207 = tpu.memref_slice %arg15[%add3A_173, %dma_wait3A_206] : memref<51200x16xf32, #tpu.memory_space<hbm>> -> memref<80x16xf32, #tpu.memory_space<hbm>>
        tpu.wait_dma2 semaphore(%run_scoped3A : memref<!tpu.dma_semaphore, #tpu.memory_space<semaphore_mem>>) src(%arg27 : memref<80x16xf32, #tpu.memory_space<vmem>>) dst(%dma_wait3A_207 : memref<80x16xf32, #tpu.memory_space<hbm>>)
        tpu.yield
      }) : () -> ()
      %mul3A_182 = arith.constant 1600 : i32
      %mul3A_183 = arith.muli %add3A, %mul3A_182 : i32
      %mul3A_184 = arith.constant 4 : i32
      %mul3A_185 = arith.muli %mul3A_184, %scan3A_49 : i32
      %add3A_186 = arith.constant 3 : i32
      %add3A_187 = arith.addi %mul3A_185, %add3A_186 : i32
      %mul3A_188 = arith.constant 80 : i32
      %mul3A_189 = arith.muli %add3A_187, %mul3A_188 : i32
      %add3A_190 = arith.addi %mul3A_183, %mul3A_189 : i32
      %dma_wait3A_191 = tpu.memref_slice %arg19[%mul3A_86] : memref<1600xi32, #tpu.memory_space<vmem>> -> memref<80xi32, #tpu.memory_space<vmem>>
      %dma_wait3A_192 = arith.constant 0 : i32
      %dma_wait3A_193 = arith.constant 0 : i32
      %dma_wait3A_194 = tpu.memref_slice %arg2[%dma_wait3A_192, %dma_wait3A_193] : memref<100000x80xf32, #tpu.memory_space<hbm>> -> memref<100000x80xf32, #tpu.memory_space<hbm>>
      tpu.wait_indirect_dma semaphore(%arg34 : memref<!tpu.dma_semaphore, #tpu.memory_space<semaphore_mem>>) src(%dma_wait3A_194 : memref<100000x80xf32, #tpu.memory_space<hbm>>) dst(%arg24 : memref<80x80xf32, #tpu.memory_space<vmem>>)
      "tpu.region"() ({
        %run_scoped3A = tpu.sem_alloc : memref<!tpu.dma_semaphore, #tpu.memory_space<semaphore_mem>>
        %dma_start3A_200 = arith.constant 0 : i32
        %dma_start3A_201 = tpu.memref_slice %arg13[%add3A_190, %dma_start3A_200] : memref<51200x80xf32, #tpu.memory_space<hbm>> -> memref<80x80xf32, #tpu.memory_space<hbm>>
        %dma_start3A_202 = arith.constant 0 : i32
        %dma_start3A_203 = tpu.memref_slice %arg13[%add3A_190, %dma_start3A_202] : memref<51200x80xf32, #tpu.memory_space<hbm>> -> memref<80x80xf32, #tpu.memory_space<hbm>>
        tpu.enqueue_dma source(%arg24 : memref<80x80xf32, #tpu.memory_space<vmem>>) target(%dma_start3A_203 : memref<80x80xf32, #tpu.memory_space<hbm>>) target_semaphore(%run_scoped3A : memref<!tpu.dma_semaphore, #tpu.memory_space<semaphore_mem>>)
        %dma_wait3A_204 = arith.constant 0 : i32
        %dma_wait3A_205 = tpu.memref_slice %arg13[%add3A_190, %dma_wait3A_204] : memref<51200x80xf32, #tpu.memory_space<hbm>> -> memref<80x80xf32, #tpu.memory_space<hbm>>
        %dma_wait3A_206 = arith.constant 0 : i32
        %dma_wait3A_207 = tpu.memref_slice %arg13[%add3A_190, %dma_wait3A_206] : memref<51200x80xf32, #tpu.memory_space<hbm>> -> memref<80x80xf32, #tpu.memory_space<hbm>>
        tpu.wait_dma2 semaphore(%run_scoped3A : memref<!tpu.dma_semaphore, #tpu.memory_space<semaphore_mem>>) src(%arg24 : memref<80x80xf32, #tpu.memory_space<vmem>>) dst(%dma_wait3A_207 : memref<80x80xf32, #tpu.memory_space<hbm>>)
        tpu.yield
      }) : () -> ()
      %dma_wait3A_195 = tpu.memref_slice %arg20[%mul3A_126] : memref<1600xi32, #tpu.memory_space<vmem>> -> memref<80xi32, #tpu.memory_space<vmem>>
      %dma_wait3A_196 = arith.constant 0 : i32
      %dma_wait3A_197 = arith.constant 0 : i32
      %dma_wait3A_198 = tpu.memref_slice %arg3[%dma_wait3A_196, %dma_wait3A_197] : memref<1000000x16xf32, #tpu.memory_space<hbm>> -> memref<1000000x16xf32, #tpu.memory_space<hbm>>
      tpu.wait_indirect_dma semaphore(%arg38 : memref<!tpu.dma_semaphore, #tpu.memory_space<semaphore_mem>>) src(%dma_wait3A_198 : memref<1000000x16xf32, #tpu.memory_space<hbm>>) dst(%arg28 : memref<80x16xf32, #tpu.memory_space<vmem>>)
      "tpu.region"() ({
        %run_scoped3A = tpu.sem_alloc : memref<!tpu.dma_semaphore, #tpu.memory_space<semaphore_mem>>
        %dma_start3A_200 = arith.constant 0 : i32
        %dma_start3A_201 = tpu.memref_slice %arg15[%add3A_190, %dma_start3A_200] : memref<51200x16xf32, #tpu.memory_space<hbm>> -> memref<80x16xf32, #tpu.memory_space<hbm>>
        %dma_start3A_202 = arith.constant 0 : i32
        %dma_start3A_203 = tpu.memref_slice %arg15[%add3A_190, %dma_start3A_202] : memref<51200x16xf32, #tpu.memory_space<hbm>> -> memref<80x16xf32, #tpu.memory_space<hbm>>
        tpu.enqueue_dma source(%arg28 : memref<80x16xf32, #tpu.memory_space<vmem>>) target(%dma_start3A_203 : memref<80x16xf32, #tpu.memory_space<hbm>>) target_semaphore(%run_scoped3A : memref<!tpu.dma_semaphore, #tpu.memory_space<semaphore_mem>>)
        %dma_wait3A_204 = arith.constant 0 : i32
        %dma_wait3A_205 = tpu.memref_slice %arg15[%add3A_190, %dma_wait3A_204] : memref<51200x16xf32, #tpu.memory_space<hbm>> -> memref<80x16xf32, #tpu.memory_space<hbm>>
        %dma_wait3A_206 = arith.constant 0 : i32
        %dma_wait3A_207 = tpu.memref_slice %arg15[%add3A_190, %dma_wait3A_206] : memref<51200x16xf32, #tpu.memory_space<hbm>> -> memref<80x16xf32, #tpu.memory_space<hbm>>
        tpu.wait_dma2 semaphore(%run_scoped3A : memref<!tpu.dma_semaphore, #tpu.memory_space<semaphore_mem>>) src(%arg28 : memref<80x16xf32, #tpu.memory_space<vmem>>) dst(%dma_wait3A_207 : memref<80x16xf32, #tpu.memory_space<hbm>>)
        tpu.yield
      }) : () -> ()
      %scan3A_199 = arith.constant 0 : i32
      scf.yield %scan3A_199 : i32
    }
    %scan3A_30 = arith.constant 5 : i32
    %mul3A_31 = arith.constant 32 : i32
    %mul3A_32 = arith.muli %add3A, %mul3A_31 : i32
    "tpu.region"() ({
      %run_scoped3A = tpu.sem_alloc : memref<!tpu.dma_semaphore, #tpu.memory_space<semaphore_mem>>
      %dma_start3A_49 = tpu.memref_slice %arg9[%mul3A_32] : memref<1024xi32, #tpu.memory_space<hbm>> -> memref<32xi32, #tpu.memory_space<hbm>>
      %dma_start3A_50 = tpu.memref_slice %arg9[%mul3A_32] : memref<1024xi32, #tpu.memory_space<hbm>> -> memref<32xi32, #tpu.memory_space<hbm>>
      tpu.enqueue_dma source(%dma_start3A_50 : memref<32xi32, #tpu.memory_space<hbm>>) target(%arg29 : memref<32xi32, #tpu.memory_space<vmem>>) target_semaphore(%run_scoped3A : memref<!tpu.dma_semaphore, #tpu.memory_space<semaphore_mem>>)
      %dma_wait3A_51 = tpu.memref_slice %arg9[%mul3A_32] : memref<1024xi32, #tpu.memory_space<hbm>> -> memref<32xi32, #tpu.memory_space<hbm>>
      %dma_wait3A_52 = tpu.memref_slice %arg9[%mul3A_32] : memref<1024xi32, #tpu.memory_space<hbm>> -> memref<32xi32, #tpu.memory_space<hbm>>
      tpu.wait_dma2 semaphore(%run_scoped3A : memref<!tpu.dma_semaphore, #tpu.memory_space<semaphore_mem>>) src(%dma_wait3A_52 : memref<32xi32, #tpu.memory_space<hbm>>) dst(%arg29 : memref<32xi32, #tpu.memory_space<vmem>>)
      tpu.yield
    }) : () -> ()
    %dma_start3A = arith.constant 0 : i32
    %dma_start3A_33 = arith.constant 0 : i32
    %dma_start3A_34 = tpu.memref_slice %arg2[%dma_start3A, %dma_start3A_33] : memref<100000x80xf32, #tpu.memory_space<hbm>> -> memref<100000x80xf32, #tpu.memory_space<hbm>>
    tpu.enqueue_indirect_dma source(%dma_start3A_34 : memref<100000x80xf32, #tpu.memory_space<hbm>>) target(%arg30 : memref<32x80xf32, #tpu.memory_space<vmem>>) offsets(%arg29 : memref<32xi32, #tpu.memory_space<vmem>>) semaphore(%arg31 : memref<!tpu.dma_semaphore, #tpu.memory_space<semaphore_mem>>)
    %dma_wait3A = arith.constant 0 : i32
    %dma_wait3A_35 = arith.constant 0 : i32
    %dma_wait3A_36 = tpu.memref_slice %arg2[%dma_wait3A, %dma_wait3A_35] : memref<100000x80xf32, #tpu.memory_space<hbm>> -> memref<100000x80xf32, #tpu.memory_space<hbm>>
    tpu.wait_indirect_dma semaphore(%arg31 : memref<!tpu.dma_semaphore, #tpu.memory_space<semaphore_mem>>) src(%dma_wait3A_36 : memref<100000x80xf32, #tpu.memory_space<hbm>>) dst(%arg30 : memref<32x80xf32, #tpu.memory_space<vmem>>)
    %mul3A_37 = arith.constant 32 : i32
    %mul3A_38 = arith.muli %add3A, %mul3A_37 : i32
    "tpu.region"() ({
      %run_scoped3A = tpu.sem_alloc : memref<!tpu.dma_semaphore, #tpu.memory_space<semaphore_mem>>
      %dma_start3A_49 = arith.constant 0 : i32
      %dma_start3A_50 = tpu.memref_slice %arg16[%mul3A_38, %dma_start3A_49] : memref<1024x80xf32, #tpu.memory_space<hbm>> -> memref<32x80xf32, #tpu.memory_space<hbm>>
      %dma_start3A_51 = arith.constant 0 : i32
      %dma_start3A_52 = tpu.memref_slice %arg16[%mul3A_38, %dma_start3A_51] : memref<1024x80xf32, #tpu.memory_space<hbm>> -> memref<32x80xf32, #tpu.memory_space<hbm>>
      tpu.enqueue_dma source(%arg30 : memref<32x80xf32, #tpu.memory_space<vmem>>) target(%dma_start3A_52 : memref<32x80xf32, #tpu.memory_space<hbm>>) target_semaphore(%run_scoped3A : memref<!tpu.dma_semaphore, #tpu.memory_space<semaphore_mem>>)
      %dma_wait3A_53 = arith.constant 0 : i32
      %dma_wait3A_54 = tpu.memref_slice %arg16[%mul3A_38, %dma_wait3A_53] : memref<1024x80xf32, #tpu.memory_space<hbm>> -> memref<32x80xf32, #tpu.memory_space<hbm>>
      %dma_wait3A_55 = arith.constant 0 : i32
      %dma_wait3A_56 = tpu.memref_slice %arg16[%mul3A_38, %dma_wait3A_55] : memref<1024x80xf32, #tpu.memory_space<hbm>> -> memref<32x80xf32, #tpu.memory_space<hbm>>
      tpu.wait_dma2 semaphore(%run_scoped3A : memref<!tpu.dma_semaphore, #tpu.memory_space<semaphore_mem>>) src(%arg30 : memref<32x80xf32, #tpu.memory_space<vmem>>) dst(%dma_wait3A_56 : memref<32x80xf32, #tpu.memory_space<hbm>>)
      tpu.yield
    }) : () -> ()
    %mul3A_39 = arith.constant 32 : i32
    %mul3A_40 = arith.muli %add3A, %mul3A_39 : i32
    "tpu.region"() ({
      %run_scoped3A = tpu.sem_alloc : memref<!tpu.dma_semaphore, #tpu.memory_space<semaphore_mem>>
      %dma_start3A_49 = tpu.memref_slice %arg10[%mul3A_40] : memref<1024xi32, #tpu.memory_space<hbm>> -> memref<32xi32, #tpu.memory_space<hbm>>
      %dma_start3A_50 = tpu.memref_slice %arg10[%mul3A_40] : memref<1024xi32, #tpu.memory_space<hbm>> -> memref<32xi32, #tpu.memory_space<hbm>>
      tpu.enqueue_dma source(%dma_start3A_50 : memref<32xi32, #tpu.memory_space<hbm>>) target(%arg29 : memref<32xi32, #tpu.memory_space<vmem>>) target_semaphore(%run_scoped3A : memref<!tpu.dma_semaphore, #tpu.memory_space<semaphore_mem>>)
      %dma_wait3A_51 = tpu.memref_slice %arg10[%mul3A_40] : memref<1024xi32, #tpu.memory_space<hbm>> -> memref<32xi32, #tpu.memory_space<hbm>>
      %dma_wait3A_52 = tpu.memref_slice %arg10[%mul3A_40] : memref<1024xi32, #tpu.memory_space<hbm>> -> memref<32xi32, #tpu.memory_space<hbm>>
      tpu.wait_dma2 semaphore(%run_scoped3A : memref<!tpu.dma_semaphore, #tpu.memory_space<semaphore_mem>>) src(%dma_wait3A_52 : memref<32xi32, #tpu.memory_space<hbm>>) dst(%arg29 : memref<32xi32, #tpu.memory_space<vmem>>)
      tpu.yield
    }) : () -> ()
    %dma_start3A_41 = arith.constant 0 : i32
    %dma_start3A_42 = arith.constant 0 : i32
    %dma_start3A_43 = tpu.memref_slice %arg2[%dma_start3A_41, %dma_start3A_42] : memref<100000x80xf32, #tpu.memory_space<hbm>> -> memref<100000x80xf32, #tpu.memory_space<hbm>>
    tpu.enqueue_indirect_dma source(%dma_start3A_43 : memref<100000x80xf32, #tpu.memory_space<hbm>>) target(%arg30 : memref<32x80xf32, #tpu.memory_space<vmem>>) offsets(%arg29 : memref<32xi32, #tpu.memory_space<vmem>>) semaphore(%arg31 : memref<!tpu.dma_semaphore, #tpu.memory_space<semaphore_mem>>)
    %dma_wait3A_44 = arith.constant 0 : i32
    %dma_wait3A_45 = arith.constant 0 : i32
    %dma_wait3A_46 = tpu.memref_slice %arg2[%dma_wait3A_44, %dma_wait3A_45] : memref<100000x80xf32, #tpu.memory_space<hbm>> -> memref<100000x80xf32, #tpu.memory_space<hbm>>
    tpu.wait_indirect_dma semaphore(%arg31 : memref<!tpu.dma_semaphore, #tpu.memory_space<semaphore_mem>>) src(%dma_wait3A_46 : memref<100000x80xf32, #tpu.memory_space<hbm>>) dst(%arg30 : memref<32x80xf32, #tpu.memory_space<vmem>>)
    %mul3A_47 = arith.constant 32 : i32
    %mul3A_48 = arith.muli %add3A, %mul3A_47 : i32
    "tpu.region"() ({
      %run_scoped3A = tpu.sem_alloc : memref<!tpu.dma_semaphore, #tpu.memory_space<semaphore_mem>>
      %dma_start3A_49 = arith.constant 0 : i32
      %dma_start3A_50 = tpu.memref_slice %arg17[%mul3A_48, %dma_start3A_49] : memref<1024x80xf32, #tpu.memory_space<hbm>> -> memref<32x80xf32, #tpu.memory_space<hbm>>
      %dma_start3A_51 = arith.constant 0 : i32
      %dma_start3A_52 = tpu.memref_slice %arg17[%mul3A_48, %dma_start3A_51] : memref<1024x80xf32, #tpu.memory_space<hbm>> -> memref<32x80xf32, #tpu.memory_space<hbm>>
      tpu.enqueue_dma source(%arg30 : memref<32x80xf32, #tpu.memory_space<vmem>>) target(%dma_start3A_52 : memref<32x80xf32, #tpu.memory_space<hbm>>) target_semaphore(%run_scoped3A : memref<!tpu.dma_semaphore, #tpu.memory_space<semaphore_mem>>)
      %dma_wait3A_53 = arith.constant 0 : i32
      %dma_wait3A_54 = tpu.memref_slice %arg17[%mul3A_48, %dma_wait3A_53] : memref<1024x80xf32, #tpu.memory_space<hbm>> -> memref<32x80xf32, #tpu.memory_space<hbm>>
      %dma_wait3A_55 = arith.constant 0 : i32
      %dma_wait3A_56 = tpu.memref_slice %arg17[%mul3A_48, %dma_wait3A_55] : memref<1024x80xf32, #tpu.memory_space<hbm>> -> memref<32x80xf32, #tpu.memory_space<hbm>>
      tpu.wait_dma2 semaphore(%run_scoped3A : memref<!tpu.dma_semaphore, #tpu.memory_space<semaphore_mem>>) src(%arg30 : memref<32x80xf32, #tpu.memory_space<vmem>>) dst(%dma_wait3A_56 : memref<32x80xf32, #tpu.memory_space<hbm>>)
      tpu.yield
    }) : () -> ()
    return
  }
}

#map = affine_map<(d0, d1) -> (0, 0)>
#map1 = affine_map<(d0, d1) -> (0)>
module attributes {stable_mosaic.version = 14 : i64} {
  func.func @_sc_pool_ids_body(%arg0: i32, %arg1: i32, %arg2: memref<10000x64xi32, #tpu.memory_space<hbm>>, %arg3: memref<5120xi32, #tpu.memory_space<hbm>>, %arg4: memref<5120x64xi32, #tpu.memory_space<hbm>>, %arg5: memref<160xi32, #tpu.memory_space<vmem>>, %arg6: memref<160x64xi32, #tpu.memory_space<vmem>>, %arg7: memref<!tpu.dma_semaphore, #tpu.memory_space<semaphore_mem>>, %arg8: memref<!tpu.dma_semaphore, #tpu.memory_space<semaphore_mem>>) attributes {dimension_semantics = [#tpu.dimension_semantics<core_parallel>, #tpu.dimension_semantics<subcore_parallel>], iteration_bounds = array<i64: 2, 16>, scalar_prefetch = 0 : i64, scratch_operands = 4 : i64, tpu.core_type = #tpu.core_type<sc_vector_subcore>, window_params = [{transform_indices = #map}, {transform_indices = #map1}, {transform_indices = #map}]} {
    %mul3A = arith.constant 2 : i32
    %mul3A_0 = arith.muli %arg1, %mul3A : i32
    %add3A = arith.addi %mul3A_0, %arg0 : i32
    %mul3A_1 = arith.constant 160 : i32
    %mul3A_2 = arith.muli %add3A, %mul3A_1 : i32
    "tpu.region"() ({
      %run_scoped3A = tpu.sem_alloc : memref<!tpu.dma_semaphore, #tpu.memory_space<semaphore_mem>>
      %dma_start3A_39 = tpu.memref_slice %arg3[%mul3A_2] : memref<5120xi32, #tpu.memory_space<hbm>> -> memref<160xi32, #tpu.memory_space<hbm>>
      %dma_start3A_40 = tpu.memref_slice %arg3[%mul3A_2] : memref<5120xi32, #tpu.memory_space<hbm>> -> memref<160xi32, #tpu.memory_space<hbm>>
      tpu.enqueue_dma source(%dma_start3A_40 : memref<160xi32, #tpu.memory_space<hbm>>) target(%arg5 : memref<160xi32, #tpu.memory_space<vmem>>) target_semaphore(%run_scoped3A : memref<!tpu.dma_semaphore, #tpu.memory_space<semaphore_mem>>)
      %dma_wait3A_41 = tpu.memref_slice %arg3[%mul3A_2] : memref<5120xi32, #tpu.memory_space<hbm>> -> memref<160xi32, #tpu.memory_space<hbm>>
      %dma_wait3A_42 = tpu.memref_slice %arg3[%mul3A_2] : memref<5120xi32, #tpu.memory_space<hbm>> -> memref<160xi32, #tpu.memory_space<hbm>>
      tpu.wait_dma2 semaphore(%run_scoped3A : memref<!tpu.dma_semaphore, #tpu.memory_space<semaphore_mem>>) src(%dma_wait3A_42 : memref<160xi32, #tpu.memory_space<hbm>>) dst(%arg5 : memref<160xi32, #tpu.memory_space<vmem>>)
      tpu.yield
    }) : () -> ()
    %dma_start3A = arith.constant 0 : i32
    %dma_start3A_3 = arith.constant 0 : i32
    %dma_start3A_4 = tpu.memref_slice %arg6[%dma_start3A, %dma_start3A_3] : memref<160x64xi32, #tpu.memory_space<vmem>> -> memref<80x64xi32, #tpu.memory_space<vmem>>
    %dma_start3A_5 = arith.constant 0 : i32
    %dma_start3A_6 = tpu.memref_slice %arg5[%dma_start3A_5] : memref<160xi32, #tpu.memory_space<vmem>> -> memref<80xi32, #tpu.memory_space<vmem>>
    %dma_start3A_7 = arith.constant 0 : i32
    %dma_start3A_8 = arith.constant 0 : i32
    %dma_start3A_9 = tpu.memref_slice %arg2[%dma_start3A_7, %dma_start3A_8] : memref<10000x64xi32, #tpu.memory_space<hbm>> -> memref<10000x64xi32, #tpu.memory_space<hbm>>
    tpu.enqueue_indirect_dma source(%dma_start3A_9 : memref<10000x64xi32, #tpu.memory_space<hbm>>) target(%dma_start3A_4 : memref<80x64xi32, #tpu.memory_space<vmem>>) offsets(%dma_start3A_6 : memref<80xi32, #tpu.memory_space<vmem>>) semaphore(%arg7 : memref<!tpu.dma_semaphore, #tpu.memory_space<semaphore_mem>>)
    %dma_start3A_10 = arith.constant 80 : i32
    %dma_start3A_11 = arith.constant 0 : i32
    %dma_start3A_12 = tpu.memref_slice %arg6[%dma_start3A_10, %dma_start3A_11] : memref<160x64xi32, #tpu.memory_space<vmem>> -> memref<80x64xi32, #tpu.memory_space<vmem>>
    %dma_start3A_13 = arith.constant 80 : i32
    %dma_start3A_14 = tpu.memref_slice %arg5[%dma_start3A_13] : memref<160xi32, #tpu.memory_space<vmem>> -> memref<80xi32, #tpu.memory_space<vmem>>
    %dma_start3A_15 = arith.constant 0 : i32
    %dma_start3A_16 = arith.constant 0 : i32
    %dma_start3A_17 = tpu.memref_slice %arg2[%dma_start3A_15, %dma_start3A_16] : memref<10000x64xi32, #tpu.memory_space<hbm>> -> memref<10000x64xi32, #tpu.memory_space<hbm>>
    tpu.enqueue_indirect_dma source(%dma_start3A_17 : memref<10000x64xi32, #tpu.memory_space<hbm>>) target(%dma_start3A_12 : memref<80x64xi32, #tpu.memory_space<vmem>>) offsets(%dma_start3A_14 : memref<80xi32, #tpu.memory_space<vmem>>) semaphore(%arg8 : memref<!tpu.dma_semaphore, #tpu.memory_space<semaphore_mem>>)
    %dma_wait3A = arith.constant 0 : i32
    %dma_wait3A_18 = arith.constant 0 : i32
    %dma_wait3A_19 = tpu.memref_slice %arg6[%dma_wait3A, %dma_wait3A_18] : memref<160x64xi32, #tpu.memory_space<vmem>> -> memref<80x64xi32, #tpu.memory_space<vmem>>
    %dma_wait3A_20 = arith.constant 0 : i32
    %dma_wait3A_21 = tpu.memref_slice %arg5[%dma_wait3A_20] : memref<160xi32, #tpu.memory_space<vmem>> -> memref<80xi32, #tpu.memory_space<vmem>>
    %dma_wait3A_22 = arith.constant 0 : i32
    %dma_wait3A_23 = arith.constant 0 : i32
    %dma_wait3A_24 = tpu.memref_slice %arg2[%dma_wait3A_22, %dma_wait3A_23] : memref<10000x64xi32, #tpu.memory_space<hbm>> -> memref<10000x64xi32, #tpu.memory_space<hbm>>
    tpu.wait_indirect_dma semaphore(%arg7 : memref<!tpu.dma_semaphore, #tpu.memory_space<semaphore_mem>>) src(%dma_wait3A_24 : memref<10000x64xi32, #tpu.memory_space<hbm>>) dst(%dma_wait3A_19 : memref<80x64xi32, #tpu.memory_space<vmem>>)
    %mul3A_25 = arith.constant 160 : i32
    %mul3A_26 = arith.muli %add3A, %mul3A_25 : i32
    "tpu.region"() ({
      %run_scoped3A = tpu.sem_alloc : memref<!tpu.dma_semaphore, #tpu.memory_space<semaphore_mem>>
      %dma_start3A_39 = arith.constant 0 : i32
      %dma_start3A_40 = arith.constant 0 : i32
      %dma_start3A_41 = tpu.memref_slice %arg6[%dma_start3A_39, %dma_start3A_40] : memref<160x64xi32, #tpu.memory_space<vmem>> -> memref<80x64xi32, #tpu.memory_space<vmem>>
      %dma_start3A_42 = arith.constant 0 : i32
      %dma_start3A_43 = tpu.memref_slice %arg4[%mul3A_26, %dma_start3A_42] : memref<5120x64xi32, #tpu.memory_space<hbm>> -> memref<80x64xi32, #tpu.memory_space<hbm>>
      %dma_start3A_44 = arith.constant 0 : i32
      %dma_start3A_45 = tpu.memref_slice %arg4[%mul3A_26, %dma_start3A_44] : memref<5120x64xi32, #tpu.memory_space<hbm>> -> memref<80x64xi32, #tpu.memory_space<hbm>>
      %dma_start3A_46 = arith.constant 0 : i32
      %dma_start3A_47 = arith.constant 0 : i32
      %dma_start3A_48 = tpu.memref_slice %arg6[%dma_start3A_46, %dma_start3A_47] : memref<160x64xi32, #tpu.memory_space<vmem>> -> memref<80x64xi32, #tpu.memory_space<vmem>>
      tpu.enqueue_dma source(%dma_start3A_48 : memref<80x64xi32, #tpu.memory_space<vmem>>) target(%dma_start3A_45 : memref<80x64xi32, #tpu.memory_space<hbm>>) target_semaphore(%run_scoped3A : memref<!tpu.dma_semaphore, #tpu.memory_space<semaphore_mem>>)
      %dma_wait3A_49 = arith.constant 0 : i32
      %dma_wait3A_50 = arith.constant 0 : i32
      %dma_wait3A_51 = tpu.memref_slice %arg6[%dma_wait3A_49, %dma_wait3A_50] : memref<160x64xi32, #tpu.memory_space<vmem>> -> memref<80x64xi32, #tpu.memory_space<vmem>>
      %dma_wait3A_52 = arith.constant 0 : i32
      %dma_wait3A_53 = tpu.memref_slice %arg4[%mul3A_26, %dma_wait3A_52] : memref<5120x64xi32, #tpu.memory_space<hbm>> -> memref<80x64xi32, #tpu.memory_space<hbm>>
      %dma_wait3A_54 = arith.constant 0 : i32
      %dma_wait3A_55 = tpu.memref_slice %arg4[%mul3A_26, %dma_wait3A_54] : memref<5120x64xi32, #tpu.memory_space<hbm>> -> memref<80x64xi32, #tpu.memory_space<hbm>>
      %dma_wait3A_56 = arith.constant 0 : i32
      %dma_wait3A_57 = arith.constant 0 : i32
      %dma_wait3A_58 = tpu.memref_slice %arg6[%dma_wait3A_56, %dma_wait3A_57] : memref<160x64xi32, #tpu.memory_space<vmem>> -> memref<80x64xi32, #tpu.memory_space<vmem>>
      tpu.wait_dma2 semaphore(%run_scoped3A : memref<!tpu.dma_semaphore, #tpu.memory_space<semaphore_mem>>) src(%dma_wait3A_58 : memref<80x64xi32, #tpu.memory_space<vmem>>) dst(%dma_wait3A_55 : memref<80x64xi32, #tpu.memory_space<hbm>>)
      tpu.yield
    }) : () -> ()
    %dma_wait3A_27 = arith.constant 80 : i32
    %dma_wait3A_28 = arith.constant 0 : i32
    %dma_wait3A_29 = tpu.memref_slice %arg6[%dma_wait3A_27, %dma_wait3A_28] : memref<160x64xi32, #tpu.memory_space<vmem>> -> memref<80x64xi32, #tpu.memory_space<vmem>>
    %dma_wait3A_30 = arith.constant 80 : i32
    %dma_wait3A_31 = tpu.memref_slice %arg5[%dma_wait3A_30] : memref<160xi32, #tpu.memory_space<vmem>> -> memref<80xi32, #tpu.memory_space<vmem>>
    %dma_wait3A_32 = arith.constant 0 : i32
    %dma_wait3A_33 = arith.constant 0 : i32
    %dma_wait3A_34 = tpu.memref_slice %arg2[%dma_wait3A_32, %dma_wait3A_33] : memref<10000x64xi32, #tpu.memory_space<hbm>> -> memref<10000x64xi32, #tpu.memory_space<hbm>>
    tpu.wait_indirect_dma semaphore(%arg8 : memref<!tpu.dma_semaphore, #tpu.memory_space<semaphore_mem>>) src(%dma_wait3A_34 : memref<10000x64xi32, #tpu.memory_space<hbm>>) dst(%dma_wait3A_29 : memref<80x64xi32, #tpu.memory_space<vmem>>)
    %mul3A_35 = arith.constant 160 : i32
    %mul3A_36 = arith.muli %add3A, %mul3A_35 : i32
    %add3A_37 = arith.constant 80 : i32
    %add3A_38 = arith.addi %mul3A_36, %add3A_37 : i32
    "tpu.region"() ({
      %run_scoped3A = tpu.sem_alloc : memref<!tpu.dma_semaphore, #tpu.memory_space<semaphore_mem>>
      %dma_start3A_39 = arith.constant 80 : i32
      %dma_start3A_40 = arith.constant 0 : i32
      %dma_start3A_41 = tpu.memref_slice %arg6[%dma_start3A_39, %dma_start3A_40] : memref<160x64xi32, #tpu.memory_space<vmem>> -> memref<80x64xi32, #tpu.memory_space<vmem>>
      %dma_start3A_42 = arith.constant 0 : i32
      %dma_start3A_43 = tpu.memref_slice %arg4[%add3A_38, %dma_start3A_42] : memref<5120x64xi32, #tpu.memory_space<hbm>> -> memref<80x64xi32, #tpu.memory_space<hbm>>
      %dma_start3A_44 = arith.constant 0 : i32
      %dma_start3A_45 = tpu.memref_slice %arg4[%add3A_38, %dma_start3A_44] : memref<5120x64xi32, #tpu.memory_space<hbm>> -> memref<80x64xi32, #tpu.memory_space<hbm>>
      %dma_start3A_46 = arith.constant 80 : i32
      %dma_start3A_47 = arith.constant 0 : i32
      %dma_start3A_48 = tpu.memref_slice %arg6[%dma_start3A_46, %dma_start3A_47] : memref<160x64xi32, #tpu.memory_space<vmem>> -> memref<80x64xi32, #tpu.memory_space<vmem>>
      tpu.enqueue_dma source(%dma_start3A_48 : memref<80x64xi32, #tpu.memory_space<vmem>>) target(%dma_start3A_45 : memref<80x64xi32, #tpu.memory_space<hbm>>) target_semaphore(%run_scoped3A : memref<!tpu.dma_semaphore, #tpu.memory_space<semaphore_mem>>)
      %dma_wait3A_49 = arith.constant 80 : i32
      %dma_wait3A_50 = arith.constant 0 : i32
      %dma_wait3A_51 = tpu.memref_slice %arg6[%dma_wait3A_49, %dma_wait3A_50] : memref<160x64xi32, #tpu.memory_space<vmem>> -> memref<80x64xi32, #tpu.memory_space<vmem>>
      %dma_wait3A_52 = arith.constant 0 : i32
      %dma_wait3A_53 = tpu.memref_slice %arg4[%add3A_38, %dma_wait3A_52] : memref<5120x64xi32, #tpu.memory_space<hbm>> -> memref<80x64xi32, #tpu.memory_space<hbm>>
      %dma_wait3A_54 = arith.constant 0 : i32
      %dma_wait3A_55 = tpu.memref_slice %arg4[%add3A_38, %dma_wait3A_54] : memref<5120x64xi32, #tpu.memory_space<hbm>> -> memref<80x64xi32, #tpu.memory_space<hbm>>
      %dma_wait3A_56 = arith.constant 80 : i32
      %dma_wait3A_57 = arith.constant 0 : i32
      %dma_wait3A_58 = tpu.memref_slice %arg6[%dma_wait3A_56, %dma_wait3A_57] : memref<160x64xi32, #tpu.memory_space<vmem>> -> memref<80x64xi32, #tpu.memory_space<vmem>>
      tpu.wait_dma2 semaphore(%run_scoped3A : memref<!tpu.dma_semaphore, #tpu.memory_space<semaphore_mem>>) src(%dma_wait3A_58 : memref<80x64xi32, #tpu.memory_space<vmem>>) dst(%dma_wait3A_55 : memref<80x64xi32, #tpu.memory_space<hbm>>)
      tpu.yield
    }) : () -> ()
    return
  }
}

module attributes {stable_mosaic.version = 14 : i64} {
  func.func @_edge_pad_body(%arg0: i32, %arg1: memref<10000x4xf32, #tpu.memory_space<vmem>>, %arg2: memref<10000x16xf32, #tpu.memory_space<vmem>>) attributes {dimension_semantics = [#tpu.dimension_semantics<arbitrary>], iteration_bounds = array<i64: 100>, scalar_prefetch = 0 : i64, scratch_operands = 0 : i64, tpu.core_type = #tpu.core_type<tc>, window_params = [{transform_indices = @transform_0, window_bounds = array<i64: 10000, 4>}, {transform_indices = @transform_1, window_bounds = array<i64: 10000, 16>}]} {
    %get3A = arith.constant 0 : index
    %get3A_0 = arith.constant 0 : index
    %get3A_1 = vector.load %arg1[%get3A, %get3A_0] : memref<10000x4xf32, #tpu.memory_space<vmem>>, vector<10000x4xf32>
    %broadcast_in_dim3A = arith.constant 0.000000e+00 : f32
    %broadcast_in_dim3A_2 = vector.broadcast %broadcast_in_dim3A : f32 to vector<10000x12xf32>
    %concatenate3A = tpu.concatenate %get3A_1, %broadcast_in_dim3A_2 in 1 : vector<10000x4xf32>, vector<10000x12xf32> -> vector<10000x16xf32>
    %swap3A = arith.constant 0 : index
    %swap3A_3 = arith.constant 0 : index
    %swap3A_4 = vector.load %arg2[%swap3A, %swap3A_3] : memref<10000x16xf32, #tpu.memory_space<vmem>>, vector<10000x16xf32>
    tpu.vector_store %arg2[%swap3A, %swap3A_3], %concatenate3A {strides = array<i32>} : memref<10000x16xf32, #tpu.memory_space<vmem>>, vector<10000x16xf32>,
    return
  }
  func.func @transform_0(%arg0: i32) -> (i32, i32) {
    %c0_i32 = arith.constant 0 : i32
    %c0_i32_0 = arith.constant 0 : i32
    return %arg0, %c0_i32 : i32, i32
  }
  func.func @transform_1(%arg0: i32) -> (i32, i32) {
    %c0_i32 = arith.constant 0 : i32
    %c0_i32_0 = arith.constant 0 : i32
    return %arg0, %c0_i32 : i32, i32
  }
}

module attributes {stable_mosaic.version = 14 : i64} {
  func.func @_proj_body(%arg0: i32, %arg1: memref<1000x128xf32, #tpu.memory_space<vmem>>, %arg2: memref<128x64xf32, #tpu.memory_space<vmem>>, %arg3: memref<1x64xf32, #tpu.memory_space<vmem>>, %arg4: memref<1000x80xf32, #tpu.memory_space<vmem>>) attributes {dimension_semantics = [#tpu.dimension_semantics<arbitrary>], iteration_bounds = array<i64: 100>, scalar_prefetch = 0 : i64, scratch_operands = 0 : i64, tpu.core_type = #tpu.core_type<tc>, window_params = [{transform_indices = @transform_0, window_bounds = array<i64: 1000, 128>}, {pipeline_mode = #tpu.pipeline_mode<synchronous>, transform_indices = @transform_1, window_bounds = array<i64: 128, 64>}, {pipeline_mode = #tpu.pipeline_mode<synchronous>, transform_indices = @transform_2, window_bounds = array<i64: 1, 64>}, {transform_indices = @transform_3, window_bounds = array<i64: 1000, 80>}]} {
    %get3A = arith.constant 0 : index
    %get3A_0 = arith.constant 0 : index
    %get3A_1 = vector.load %arg1[%get3A, %get3A_0] : memref<1000x128xf32, #tpu.memory_space<vmem>>, vector<1000x128xf32>
    %get3A_2 = arith.constant 0 : index
    %get3A_3 = arith.constant 0 : index
    %get3A_4 = vector.load %arg2[%get3A_2, %get3A_3] : memref<128x64xf32, #tpu.memory_space<vmem>>, vector<128x64xf32>
    %dot_general3A = arith.constant dense<0.000000e+00> : vector<1000x64xf32>
    %dot_general3A_5 = tpu.matmul %get3A_1, %get3A_4, %dot_general3A {dimension_numbers = #tpu.dot_dimension_numbers<[1], [0], [0], [1], [0, 0, 1, 1], [], []>, transpose_lhs_hint = false} : vector<1000x128xf32>, vector<128x64xf32>, vector<1000x64xf32> -> vector<1000x64xf32>
    %get3A_6 = arith.constant 0 : index
    %get3A_7 = arith.constant 0 : index
    %get3A_8 = vector.load %arg3[%get3A_6, %get3A_7] : memref<1x64xf32, #tpu.memory_space<vmem>>, vector<1x64xf32>
    %add3A = vector.broadcast %get3A_8 : vector<1x64xf32> to vector<1000x64xf32>
    %add3A_9 = arith.addf %dot_general3A_5, %add3A : vector<1000x64xf32>
    %get3A_10 = arith.constant 0 : index
    %get3A_11 = arith.constant 0 : index
    %get3A_12 = vector.load %arg1[%get3A_10, %get3A_11] : memref<1000x128xf32, #tpu.memory_space<vmem>>, vector<1000x1xf32>
    %broadcast_in_dim3A = arith.constant 0.000000e+00 : f32
    %broadcast_in_dim3A_13 = vector.broadcast %broadcast_in_dim3A : f32 to vector<1000x15xf32>
    %concatenate3A = tpu.concatenate %add3A_9, %get3A_12, %broadcast_in_dim3A_13 in 1 : vector<1000x64xf32>, vector<1000x1xf32>, vector<1000x15xf32> -> vector<1000x80xf32>
    %swap3A = arith.constant 0 : index
    %swap3A_14 = arith.constant 0 : index
    %swap3A_15 = vector.load %arg4[%swap3A, %swap3A_14] : memref<1000x80xf32, #tpu.memory_space<vmem>>, vector<1000x80xf32>
    tpu.vector_store %arg4[%swap3A, %swap3A_14], %concatenate3A {strides = array<i32>} : memref<1000x80xf32, #tpu.memory_space<vmem>>, vector<1000x80xf32>,
    return
  }
  func.func @transform_0(%arg0: i32) -> (i32, i32) {
    %c0_i32 = arith.constant 0 : i32
    %c0_i32_0 = arith.constant 0 : i32
    return %arg0, %c0_i32 : i32, i32
  }
  func.func @transform_1(%arg0: i32) -> (i32, i32) {
    %c0_i32 = arith.constant 0 : i32
    %c0_i32_0 = arith.constant 0 : i32
    %c0_i32_1 = arith.constant 0 : i32
    return %c0_i32, %c0_i32_0 : i32, i32
  }
  func.func @transform_2(%arg0: i32) -> (i32, i32) {
    %c0_i32 = arith.constant 0 : i32
    %c0_i32_0 = arith.constant 0 : i32
    %c0_i32_1 = arith.constant 0 : i32
    return %c0_i32, %c0_i32_0 : i32, i32
  }
  func.func @transform_3(%arg0: i32) -> (i32, i32) {
    %c0_i32 = arith.constant 0 : i32
    %c0_i32_0 = arith.constant 0 : i32
    return %arg0, %c0_i32 : i32, i32
  }
}

module attributes {stable_mosaic.version = 14 : i64} {
  func.func @_c1_body(%arg0: i32, %arg1: memref<50x64x80xf32, #tpu.memory_space<vmem>>, %arg2: memref<50x64x80xf32, #tpu.memory_space<vmem>>, %arg3: memref<50x64x24xf32, #tpu.memory_space<vmem>>, %arg4: memref<50x64x24xf32, #tpu.memory_space<vmem>>, %arg5: memref<50x64x16xi32, #tpu.memory_space<vmem>>, %arg6: memref<50x64x16xi32, #tpu.memory_space<vmem>>, %arg7: memref<8x64xf32, #tpu.memory_space<vmem>>, %arg8: memref<16x64xf32, #tpu.memory_space<vmem>>, %arg9: memref<1x64xf32, #tpu.memory_space<vmem>>, %arg10: memref<1x64xf32, #tpu.memory_space<vmem>>, %arg11: memref<1x64xf32, #tpu.memory_space<vmem>>, %arg12: memref<64x192xf32, #tpu.memory_space<vmem>>, %arg13: memref<64x192xf32, #tpu.memory_space<vmem>>, %arg14: memref<1x192xf32, #tpu.memory_space<vmem>>, %arg15: memref<1x192xf32, #tpu.memory_space<vmem>>, %arg16: memref<64x192xf32, #tpu.memory_space<vmem>>, %arg17: memref<64x192xf32, #tpu.memory_space<vmem>>, %arg18: memref<1x192xf32, #tpu.memory_space<vmem>>, %arg19: memref<1x192xf32, #tpu.memory_space<vmem>>, %arg20: memref<64x64xf32, #tpu.memory_space<vmem>>, %arg21: memref<1x64xf32, #tpu.memory_space<vmem>>, %arg22: memref<64x64xf32, #tpu.memory_space<vmem>>, %arg23: memref<64x64xf32, #tpu.memory_space<vmem>>, %arg24: memref<3200x192xf32, #tpu.memory_space<vmem>>) attributes {dimension_semantics = [#tpu.dimension_semantics<arbitrary>], iteration_bounds = array<i64: 16>, scalar_prefetch = 0 : i64, scratch_operands = 1 : i64, tpu.core_type = #tpu.core_type<tc>, window_params = [{transform_indices = @transform_0, window_bounds = array<i64: 50, 64, 80>}, {transform_indices = @transform_1, window_bounds = array<i64: 50, 64, 80>}, {transform_indices = @transform_2, window_bounds = array<i64: 50, 64, 24>}, {transform_indices = @transform_3, window_bounds = array<i64: 50, 64, 24>}, {transform_indices = @transform_4, window_bounds = array<i64: 50, 64, 16>}, {transform_indices = @transform_5, window_bounds = array<i64: 50, 64, 16>}, {pipeline_mode = #tpu.pipeline_mode<synchronous>, transform_indices = @transform_6, window_bounds = array<i64: 8, 64>}, {pipeline_mode = #tpu.pipeline_mode<synchronous>, transform_indices = @transform_7, window_bounds = array<i64: 16, 64>}, {pipeline_mode = #tpu.pipeline_mode<synchronous>, transform_indices = @transform_8, window_bounds = array<i64: 1, 64>}, {pipeline_mode = #tpu.pipeline_mode<synchronous>, transform_indices = @transform_9, window_bounds = array<i64: 1, 64>}, {pipeline_mode = #tpu.pipeline_mode<synchronous>, transform_indices = @transform_10, window_bounds = array<i64: 1, 64>}, {pipeline_mode = #tpu.pipeline_mode<synchronous>, transform_indices = @transform_11, window_bounds = array<i64: 64, 192>}, {pipeline_mode = #tpu.pipeline_mode<synchronous>, transform_indices = @transform_12, window_bounds = array<i64: 64, 192>}, {pipeline_mode = #tpu.pipeline_mode<synchronous>, transform_indices = @transform_13, window_bounds = array<i64: 1, 192>}, {pipeline_mode = #tpu.pipeline_mode<synchronous>, transform_indices = @transform_14, window_bounds = array<i64: 1, 192>}, {pipeline_mode = #tpu.pipeline_mode<synchronous>, transform_indices = @transform_15, window_bounds = array<i64: 64, 192>}, {pipeline_mode = #tpu.pipeline_mode<synchronous>, transform_indices = @transform_16, window_bounds = array<i64: 64, 192>}, {pipeline_mode = #tpu.pipeline_mode<synchronous>, transform_indices = @transform_17, window_bounds = array<i64: 1, 192>}, {pipeline_mode = #tpu.pipeline_mode<synchronous>, transform_indices = @transform_18, window_bounds = array<i64: 1, 192>}, {pipeline_mode = #tpu.pipeline_mode<synchronous>, transform_indices = @transform_19, window_bounds = array<i64: 64, 64>}, {pipeline_mode = #tpu.pipeline_mode<synchronous>, transform_indices = @transform_20, window_bounds = array<i64: 1, 64>}, {transform_indices = @transform_21, window_bounds = array<i64: 64, 64>}, {transform_indices = @transform_22, window_bounds = array<i64: 64, 64>}]} {
    %get3A = arith.constant 0 : index
    %get3A_0 = arith.constant 0 : index
    %get3A_1 = vector.load %arg9[%get3A, %get3A_0] : memref<1x64xf32, #tpu.memory_space<vmem>>, vector<1x64xf32>
    %get3A_2 = arith.constant 0 : index
    %get3A_3 = arith.constant 0 : index
    %get3A_4 = vector.load %arg10[%get3A_2, %get3A_3] : memref<1x64xf32, #tpu.memory_space<vmem>>, vector<1x64xf32>
    %get3A_5 = arith.constant 0 : index
    %get3A_6 = arith.constant 0 : index
    %get3A_7 = vector.load %arg11[%get3A_5, %get3A_6] : memref<1x64xf32, #tpu.memory_space<vmem>>, vector<1x64xf32>
    %broadcast_in_dim3A = arith.constant 1.562500e-02 : f32
    %broadcast_in_dim3A_8 = vector.broadcast %broadcast_in_dim3A : f32 to vector<64x64xf32>
    %broadcast_in_dim3A_9 = arith.constant 0.000000e+00 : f32
    %broadcast_in_dim3A_10 = vector.broadcast %broadcast_in_dim3A_9 : f32 to vector<64x64xf32>
    %get3A_11 = arith.constant 0 : index
    %get3A_12 = arith.constant 0 : index
    %get3A_13 = arith.constant 0 : index
    %get3A_14 = vector.load %arg1[%get3A_11, %get3A_12, %get3A_13] : memref<50x64x80xf32, #tpu.memory_space<vmem>>, vector<50x64x80xf32>
    %get3A_15 = arith.constant 0 : index
    %get3A_16 = arith.constant 0 : index
    %get3A_17 = arith.constant 0 : index
    %get3A_18 = vector.load %arg3[%get3A_15, %get3A_16, %get3A_17] : memref<50x64x24xf32, #tpu.memory_space<vmem>>, vector<50x64x24xf32>
    %get3A_19 = arith.constant 0 : index
    %get3A_20 = arith.constant 0 : index
    %get3A_21 = arith.constant 0 : index
    %get3A_22 = vector.load %arg5[%get3A_19, %get3A_20, %get3A_21] : memref<50x64x16xi32, #tpu.memory_space<vmem>>, vector<50x64x16xi32>
    %reshape3A = vector.shape_cast %get3A_14 : vector<50x64x80xf32> to vector<3200x80xf32>
    %slice3A = vector.extract_strided_slice %reshape3A {offsets = [0, 0], sizes = [3200, 64], strides = [1, 1]} : vector<3200x80xf32> to vector<3200x64xf32>
    %reshape3A_23 = vector.shape_cast %get3A_18 : vector<50x64x24xf32> to vector<3200x24xf32>
    %reshape3A_24 = vector.shape_cast %get3A_22 : vector<50x64x16xi32> to vector<3200x16xi32>
    %slice3A_25 = vector.extract_strided_slice %reshape3A_23 {offsets = [0, 0], sizes = [3200, 8], strides = [1, 1]} : vector<3200x24xf32> to vector<3200x8xf32>
    %cos3A = math.cos %slice3A_25 : vector<3200x8xf32>
    %abs3A = math.absf %slice3A_25 : vector<3200x8xf32>
    %neg3A = arith.constant 0.000000e+00 : f32
    %neg3A_26 = vector.broadcast %neg3A : f32 to vector<3200x8xf32>
    %neg3A_27 = arith.subf %neg3A_26, %abs3A : vector<3200x8xf32>
    %exp3A = math.exp %neg3A_27 : vector<3200x8xf32>
    %concatenate3A = tpu.concatenate %cos3A, %exp3A in 1 : vector<3200x8xf32>, vector<3200x8xf32> -> vector<3200x16xf32>
    %get3A_28 = arith.constant 0 : index
    %get3A_29 = arith.constant 0 : index
    %get3A_30 = vector.load %arg8[%get3A_28, %get3A_29] : memref<16x64xf32, #tpu.memory_space<vmem>>, vector<16x64xf32>
    %dot_general3A = arith.constant dense<0.000000e+00> : vector<3200x64xf32>
    %dot_general3A_31 = tpu.matmul %concatenate3A, %get3A_30, %dot_general3A {dimension_numbers = #tpu.dot_dimension_numbers<[1], [0], [0], [1], [0, 0, 1, 1], [], []>, transpose_lhs_hint = false} : vector<3200x16xf32>, vector<16x64xf32>, vector<3200x64xf32> -> vector<3200x64xf32>
    %slice3A_32 = vector.extract_strided_slice %reshape3A {offsets = [0, 64], sizes = [3200, 8], strides = [1, 1]} : vector<3200x80xf32> to vector<3200x8xf32>
    %convert_element_type3A = arith.fptosi %slice3A_32 : vector<3200x8xf32> to vector<3200x8xi32>
    %slice3A_33 = vector.extract_strided_slice %reshape3A_23 {offsets = [0, 16], sizes = [3200, 8], strides = [1, 1]} : vector<3200x24xf32> to vector<3200x8xf32>
    %convert_element_type3A_34 = arith.fptosi %slice3A_33 : vector<3200x8xf32> to vector<3200x8xi32>
    %eq3A = arith.cmpi eq, %convert_element_type3A, %convert_element_type3A_34 : vector<3200x8xi32>
    %convert_element_type3A_35 = arith.extui %eq3A : vector<3200x8xi1> to vector<3200x8xi32>
    %convert_element_type3A_36 = arith.sitofp %convert_element_type3A_35 : vector<3200x8xi32> to vector<3200x8xf32>
    %slice3A_37 = vector.extract_strided_slice %reshape3A_24 {offsets = [0, 0], sizes = [3200, 8], strides = [1, 1]} : vector<3200x16xi32> to vector<3200x8xi32>
    %slice3A_38 = vector.extract_strided_slice %reshape3A_24 {offsets = [0, 8], sizes = [3200, 8], strides = [1, 1]} : vector<3200x16xi32> to vector<3200x8xi32>
    %eq3A_39 = arith.cmpi eq, %slice3A_37, %slice3A_38 : vector<3200x8xi32>
    %convert_element_type3A_40 = arith.extui %eq3A_39 : vector<3200x8xi1> to vector<3200x8xi32>
    %convert_element_type3A_41 = arith.sitofp %convert_element_type3A_40 : vector<3200x8xi32> to vector<3200x8xf32>
    %add3A = arith.addf %convert_element_type3A_36, %convert_element_type3A_41 : vector<3200x8xf32>
    %slice3A_42 = vector.extract_strided_slice %reshape3A_23 {offsets = [0, 8], sizes = [3200, 8], strides = [1, 1]} : vector<3200x24xf32> to vector<3200x8xf32>
    %add3A_43 = arith.addf %add3A, %slice3A_42 : vector<3200x8xf32>
    %get3A_44 = arith.constant 0 : index
    %get3A_45 = arith.constant 0 : index
    %get3A_46 = vector.load %arg7[%get3A_44, %get3A_45] : memref<8x64xf32, #tpu.memory_space<vmem>>, vector<8x64xf32>
    %dot_general3A_47 = arith.constant dense<0.000000e+00> : vector<3200x64xf32>
    %dot_general3A_48 = tpu.matmul %add3A_43, %get3A_46, %dot_general3A_47 {dimension_numbers = #tpu.dot_dimension_numbers<[1], [0], [0], [1], [0, 0, 1, 1], [], []>, transpose_lhs_hint = false} : vector<3200x8xf32>, vector<8x64xf32>, vector<3200x64xf32> -> vector<3200x64xf32>
    %add3A_49 = arith.addf %slice3A, %dot_general3A_31 : vector<3200x64xf32>
    %add3A_50 = arith.addf %add3A_49, %dot_general3A_48 : vector<3200x64xf32>
    %add3A_51 = vector.broadcast %get3A_1 : vector<1x64xf32> to vector<3200x64xf32>
    %add3A_52 = arith.addf %add3A_50, %add3A_51 : vector<3200x64xf32>
    %dot_general3A_53 = arith.constant dense<0.000000e+00> : vector<3200x64xf32>
    %dot_general3A_54 = tpu.matmul %add3A_52, %broadcast_in_dim3A_8, %dot_general3A_53 {dimension_numbers = #tpu.dot_dimension_numbers<[1], [0], [0], [1], [0, 0, 1, 1], [], []>, transpose_lhs_hint = false} : vector<3200x64xf32>, vector<64x64xf32>, vector<3200x64xf32> -> vector<3200x64xf32>
    %sub3A = arith.subf %add3A_52, %dot_general3A_54 : vector<3200x64xf32>
    %mul3A = arith.mulf %sub3A, %sub3A : vector<3200x64xf32>
    %dot_general3A_55 = arith.constant dense<0.000000e+00> : vector<3200x64xf32>
    %dot_general3A_56 = tpu.matmul %mul3A, %broadcast_in_dim3A_8, %dot_general3A_55 {dimension_numbers = #tpu.dot_dimension_numbers<[1], [0], [0], [1], [0, 0, 1, 1], [], []>, transpose_lhs_hint = false} : vector<3200x64xf32>, vector<64x64xf32>, vector<3200x64xf32> -> vector<3200x64xf32>
    %add3A_57 = arith.constant 9.99999974E-6 : f32
    %add3A_58 = vector.broadcast %add3A_57 : f32 to vector<3200x64xf32>
    %add3A_59 = arith.addf %dot_general3A_56, %add3A_58 : vector<3200x64xf32>
    %rsqrt3A = math.rsqrt %add3A_59 : vector<3200x64xf32>
    %mul3A_60 = arith.mulf %sub3A, %rsqrt3A : vector<3200x64xf32>
    %mul3A_61 = vector.broadcast %get3A_4 : vector<1x64xf32> to vector<3200x64xf32>
    %mul3A_62 = arith.mulf %mul3A_60, %mul3A_61 : vector<3200x64xf32>
    %add3A_63 = vector.broadcast %get3A_7 : vector<1x64xf32> to vector<3200x64xf32>
    %add3A_64 = arith.addf %mul3A_62, %add3A_63 : vector<3200x64xf32>
    %get3A_65 = arith.constant 0 : index
    %get3A_66 = arith.constant 0 : index
    %get3A_67 = vector.load %arg12[%get3A_65, %get3A_66] : memref<64x192xf32, #tpu.memory_space<vmem>>, vector<64x192xf32>
    %dot_general3A_68 = arith.constant dense<0.000000e+00> : vector<3200x192xf32>
    %dot_general3A_69 = tpu.matmul %add3A_64, %get3A_67, %dot_general3A_68 {dimension_numbers = #tpu.dot_dimension_numbers<[1], [0], [0], [1], [0, 0, 1, 1], [], []>, transpose_lhs_hint = false} : vector<3200x64xf32>, vector<64x192xf32>, vector<3200x192xf32> -> vector<3200x192xf32>
    %get3A_70 = arith.constant 0 : index
    %get3A_71 = arith.constant 0 : index
    %get3A_72 = vector.load %arg14[%get3A_70, %get3A_71] : memref<1x192xf32, #tpu.memory_space<vmem>>, vector<1x192xf32>
    %add3A_73 = vector.broadcast %get3A_72 : vector<1x192xf32> to vector<3200x192xf32>
    %add3A_74 = arith.addf %dot_general3A_69, %add3A_73 : vector<3200x192xf32>
    %swap3A = arith.constant 0 : index
    %swap3A_75 = arith.constant 0 : index
    %swap3A_76 = vector.load %arg24[%swap3A, %swap3A_75] : memref<3200x192xf32, #tpu.memory_space<vmem>>, vector<3200x192xf32>
    tpu.vector_store %arg24[%swap3A, %swap3A_75], %add3A_74 {strides = array<i32>} : memref<3200x192xf32, #tpu.memory_space<vmem>>, vector<3200x192xf32>,
    %get3A_77 = arith.constant 0 : index
    %get3A_78 = arith.constant 0 : index
    %get3A_79 = vector.load %arg13[%get3A_77, %get3A_78] : memref<64x192xf32, #tpu.memory_space<vmem>>, vector<64x192xf32>
    %get3A_80 = arith.constant 0 : index
    %get3A_81 = arith.constant 0 : index
    %get3A_82 = vector.load %arg15[%get3A_80, %get3A_81] : memref<1x192xf32, #tpu.memory_space<vmem>>, vector<1x192xf32>
    %scan3A = arith.constant 0 : i32
    %scan3A_83 = arith.constant 50 : i32
    %scan3A_84 = arith.addi %scan3A, %scan3A_83 : i32
    %scan3A_85 = arith.constant 1 : i32
    %scan3A_86 = scf.for %scan3A_197 = %scan3A to %scan3A_84 step %scan3A_85 iter_args(%scan3A_198 = %broadcast_in_dim3A_10) -> (vector<64x64xf32>)  : i32 {
      %mul3A_199 = arith.constant 64 : i32
      %mul3A_200 = arith.muli %scan3A_197, %mul3A_199 : i32
      %get3A_201 = arith.index_cast %mul3A_200 : i32 to index
      %get3A_202 = arith.constant 0 : index
      %get3A_203 = vector.load %arg24[%get3A_201, %get3A_202] : memref<3200x192xf32, #tpu.memory_space<vmem>>, vector<64x192xf32>
      %dot_general3A_204 = arith.constant dense<0.000000e+00> : vector<64x192xf32>
      %dot_general3A_205 = tpu.matmul %scan3A_198, %get3A_79, %dot_general3A_204 {dimension_numbers = #tpu.dot_dimension_numbers<[1], [0], [0], [1], [0, 0, 1, 1], [], []>, transpose_lhs_hint = false} : vector<64x64xf32>, vector<64x192xf32>, vector<64x192xf32> -> vector<64x192xf32>
      %add3A_206 = vector.broadcast %get3A_82 : vector<1x192xf32> to vector<64x192xf32>
      %add3A_207 = arith.addf %dot_general3A_205, %add3A_206 : vector<64x192xf32>
      %slice3A_208 = vector.extract_strided_slice %get3A_203 {offsets = [0, 0], sizes = [64, 64], strides = [1, 1]} : vector<64x192xf32> to vector<64x64xf32>
      %slice3A_209 = vector.extract_strided_slice %add3A_207 {offsets = [0, 0], sizes = [64, 64], strides = [1, 1]} : vector<64x192xf32> to vector<64x64xf32>
      %add3A_210 = arith.addf %slice3A_208, %slice3A_209 : vector<64x64xf32>
      %logistic3A = arith.negf %add3A_210 : vector<64x64xf32>
      %logistic3A_211 = math.exp %logistic3A : vector<64x64xf32>
      %logistic3A_212 = arith.constant 1.000000e+00 : f32
      %logistic3A_213 = vector.broadcast %logistic3A_212 : f32 to vector<64x64xf32>
      %logistic3A_214 = arith.addf %logistic3A_213, %logistic3A_211 : vector<64x64xf32>
      %logistic3A_215 = arith.divf %logistic3A_213, %logistic3A_214 : vector<64x64xf32>
      %slice3A_216 = vector.extract_strided_slice %get3A_203 {offsets = [0, 64], sizes = [64, 64], strides = [1, 1]} : vector<64x192xf32> to vector<64x64xf32>
      %slice3A_217 = vector.extract_strided_slice %add3A_207 {offsets = [0, 64], sizes = [64, 64], strides = [1, 1]} : vector<64x192xf32> to vector<64x64xf32>
      %add3A_218 = arith.addf %slice3A_216, %slice3A_217 : vector<64x64xf32>
      %logistic3A_219 = arith.negf %add3A_218 : vector<64x64xf32>
      %logistic3A_220 = math.exp %logistic3A_219 : vector<64x64xf32>
      %logistic3A_221 = arith.constant 1.000000e+00 : f32
      %logistic3A_222 = vector.broadcast %logistic3A_221 : f32 to vector<64x64xf32>
      %logistic3A_223 = arith.addf %logistic3A_222, %logistic3A_220 : vector<64x64xf32>
      %logistic3A_224 = arith.divf %logistic3A_222, %logistic3A_223 : vector<64x64xf32>
      %slice3A_225 = vector.extract_strided_slice %get3A_203 {offsets = [0, 128], sizes = [64, 64], strides = [1, 1]} : vector<64x192xf32> to vector<64x64xf32>
      %slice3A_226 = vector.extract_strided_slice %add3A_207 {offsets = [0, 128], sizes = [64, 64], strides = [1, 1]} : vector<64x192xf32> to vector<64x64xf32>
      %mul3A_227 = arith.mulf %logistic3A_215, %slice3A_226 : vector<64x64xf32>
      %add3A_228 = arith.addf %slice3A_225, %mul3A_227 : vector<64x64xf32>
      %tanh3A = math.tanh %add3A_228 : vector<64x64xf32>
      %sub3A_229 = arith.constant 1.000000e+00 : f32
      %sub3A_230 = vector.broadcast %sub3A_229 : f32 to vector<64x64xf32>
      %sub3A_231 = arith.subf %sub3A_230, %logistic3A_224 : vector<64x64xf32>
      %mul3A_232 = arith.mulf %sub3A_231, %tanh3A : vector<64x64xf32>
      %mul3A_233 = arith.mulf %logistic3A_224, %scan3A_198 : vector<64x64xf32>
      %add3A_234 = arith.addf %mul3A_232, %mul3A_233 : vector<64x64xf32>
      scf.yield %add3A_234 : vector<64x64xf32>
    }
    %scan3A_87 = arith.constant 50 : i32
    %swap3A_88 = arith.constant 0 : index
    %swap3A_89 = arith.constant 0 : index
    %swap3A_90 = vector.load %arg22[%swap3A_88, %swap3A_89] : memref<64x64xf32, #tpu.memory_space<vmem>>, vector<64x64xf32>
    tpu.vector_store %arg22[%swap3A_88, %swap3A_89], %scan3A_86 {strides = array<i32>} : memref<64x64xf32, #tpu.memory_space<vmem>>, vector<64x64xf32>,
    %get3A_91 = arith.constant 0 : index
    %get3A_92 = arith.constant 0 : index
    %get3A_93 = arith.constant 0 : index
    %get3A_94 = vector.load %arg2[%get3A_91, %get3A_92, %get3A_93] : memref<50x64x80xf32, #tpu.memory_space<vmem>>, vector<50x64x80xf32>
    %get3A_95 = arith.constant 0 : index
    %get3A_96 = arith.constant 0 : index
    %get3A_97 = arith.constant 0 : index
    %get3A_98 = vector.load %arg4[%get3A_95, %get3A_96, %get3A_97] : memref<50x64x24xf32, #tpu.memory_space<vmem>>, vector<50x64x24xf32>
    %get3A_99 = arith.constant 0 : index
    %get3A_100 = arith.constant 0 : index
    %get3A_101 = arith.constant 0 : index
    %get3A_102 = vector.load %arg6[%get3A_99, %get3A_100, %get3A_101] : memref<50x64x16xi32, #tpu.memory_space<vmem>>, vector<50x64x16xi32>
    %reshape3A_103 = vector.shape_cast %get3A_94 : vector<50x64x80xf32> to vector<3200x80xf32>
    %slice3A_104 = vector.extract_strided_slice %reshape3A_103 {offsets = [0, 0], sizes = [3200, 64], strides = [1, 1]} : vector<3200x80xf32> to vector<3200x64xf32>
    %reshape3A_105 = vector.shape_cast %get3A_98 : vector<50x64x24xf32> to vector<3200x24xf32>
    %reshape3A_106 = vector.shape_cast %get3A_102 : vector<50x64x16xi32> to vector<3200x16xi32>
    %slice3A_107 = vector.extract_strided_slice %reshape3A_105 {offsets = [0, 0], sizes = [3200, 8], strides = [1, 1]} : vector<3200x24xf32> to vector<3200x8xf32>
    %cos3A_108 = math.cos %slice3A_107 : vector<3200x8xf32>
    %abs3A_109 = math.absf %slice3A_107 : vector<3200x8xf32>
    %neg3A_110 = arith.constant 0.000000e+00 : f32
    %neg3A_111 = vector.broadcast %neg3A_110 : f32 to vector<3200x8xf32>
    %neg3A_112 = arith.subf %neg3A_111, %abs3A_109 : vector<3200x8xf32>
    %exp3A_113 = math.exp %neg3A_112 : vector<3200x8xf32>
    %concatenate3A_114 = tpu.concatenate %cos3A_108, %exp3A_113 in 1 : vector<3200x8xf32>, vector<3200x8xf32> -> vector<3200x16xf32>
    %get3A_115 = arith.constant 0 : index
    %get3A_116 = arith.constant 0 : index
    %get3A_117 = vector.load %arg8[%get3A_115, %get3A_116] : memref<16x64xf32, #tpu.memory_space<vmem>>, vector<16x64xf32>
    %dot_general3A_118 = arith.constant dense<0.000000e+00> : vector<3200x64xf32>
    %dot_general3A_119 = tpu.matmul %concatenate3A_114, %get3A_117, %dot_general3A_118 {dimension_numbers = #tpu.dot_dimension_numbers<[1], [0], [0], [1], [0, 0, 1, 1], [], []>, transpose_lhs_hint = false} : vector<3200x16xf32>, vector<16x64xf32>, vector<3200x64xf32> -> vector<3200x64xf32>
    %slice3A_120 = vector.extract_strided_slice %reshape3A_103 {offsets = [0, 64], sizes = [3200, 8], strides = [1, 1]} : vector<3200x80xf32> to vector<3200x8xf32>
    %convert_element_type3A_121 = arith.fptosi %slice3A_120 : vector<3200x8xf32> to vector<3200x8xi32>
    %slice3A_122 = vector.extract_strided_slice %reshape3A_105 {offsets = [0, 16], sizes = [3200, 8], strides = [1, 1]} : vector<3200x24xf32> to vector<3200x8xf32>
    %convert_element_type3A_123 = arith.fptosi %slice3A_122 : vector<3200x8xf32> to vector<3200x8xi32>
    %eq3A_124 = arith.cmpi eq, %convert_element_type3A_121, %convert_element_type3A_123 : vector<3200x8xi32>
    %convert_element_type3A_125 = arith.extui %eq3A_124 : vector<3200x8xi1> to vector<3200x8xi32>
    %convert_element_type3A_126 = arith.sitofp %convert_element_type3A_125 : vector<3200x8xi32> to vector<3200x8xf32>
    %slice3A_127 = vector.extract_strided_slice %reshape3A_106 {offsets = [0, 0], sizes = [3200, 8], strides = [1, 1]} : vector<3200x16xi32> to vector<3200x8xi32>
    %slice3A_128 = vector.extract_strided_slice %reshape3A_106 {offsets = [0, 8], sizes = [3200, 8], strides = [1, 1]} : vector<3200x16xi32> to vector<3200x8xi32>
    %eq3A_129 = arith.cmpi eq, %slice3A_127, %slice3A_128 : vector<3200x8xi32>
    %convert_element_type3A_130 = arith.extui %eq3A_129 : vector<3200x8xi1> to vector<3200x8xi32>
    %convert_element_type3A_131 = arith.sitofp %convert_element_type3A_130 : vector<3200x8xi32> to vector<3200x8xf32>
    %add3A_132 = arith.addf %convert_element_type3A_126, %convert_element_type3A_131 : vector<3200x8xf32>
    %slice3A_133 = vector.extract_strided_slice %reshape3A_105 {offsets = [0, 8], sizes = [3200, 8], strides = [1, 1]} : vector<3200x24xf32> to vector<3200x8xf32>
    %add3A_134 = arith.addf %add3A_132, %slice3A_133 : vector<3200x8xf32>
    %get3A_135 = arith.constant 0 : index
    %get3A_136 = arith.constant 0 : index
    %get3A_137 = vector.load %arg7[%get3A_135, %get3A_136] : memref<8x64xf32, #tpu.memory_space<vmem>>, vector<8x64xf32>
    %dot_general3A_138 = arith.constant dense<0.000000e+00> : vector<3200x64xf32>
    %dot_general3A_139 = tpu.matmul %add3A_134, %get3A_137, %dot_general3A_138 {dimension_numbers = #tpu.dot_dimension_numbers<[1], [0], [0], [1], [0, 0, 1, 1], [], []>, transpose_lhs_hint = false} : vector<3200x8xf32>, vector<8x64xf32>, vector<3200x64xf32> -> vector<3200x64xf32>
    %add3A_140 = arith.addf %slice3A_104, %dot_general3A_119 : vector<3200x64xf32>
    %add3A_141 = arith.addf %add3A_140, %dot_general3A_139 : vector<3200x64xf32>
    %add3A_142 = vector.broadcast %get3A_1 : vector<1x64xf32> to vector<3200x64xf32>
    %add3A_143 = arith.addf %add3A_141, %add3A_142 : vector<3200x64xf32>
    %dot_general3A_144 = arith.constant dense<0.000000e+00> : vector<3200x64xf32>
    %dot_general3A_145 = tpu.matmul %add3A_143, %broadcast_in_dim3A_8, %dot_general3A_144 {dimension_numbers = #tpu.dot_dimension_numbers<[1], [0], [0], [1], [0, 0, 1, 1], [], []>, transpose_lhs_hint = false} : vector<3200x64xf32>, vector<64x64xf32>, vector<3200x64xf32> -> vector<3200x64xf32>
    %sub3A_146 = arith.subf %add3A_143, %dot_general3A_145 : vector<3200x64xf32>
    %mul3A_147 = arith.mulf %sub3A_146, %sub3A_146 : vector<3200x64xf32>
    %dot_general3A_148 = arith.constant dense<0.000000e+00> : vector<3200x64xf32>
    %dot_general3A_149 = tpu.matmul %mul3A_147, %broadcast_in_dim3A_8, %dot_general3A_148 {dimension_numbers = #tpu.dot_dimension_numbers<[1], [0], [0], [1], [0, 0, 1, 1], [], []>, transpose_lhs_hint = false} : vector<3200x64xf32>, vector<64x64xf32>, vector<3200x64xf32> -> vector<3200x64xf32>
    %add3A_150 = arith.constant 9.99999974E-6 : f32
    %add3A_151 = vector.broadcast %add3A_150 : f32 to vector<3200x64xf32>
    %add3A_152 = arith.addf %dot_general3A_149, %add3A_151 : vector<3200x64xf32>
    %rsqrt3A_153 = math.rsqrt %add3A_152 : vector<3200x64xf32>
    %mul3A_154 = arith.mulf %sub3A_146, %rsqrt3A_153 : vector<3200x64xf32>
    %mul3A_155 = vector.broadcast %get3A_4 : vector<1x64xf32> to vector<3200x64xf32>
    %mul3A_156 = arith.mulf %mul3A_154, %mul3A_155 : vector<3200x64xf32>
    %add3A_157 = vector.broadcast %get3A_7 : vector<1x64xf32> to vector<3200x64xf32>
    %add3A_158 = arith.addf %mul3A_156, %add3A_157 : vector<3200x64xf32>
    %get3A_159 = arith.constant 0 : index
    %get3A_160 = arith.constant 0 : index
    %get3A_161 = vector.load %arg16[%get3A_159, %get3A_160] : memref<64x192xf32, #tpu.memory_space<vmem>>, vector<64x192xf32>
    %dot_general3A_162 = arith.constant dense<0.000000e+00> : vector<3200x192xf32>
    %dot_general3A_163 = tpu.matmul %add3A_158, %get3A_161, %dot_general3A_162 {dimension_numbers = #tpu.dot_dimension_numbers<[1], [0], [0], [1], [0, 0, 1, 1], [], []>, transpose_lhs_hint = false} : vector<3200x64xf32>, vector<64x192xf32>, vector<3200x192xf32> -> vector<3200x192xf32>
    %get3A_164 = arith.constant 0 : index
    %get3A_165 = arith.constant 0 : index
    %get3A_166 = vector.load %arg18[%get3A_164, %get3A_165] : memref<1x192xf32, #tpu.memory_space<vmem>>, vector<1x192xf32>
    %add3A_167 = vector.broadcast %get3A_166 : vector<1x192xf32> to vector<3200x192xf32>
    %add3A_168 = arith.addf %dot_general3A_163, %add3A_167 : vector<3200x192xf32>
    %swap3A_169 = arith.constant 0 : index
    %swap3A_170 = arith.constant 0 : index
    %swap3A_171 = vector.load %arg24[%swap3A_169, %swap3A_170] : memref<3200x192xf32, #tpu.memory_space<vmem>>, vector<3200x192xf32>
    tpu.vector_store %arg24[%swap3A_169, %swap3A_170], %add3A_168 {strides = array<i32>} : memref<3200x192xf32, #tpu.memory_space<vmem>>, vector<3200x192xf32>,
    %get3A_172 = arith.constant 0 : index
    %get3A_173 = arith.constant 0 : index
    %get3A_174 = vector.load %arg17[%get3A_172, %get3A_173] : memref<64x192xf32, #tpu.memory_space<vmem>>, vector<64x192xf32>
    %get3A_175 = arith.constant 0 : index
    %get3A_176 = arith.constant 0 : index
    %get3A_177 = vector.load %arg19[%get3A_175, %get3A_176] : memref<1x192xf32, #tpu.memory_space<vmem>>, vector<1x192xf32>
    %scan3A_178 = arith.constant 0 : i32
    %scan3A_179 = arith.constant 50 : i32
    %scan3A_180 = arith.addi %scan3A_178, %scan3A_179 : i32
    %scan3A_181 = arith.constant 1 : i32
    %scan3A_182 = scf.for %scan3A_197 = %scan3A_178 to %scan3A_180 step %scan3A_181 iter_args(%scan3A_198 = %broadcast_in_dim3A_10) -> (vector<64x64xf32>)  : i32 {
      %mul3A_199 = arith.constant 64 : i32
      %mul3A_200 = arith.muli %scan3A_197, %mul3A_199 : i32
      %get3A_201 = arith.index_cast %mul3A_200 : i32 to index
      %get3A_202 = arith.constant 0 : index
      %get3A_203 = vector.load %arg24[%get3A_201, %get3A_202] : memref<3200x192xf32, #tpu.memory_space<vmem>>, vector<64x192xf32>
      %dot_general3A_204 = arith.constant dense<0.000000e+00> : vector<64x192xf32>
      %dot_general3A_205 = tpu.matmul %scan3A_198, %get3A_174, %dot_general3A_204 {dimension_numbers = #tpu.dot_dimension_numbers<[1], [0], [0], [1], [0, 0, 1, 1], [], []>, transpose_lhs_hint = false} : vector<64x64xf32>, vector<64x192xf32>, vector<64x192xf32> -> vector<64x192xf32>
      %add3A_206 = vector.broadcast %get3A_177 : vector<1x192xf32> to vector<64x192xf32>
      %add3A_207 = arith.addf %dot_general3A_205, %add3A_206 : vector<64x192xf32>
      %slice3A_208 = vector.extract_strided_slice %get3A_203 {offsets = [0, 0], sizes = [64, 64], strides = [1, 1]} : vector<64x192xf32> to vector<64x64xf32>
      %slice3A_209 = vector.extract_strided_slice %add3A_207 {offsets = [0, 0], sizes = [64, 64], strides = [1, 1]} : vector<64x192xf32> to vector<64x64xf32>
      %add3A_210 = arith.addf %slice3A_208, %slice3A_209 : vector<64x64xf32>
      %logistic3A = arith.negf %add3A_210 : vector<64x64xf32>
      %logistic3A_211 = math.exp %logistic3A : vector<64x64xf32>
      %logistic3A_212 = arith.constant 1.000000e+00 : f32
      %logistic3A_213 = vector.broadcast %logistic3A_212 : f32 to vector<64x64xf32>
      %logistic3A_214 = arith.addf %logistic3A_213, %logistic3A_211 : vector<64x64xf32>
      %logistic3A_215 = arith.divf %logistic3A_213, %logistic3A_214 : vector<64x64xf32>
      %slice3A_216 = vector.extract_strided_slice %get3A_203 {offsets = [0, 64], sizes = [64, 64], strides = [1, 1]} : vector<64x192xf32> to vector<64x64xf32>
      %slice3A_217 = vector.extract_strided_slice %add3A_207 {offsets = [0, 64], sizes = [64, 64], strides = [1, 1]} : vector<64x192xf32> to vector<64x64xf32>
      %add3A_218 = arith.addf %slice3A_216, %slice3A_217 : vector<64x64xf32>
      %logistic3A_219 = arith.negf %add3A_218 : vector<64x64xf32>
      %logistic3A_220 = math.exp %logistic3A_219 : vector<64x64xf32>
      %logistic3A_221 = arith.constant 1.000000e+00 : f32
      %logistic3A_222 = vector.broadcast %logistic3A_221 : f32 to vector<64x64xf32>
      %logistic3A_223 = arith.addf %logistic3A_222, %logistic3A_220 : vector<64x64xf32>
      %logistic3A_224 = arith.divf %logistic3A_222, %logistic3A_223 : vector<64x64xf32>
      %slice3A_225 = vector.extract_strided_slice %get3A_203 {offsets = [0, 128], sizes = [64, 64], strides = [1, 1]} : vector<64x192xf32> to vector<64x64xf32>
      %slice3A_226 = vector.extract_strided_slice %add3A_207 {offsets = [0, 128], sizes = [64, 64], strides = [1, 1]} : vector<64x192xf32> to vector<64x64xf32>
      %mul3A_227 = arith.mulf %logistic3A_215, %slice3A_226 : vector<64x64xf32>
      %add3A_228 = arith.addf %slice3A_225, %mul3A_227 : vector<64x64xf32>
      %tanh3A = math.tanh %add3A_228 : vector<64x64xf32>
      %sub3A_229 = arith.constant 1.000000e+00 : f32
      %sub3A_230 = vector.broadcast %sub3A_229 : f32 to vector<64x64xf32>
      %sub3A_231 = arith.subf %sub3A_230, %logistic3A_224 : vector<64x64xf32>
      %mul3A_232 = arith.mulf %sub3A_231, %tanh3A : vector<64x64xf32>
      %mul3A_233 = arith.mulf %logistic3A_224, %scan3A_198 : vector<64x64xf32>
      %add3A_234 = arith.addf %mul3A_232, %mul3A_233 : vector<64x64xf32>
      scf.yield %add3A_234 : vector<64x64xf32>
    }
    %scan3A_183 = arith.constant 50 : i32
    %get3A_184 = arith.constant 0 : index
    %get3A_185 = arith.constant 0 : index
    %get3A_186 = vector.load %arg20[%get3A_184, %get3A_185] : memref<64x64xf32, #tpu.memory_space<vmem>>, vector<64x64xf32>
    %dot_general3A_187 = arith.constant dense<0.000000e+00> : vector<64x64xf32>
    %dot_general3A_188 = tpu.matmul %scan3A_182, %get3A_186, %dot_general3A_187 {dimension_numbers = #tpu.dot_dimension_numbers<[1], [0], [0], [1], [0, 0, 1, 1], [], []>, transpose_lhs_hint = false} : vector<64x64xf32>, vector<64x64xf32>, vector<64x64xf32> -> vector<64x64xf32>
    %get3A_189 = arith.constant 0 : index
    %get3A_190 = arith.constant 0 : index
    %get3A_191 = vector.load %arg21[%get3A_189, %get3A_190] : memref<1x64xf32, #tpu.memory_space<vmem>>, vector<1x64xf32>
    %add3A_192 = vector.broadcast %get3A_191 : vector<1x64xf32> to vector<64x64xf32>
    %add3A_193 = arith.addf %dot_general3A_188, %add3A_192 : vector<64x64xf32>
    %swap3A_194 = arith.constant 0 : index
    %swap3A_195 = arith.constant 0 : index
    %swap3A_196 = vector.load %arg23[%swap3A_194, %swap3A_195] : memref<64x64xf32, #tpu.memory_space<vmem>>, vector<64x64xf32>
    tpu.vector_store %arg23[%swap3A_194, %swap3A_195], %add3A_193 {strides = array<i32>} : memref<64x64xf32, #tpu.memory_space<vmem>>, vector<64x64xf32>,
    return
  }
  func.func @transform_0(%arg0: i32) -> (i32, i32, i32) {
    %c0_i32 = arith.constant 0 : i32
    %c0_i32_0 = arith.constant 0 : i32
    %c0_i32_1 = arith.constant 0 : i32
    return %c0_i32, %arg0, %c0_i32_0 : i32, i32, i32
  }
  func.func @transform_1(%arg0: i32) -> (i32, i32, i32) {
    %c0_i32 = arith.constant 0 : i32
    %c0_i32_0 = arith.constant 0 : i32
    %c0_i32_1 = arith.constant 0 : i32
    return %c0_i32, %arg0, %c0_i32_0 : i32, i32, i32
  }
  func.func @transform_2(%arg0: i32) -> (i32, i32, i32) {
    %c0_i32 = arith.constant 0 : i32
    %c0_i32_0 = arith.constant 0 : i32
    %c0_i32_1 = arith.constant 0 : i32
    return %c0_i32, %arg0, %c0_i32_0 : i32, i32, i32
  }
  func.func @transform_3(%arg0: i32) -> (i32, i32, i32) {
    %c0_i32 = arith.constant 0 : i32
    %c0_i32_0 = arith.constant 0 : i32
    %c0_i32_1 = arith.constant 0 : i32
    return %c0_i32, %arg0, %c0_i32_0 : i32, i32, i32
  }
  func.func @transform_4(%arg0: i32) -> (i32, i32, i32) {
    %c0_i32 = arith.constant 0 : i32
    %c0_i32_0 = arith.constant 0 : i32
    %c0_i32_1 = arith.constant 0 : i32
    return %c0_i32, %arg0, %c0_i32_0 : i32, i32, i32
  }
  func.func @transform_5(%arg0: i32) -> (i32, i32, i32) {
    %c0_i32 = arith.constant 0 : i32
    %c0_i32_0 = arith.constant 0 : i32
    %c0_i32_1 = arith.constant 0 : i32
    return %c0_i32, %arg0, %c0_i32_0 : i32, i32, i32
  }
  func.func @transform_6(%arg0: i32) -> (i32, i32) {
    %c0_i32 = arith.constant 0 : i32
    %c0_i32_0 = arith.constant 0 : i32
    %c0_i32_1 = arith.constant 0 : i32
    return %c0_i32, %c0_i32_0 : i32, i32
  }
  func.func @transform_7(%arg0: i32) -> (i32, i32) {
    %c0_i32 = arith.constant 0 : i32
    %c0_i32_0 = arith.constant 0 : i32
    %c0_i32_1 = arith.constant 0 : i32
    return %c0_i32, %c0_i32_0 : i32, i32
  }
  func.func @transform_8(%arg0: i32) -> (i32, i32) {
    %c0_i32 = arith.constant 0 : i32
    %c0_i32_0 = arith.constant 0 : i32
    %c0_i32_1 = arith.constant 0 : i32
    return %c0_i32, %c0_i32_0 : i32, i32
  }
  func.func @transform_9(%arg0: i32) -> (i32, i32) {
    %c0_i32 = arith.constant 0 : i32
    %c0_i32_0 = arith.constant 0 : i32
    %c0_i32_1 = arith.constant 0 : i32
    return %c0_i32, %c0_i32_0 : i32, i32
  }
  func.func @transform_10(%arg0: i32) -> (i32, i32) {
    %c0_i32 = arith.constant 0 : i32
    %c0_i32_0 = arith.constant 0 : i32
    %c0_i32_1 = arith.constant 0 : i32
    return %c0_i32, %c0_i32_0 : i32, i32
  }
  func.func @transform_11(%arg0: i32) -> (i32, i32) {
    %c0_i32 = arith.constant 0 : i32
    %c0_i32_0 = arith.constant 0 : i32
    %c0_i32_1 = arith.constant 0 : i32
    return %c0_i32, %c0_i32_0 : i32, i32
  }
  func.func @transform_12(%arg0: i32) -> (i32, i32) {
    %c0_i32 = arith.constant 0 : i32
    %c0_i32_0 = arith.constant 0 : i32
    %c0_i32_1 = arith.constant 0 : i32
    return %c0_i32, %c0_i32_0 : i32, i32
  }
  func.func @transform_13(%arg0: i32) -> (i32, i32) {
    %c0_i32 = arith.constant 0 : i32
    %c0_i32_0 = arith.constant 0 : i32
    %c0_i32_1 = arith.constant 0 : i32
    return %c0_i32, %c0_i32_0 : i32, i32
  }
  func.func @transform_14(%arg0: i32) -> (i32, i32) {
    %c0_i32 = arith.constant 0 : i32
    %c0_i32_0 = arith.constant 0 : i32
    %c0_i32_1 = arith.constant 0 : i32
    return %c0_i32, %c0_i32_0 : i32, i32
  }
  func.func @transform_15(%arg0: i32) -> (i32, i32) {
    %c0_i32 = arith.constant 0 : i32
    %c0_i32_0 = arith.constant 0 : i32
    %c0_i32_1 = arith.constant 0 : i32
    return %c0_i32, %c0_i32_0 : i32, i32
  }
  func.func @transform_16(%arg0: i32) -> (i32, i32) {
    %c0_i32 = arith.constant 0 : i32
    %c0_i32_0 = arith.constant 0 : i32
    %c0_i32_1 = arith.constant 0 : i32
    return %c0_i32, %c0_i32_0 : i32, i32
  }
  func.func @transform_17(%arg0: i32) -> (i32, i32) {
    %c0_i32 = arith.constant 0 : i32
    %c0_i32_0 = arith.constant 0 : i32
    %c0_i32_1 = arith.constant 0 : i32
    return %c0_i32, %c0_i32_0 : i32, i32
  }
  func.func @transform_18(%arg0: i32) -> (i32, i32) {
    %c0_i32 = arith.constant 0 : i32
    %c0_i32_0 = arith.constant 0 : i32
    %c0_i32_1 = arith.constant 0 : i32
    return %c0_i32, %c0_i32_0 : i32, i32
  }
  func.func @transform_19(%arg0: i32) -> (i32, i32) {
    %c0_i32 = arith.constant 0 : i32
    %c0_i32_0 = arith.constant 0 : i32
    %c0_i32_1 = arith.constant 0 : i32
    return %c0_i32, %c0_i32_0 : i32, i32
  }
  func.func @transform_20(%arg0: i32) -> (i32, i32) {
    %c0_i32 = arith.constant 0 : i32
    %c0_i32_0 = arith.constant 0 : i32
    %c0_i32_1 = arith.constant 0 : i32
    return %c0_i32, %c0_i32_0 : i32, i32
  }
  func.func @transform_21(%arg0: i32) -> (i32, i32) {
    %c0_i32 = arith.constant 0 : i32
    %c0_i32_0 = arith.constant 0 : i32
    return %arg0, %c0_i32 : i32, i32
  }
  func.func @transform_22(%arg0: i32) -> (i32, i32) {
    %c0_i32 = arith.constant 0 : i32
    %c0_i32_0 = arith.constant 0 : i32
    return %arg0, %c0_i32 : i32, i32
  }
}

module attributes {stable_mosaic.version = 14 : i64} {
  func.func @_c2_body(%arg0: i32, %arg1: memref<8000x8xi32, #tpu.memory_space<vmem>>, %arg2: memref<8000x80xf32, #tpu.memory_space<vmem>>, %arg3: memref<32x64xf32, #tpu.memory_space<vmem>>, %arg4: memref<8x8xf32, #tpu.memory_space<vmem>>, %arg5: memref<64x64xf32, #tpu.memory_space<vmem>>, %arg6: memref<1x64xf32, #tpu.memory_space<vmem>>, %arg7: memref<128x64xf32, #tpu.memory_space<vmem>>, %arg8: memref<1x64xf32, #tpu.memory_space<vmem>>, %arg9: memref<64x64xf32, #tpu.memory_space<vmem>>, %arg10: memref<1x64xf32, #tpu.memory_space<vmem>>, %arg11: memref<32x64xf32, #tpu.memory_space<vmem>>) attributes {dimension_semantics = [#tpu.dimension_semantics<arbitrary>], iteration_bounds = array<i64: 32>, scalar_prefetch = 0 : i64, scratch_operands = 0 : i64, tpu.core_type = #tpu.core_type<tc>, window_params = [{transform_indices = @transform_0, window_bounds = array<i64: 8000, 8>}, {transform_indices = @transform_1, window_bounds = array<i64: 8000, 80>}, {transform_indices = @transform_2, window_bounds = array<i64: 32, 64>}, {pipeline_mode = #tpu.pipeline_mode<synchronous>, transform_indices = @transform_3, window_bounds = array<i64: 8, 8>}, {pipeline_mode = #tpu.pipeline_mode<synchronous>, transform_indices = @transform_4, window_bounds = array<i64: 64, 64>}, {pipeline_mode = #tpu.pipeline_mode<synchronous>, transform_indices = @transform_5, window_bounds = array<i64: 1, 64>}, {pipeline_mode = #tpu.pipeline_mode<synchronous>, transform_indices = @transform_6, window_bounds = array<i64: 128, 64>}, {pipeline_mode = #tpu.pipeline_mode<synchronous>, transform_indices = @transform_7, window_bounds = array<i64: 1, 64>}, {pipeline_mode = #tpu.pipeline_mode<synchronous>, transform_indices = @transform_8, window_bounds = array<i64: 64, 64>}, {pipeline_mode = #tpu.pipeline_mode<synchronous>, transform_indices = @transform_9, window_bounds = array<i64: 1, 64>}, {transform_indices = @transform_10, window_bounds = array<i64: 32, 64>}]} {
    %get3A = arith.constant 0 : index
    %get3A_0 = arith.constant 0 : index
    %get3A_1 = vector.load %arg1[%get3A, %get3A_0] : memref<8000x8xi32, #tpu.memory_space<vmem>>, vector<8000x8xi32>
    %gt3A = arith.constant 0 : i32
    %gt3A_2 = vector.broadcast %gt3A : i32 to vector<8000x8xi32>
    %gt3A_3 = arith.cmpi sgt, %get3A_1, %gt3A_2 : vector<8000x8xi32>
    %convert_element_type3A = arith.extui %gt3A_3 : vector<8000x8xi1> to vector<8000x8xi32>
    %convert_element_type3A_4 = arith.sitofp %convert_element_type3A : vector<8000x8xi32> to vector<8000x8xf32>
    %get3A_5 = arith.constant 0 : index
    %get3A_6 = arith.constant 0 : index
    %get3A_7 = vector.load %arg4[%get3A_5, %get3A_6] : memref<8x8xf32, #tpu.memory_space<vmem>>, vector<8x8xf32>
    %dot_general3A = arith.constant dense<0.000000e+00> : vector<8000x8xf32>
    %dot_general3A_8 = tpu.matmul %convert_element_type3A_4, %get3A_7, %dot_general3A {dimension_numbers = #tpu.dot_dimension_numbers<[1], [0], [0], [1], [0, 0, 1, 1], [], []>, transpose_lhs_hint = false} : vector<8000x8xf32>, vector<8x8xf32>, vector<8000x8xf32> -> vector<8000x8xf32>
    %eq3A = arith.constant 3.000000e+00 : f32
    %eq3A_9 = vector.broadcast %eq3A : f32 to vector<8000x8xf32>
    %eq3A_10 = arith.cmpf oeq, %dot_general3A_8, %eq3A_9 : vector<8000x8xf32>
    %convert_element_type3A_11 = arith.extui %eq3A_10 : vector<8000x8xi1> to vector<8000x8xi32>
    %convert_element_type3A_12 = arith.sitofp %convert_element_type3A_11 : vector<8000x8xi32> to vector<8000x8xf32>
    %iota3A = tpu.iota {dimensions = array<i32: 0>} : vector<8x64xi32>
    %eq3A_13 = arith.constant 0 : i32
    %eq3A_14 = vector.broadcast %eq3A_13 : i32 to vector<8x64xi32>
    %eq3A_15 = arith.cmpi eq, %iota3A, %eq3A_14 : vector<8x64xi32>
    %convert_element_type3A_16 = arith.extui %eq3A_15 : vector<8x64xi1> to vector<8x64xi32>
    %convert_element_type3A_17 = arith.sitofp %convert_element_type3A_16 : vector<8x64xi32> to vector<8x64xf32>
    %eq3A_18 = arith.constant 1 : i32
    %eq3A_19 = vector.broadcast %eq3A_18 : i32 to vector<8x64xi32>
    %eq3A_20 = arith.cmpi eq, %iota3A, %eq3A_19 : vector<8x64xi32>
    %convert_element_type3A_21 = arith.extui %eq3A_20 : vector<8x64xi1> to vector<8x64xi32>
    %convert_element_type3A_22 = arith.sitofp %convert_element_type3A_21 : vector<8x64xi32> to vector<8x64xf32>
    %le3A = arith.constant 1 : i32
    %le3A_23 = vector.broadcast %le3A : i32 to vector<8x64xi32>
    %le3A_24 = arith.cmpi sle, %iota3A, %le3A_23 : vector<8x64xi32>
    %convert_element_type3A_25 = arith.extui %le3A_24 : vector<8x64xi1> to vector<8x64xi32>
    %convert_element_type3A_26 = arith.sitofp %convert_element_type3A_25 : vector<8x64xi32> to vector<8x64xf32>
    %dot_general3A_27 = arith.constant dense<0.000000e+00> : vector<8000x64xf32>
    %dot_general3A_28 = tpu.matmul %convert_element_type3A_12, %convert_element_type3A_17, %dot_general3A_27 {dimension_numbers = #tpu.dot_dimension_numbers<[1], [0], [0], [1], [0, 0, 1, 1], [], []>, transpose_lhs_hint = false} : vector<8000x8xf32>, vector<8x64xf32>, vector<8000x64xf32> -> vector<8000x64xf32>
    %dot_general3A_29 = arith.constant dense<0.000000e+00> : vector<8000x64xf32>
    %dot_general3A_30 = tpu.matmul %convert_element_type3A_12, %convert_element_type3A_22, %dot_general3A_29 {dimension_numbers = #tpu.dot_dimension_numbers<[1], [0], [0], [1], [0, 0, 1, 1], [], []>, transpose_lhs_hint = false} : vector<8000x8xf32>, vector<8x64xf32>, vector<8000x64xf32> -> vector<8000x64xf32>
    %dot_general3A_31 = arith.constant dense<0.000000e+00> : vector<8000x64xf32>
    %dot_general3A_32 = tpu.matmul %convert_element_type3A_12, %convert_element_type3A_26, %dot_general3A_31 {dimension_numbers = #tpu.dot_dimension_numbers<[1], [0], [0], [1], [0, 0, 1, 1], [], []>, transpose_lhs_hint = false} : vector<8000x8xf32>, vector<8x64xf32>, vector<8000x64xf32> -> vector<8000x64xf32>
    %dot_general3A_33 = arith.constant dense<0.000000e+00> : vector<8000x64xf32>
    %dot_general3A_34 = tpu.matmul %convert_element_type3A_4, %convert_element_type3A_17, %dot_general3A_33 {dimension_numbers = #tpu.dot_dimension_numbers<[1], [0], [0], [1], [0, 0, 1, 1], [], []>, transpose_lhs_hint = false} : vector<8000x8xf32>, vector<8x64xf32>, vector<8000x64xf32> -> vector<8000x64xf32>
    %get3A_35 = arith.constant 0 : index
    %get3A_36 = arith.constant 0 : index
    %get3A_37 = vector.load %arg2[%get3A_35, %get3A_36] : memref<8000x80xf32, #tpu.memory_space<vmem>>, vector<8000x80xf32>
    %slice3A = vector.extract_strided_slice %get3A_37 {offsets = [0, 0], sizes = [8000, 64], strides = [1, 1]} : vector<8000x80xf32> to vector<8000x64xf32>
    %broadcast_in_dim3A = arith.constant 0.000000e+00 : f32
    %broadcast_in_dim3A_38 = vector.broadcast %broadcast_in_dim3A : f32 to vector<1x64xf32>
    %slice3A_39 = vector.extract_strided_slice %slice3A {offsets = [1, 0], sizes = [7999, 64], strides = [1, 1]} : vector<8000x64xf32> to vector<7999x64xf32>
    %concatenate3A = tpu.concatenate %slice3A_39, %broadcast_in_dim3A_38 in 0 : vector<7999x64xf32>, vector<1x64xf32> -> vector<8000x64xf32>
    %slice3A_40 = vector.extract_strided_slice %slice3A {offsets = [0, 0], sizes = [7999, 64], strides = [1, 1]} : vector<8000x64xf32> to vector<7999x64xf32>
    %concatenate3A_41 = tpu.concatenate %broadcast_in_dim3A_38, %slice3A_40 in 0 : vector<1x64xf32>, vector<7999x64xf32> -> vector<8000x64xf32>
    %mul3A = arith.mulf %concatenate3A, %dot_general3A_28 : vector<8000x64xf32>
    %mul3A_42 = arith.mulf %concatenate3A_41, %dot_general3A_30 : vector<8000x64xf32>
    %add3A = arith.addf %mul3A, %mul3A_42 : vector<8000x64xf32>
    %add3A_43 = arith.addf %add3A, %slice3A : vector<8000x64xf32>
    %add3A_44 = arith.constant 1.000000e+00 : f32
    %add3A_45 = vector.broadcast %add3A_44 : f32 to vector<8000x64xf32>
    %add3A_46 = arith.addf %dot_general3A_32, %add3A_45 : vector<8000x64xf32>
    %div3A = arith.divf %add3A_43, %add3A_46 : vector<8000x64xf32>
    %get3A_47 = arith.constant 0 : index
    %get3A_48 = arith.constant 0 : index
    %get3A_49 = vector.load %arg5[%get3A_47, %get3A_48] : memref<64x64xf32, #tpu.memory_space<vmem>>, vector<64x64xf32>
    %dot_general3A_50 = arith.constant dense<0.000000e+00> : vector<8000x64xf32>
    %dot_general3A_51 = tpu.matmul %div3A, %get3A_49, %dot_general3A_50 {dimension_numbers = #tpu.dot_dimension_numbers<[1], [0], [0], [1], [0, 0, 1, 1], [], []>, transpose_lhs_hint = false} : vector<8000x64xf32>, vector<64x64xf32>, vector<8000x64xf32> -> vector<8000x64xf32>
    %get3A_52 = arith.constant 0 : index
    %get3A_53 = arith.constant 0 : index
    %get3A_54 = vector.load %arg6[%get3A_52, %get3A_53] : memref<1x64xf32, #tpu.memory_space<vmem>>, vector<1x64xf32>
    %add3A_55 = vector.broadcast %get3A_54 : vector<1x64xf32> to vector<8000x64xf32>
    %add3A_56 = arith.addf %dot_general3A_51, %add3A_55 : vector<8000x64xf32>
    %max3A = arith.constant 0.000000e+00 : f32
    %max3A_57 = vector.broadcast %max3A : f32 to vector<8000x64xf32>
    %max3A_58 = arith.maximumf %add3A_56, %max3A_57 : vector<8000x64xf32>
    %mul3A_59 = arith.mulf %max3A_58, %dot_general3A_34 : vector<8000x64xf32>
    %reshape3A = vector.shape_cast %mul3A_59 : vector<8000x64xf32> to vector<32x250x64xf32>
    %reduce_sum3A = arith.constant dense<0.000000e+00> : vector<32x64xf32>
    %reduce_sum3A_60 = vector.multi_reduction <add>, %reshape3A, %reduce_sum3A [1] : vector<32x250x64xf32> to vector<32x64xf32>
    %reshape3A_61 = vector.shape_cast %dot_general3A_34 : vector<8000x64xf32> to vector<32x250x64xf32>
    %reduce_sum3A_62 = arith.constant dense<0.000000e+00> : vector<32x64xf32>
    %reduce_sum3A_63 = vector.multi_reduction <add>, %reshape3A_61, %reduce_sum3A_62 [1] : vector<32x250x64xf32> to vector<32x64xf32>
    %max3A_64 = arith.constant 1.000000e+00 : f32
    %max3A_65 = vector.broadcast %max3A_64 : f32 to vector<32x64xf32>
    %max3A_66 = arith.maximumf %reduce_sum3A_63, %max3A_65 : vector<32x64xf32>
    %div3A_67 = arith.divf %reduce_sum3A_60, %max3A_66 : vector<32x64xf32>
    %get3A_68 = arith.constant 0 : index
    %get3A_69 = arith.constant 0 : index
    %get3A_70 = vector.load %arg3[%get3A_68, %get3A_69] : memref<32x64xf32, #tpu.memory_space<vmem>>, vector<32x64xf32>
    %concatenate3A_71 = tpu.concatenate %get3A_70, %div3A_67 in 1 : vector<32x64xf32>, vector<32x64xf32> -> vector<32x128xf32>
    %get3A_72 = arith.constant 0 : index
    %get3A_73 = arith.constant 0 : index
    %get3A_74 = vector.load %arg7[%get3A_72, %get3A_73] : memref<128x64xf32, #tpu.memory_space<vmem>>, vector<128x64xf32>
    %dot_general3A_75 = arith.constant dense<0.000000e+00> : vector<32x64xf32>
    %dot_general3A_76 = tpu.matmul %concatenate3A_71, %get3A_74, %dot_general3A_75 {dimension_numbers = #tpu.dot_dimension_numbers<[1], [0], [0], [1], [0, 0, 1, 1], [], []>, transpose_lhs_hint = false} : vector<32x128xf32>, vector<128x64xf32>, vector<32x64xf32> -> vector<32x64xf32>
    %get3A_77 = arith.constant 0 : index
    %get3A_78 = arith.constant 0 : index
    %get3A_79 = vector.load %arg8[%get3A_77, %get3A_78] : memref<1x64xf32, #tpu.memory_space<vmem>>, vector<1x64xf32>
    %add3A_80 = vector.broadcast %get3A_79 : vector<1x64xf32> to vector<32x64xf32>
    %add3A_81 = arith.addf %dot_general3A_76, %add3A_80 : vector<32x64xf32>
    %max3A_82 = arith.constant 0.000000e+00 : f32
    %max3A_83 = vector.broadcast %max3A_82 : f32 to vector<32x64xf32>
    %max3A_84 = arith.maximumf %add3A_81, %max3A_83 : vector<32x64xf32>
    %get3A_85 = arith.constant 0 : index
    %get3A_86 = arith.constant 0 : index
    %get3A_87 = vector.load %arg9[%get3A_85, %get3A_86] : memref<64x64xf32, #tpu.memory_space<vmem>>, vector<64x64xf32>
    %dot_general3A_88 = arith.constant dense<0.000000e+00> : vector<32x64xf32>
    %dot_general3A_89 = tpu.matmul %max3A_84, %get3A_87, %dot_general3A_88 {dimension_numbers = #tpu.dot_dimension_numbers<[1], [0], [0], [1], [0, 0, 1, 1], [], []>, transpose_lhs_hint = false} : vector<32x64xf32>, vector<64x64xf32>, vector<32x64xf32> -> vector<32x64xf32>
    %get3A_90 = arith.constant 0 : index
    %get3A_91 = arith.constant 0 : index
    %get3A_92 = vector.load %arg10[%get3A_90, %get3A_91] : memref<1x64xf32, #tpu.memory_space<vmem>>, vector<1x64xf32>
    %add3A_93 = vector.broadcast %get3A_92 : vector<1x64xf32> to vector<32x64xf32>
    %add3A_94 = arith.addf %dot_general3A_89, %add3A_93 : vector<32x64xf32>
    %swap3A = arith.constant 0 : index
    %swap3A_95 = arith.constant 0 : index
    %swap3A_96 = vector.load %arg11[%swap3A, %swap3A_95] : memref<32x64xf32, #tpu.memory_space<vmem>>, vector<32x64xf32>
    tpu.vector_store %arg11[%swap3A, %swap3A_95], %add3A_94 {strides = array<i32>} : memref<32x64xf32, #tpu.memory_space<vmem>>, vector<32x64xf32>,
    return
  }
  func.func @transform_0(%arg0: i32) -> (i32, i32) {
    %c0_i32 = arith.constant 0 : i32
    %c0_i32_0 = arith.constant 0 : i32
    return %arg0, %c0_i32 : i32, i32
  }
  func.func @transform_1(%arg0: i32) -> (i32, i32) {
    %c0_i32 = arith.constant 0 : i32
    %c0_i32_0 = arith.constant 0 : i32
    return %arg0, %c0_i32 : i32, i32
  }
  func.func @transform_2(%arg0: i32) -> (i32, i32) {
    %c0_i32 = arith.constant 0 : i32
    %c0_i32_0 = arith.constant 0 : i32
    return %arg0, %c0_i32 : i32, i32
  }
  func.func @transform_3(%arg0: i32) -> (i32, i32) {
    %c0_i32 = arith.constant 0 : i32
    %c0_i32_0 = arith.constant 0 : i32
    %c0_i32_1 = arith.constant 0 : i32
    return %c0_i32, %c0_i32_0 : i32, i32
  }
  func.func @transform_4(%arg0: i32) -> (i32, i32) {
    %c0_i32 = arith.constant 0 : i32
    %c0_i32_0 = arith.constant 0 : i32
    %c0_i32_1 = arith.constant 0 : i32
    return %c0_i32, %c0_i32_0 : i32, i32
  }
  func.func @transform_5(%arg0: i32) -> (i32, i32) {
    %c0_i32 = arith.constant 0 : i32
    %c0_i32_0 = arith.constant 0 : i32
    %c0_i32_1 = arith.constant 0 : i32
    return %c0_i32, %c0_i32_0 : i32, i32
  }
  func.func @transform_6(%arg0: i32) -> (i32, i32) {
    %c0_i32 = arith.constant 0 : i32
    %c0_i32_0 = arith.constant 0 : i32
    %c0_i32_1 = arith.constant 0 : i32
    return %c0_i32, %c0_i32_0 : i32, i32
  }
  func.func @transform_7(%arg0: i32) -> (i32, i32) {
    %c0_i32 = arith.constant 0 : i32
    %c0_i32_0 = arith.constant 0 : i32
    %c0_i32_1 = arith.constant 0 : i32
    return %c0_i32, %c0_i32_0 : i32, i32
  }
  func.func @transform_8(%arg0: i32) -> (i32, i32) {
    %c0_i32 = arith.constant 0 : i32
    %c0_i32_0 = arith.constant 0 : i32
    %c0_i32_1 = arith.constant 0 : i32
    return %c0_i32, %c0_i32_0 : i32, i32
  }
  func.func @transform_9(%arg0: i32) -> (i32, i32) {
    %c0_i32 = arith.constant 0 : i32
    %c0_i32_0 = arith.constant 0 : i32
    %c0_i32_1 = arith.constant 0 : i32
    return %c0_i32, %c0_i32_0 : i32, i32
  }
  func.func @transform_10(%arg0: i32) -> (i32, i32) {
    %c0_i32 = arith.constant 0 : i32
    %c0_i32_0 = arith.constant 0 : i32
    return %arg0, %c0_i32 : i32, i32
  }
}

</mosaic_0001>

<sc_bundles>
// kernel: kernel.11.cloned.1.call-start
scs
__scs_entry_jumppad:
0x0: {  	(pc) =	sbr.rel $0x88, $3  }
0x1: {  	(tag) =	ssettag $0x0;
	lr =	simm.s32 $0x1  }
0x2: {  	[smem:$0x3F7D] =	sst lr;
	_ =	strace $0xD0000000  }
0x3: {  	_ = 	snop  }
0x4: {  	_ = 	snop  }
0x5: {  	_ = 	snop  }
0x6: {  	_ = 	snop  }
0x7: {  	_ = 	snop  }
__scs_overlays_trampoline_lowered:
0x8: {  	[smem:$0x3F8C] =	sst s0  }
0x9: {  	[smem:$0x3F8D] =	sst s1  }
0xa: {  	[smem:$0x3F8E] =	sst s2  }
0xb: {  	[smem:$0x3F8F] =	sst s3  }
0xc: {  	[smem:$0x3F90] =	sst s4  }
0xd: {  	[smem:$0x3F91] =	sst s5  }
0xe: {  	[smem:$0x3F92] =	sst s6  }
0xf: {  	[smem:$0x3F93] =	sst s7  }
0x10: {  	[smem:$0x3F94] =	sst s8  }
0x11: {  	[smem:$0x3F95] =	sst s9;
	s0 =	simm.s32 @!p0 $0x0  }
0x12: {  	s1 =	sld [smem:$0x3F7B];
	s0 =	simm.s32 @p0 $0x1  }
0x13: {  	[smem:$0x3F96] =	sst s0;
	s0 =	simm.s32 @!p1 $0x0  }
0x14: {  	s2 =	sld [smem:$0x3F7A];
	s0 =	simm.s32 @p1 $0x1  }
0x15: {  	[smem:$0x3F97] =	sst s0;
	s0 =	simm.s32 @!p2 $0x0  }
0x16: {  	s3 =	sld [smem:$0x3FDB];
	s0 =	simm.s32 @p2 $0x1  }
0x17: {  	s4 =	simm.s32 $0x1BF5;
	[smem:$0x3F99] =	sst s0  }
0x18: {  	s0 =	sld [smem:$0x3F7C];
	_ =	swait.ge [sflag:s4], $0x0  }
0x19: {  	s7 =	sld [smem:$0x3F7D]  }
0x1a: {  	s8 =	sadd.s32 $0xFFFFE003, lr  }
0x1b: {  	s9 =	sadd.s32 $0xFFFFFEF7, lr;
	s5 =	simm.s32 $0xFFFFFFFF;
	p2 =	slt.u32 s8, $0xFFFFF086  }
0x1c: {  	p1 =	slt.u32 s9, $0xF7A;
	s5 =	simm.s32 @!p2 $0x0  }
0x1d: {  	s5 =	simm.s32 @p1 $0x1;
	p0 =	seq.s32 s7, s2  }
0x1e: {  	s7 =	smul.u32 @!p0 $0xF7A, s2;
	p2 =	seq.s32 @!p0 s5, $0x0  }
0x1f: {  	s9 =	smul.u32 $0xF7A, s1;
	s8 =	simm.s32 @!p0 $0x1BF5;
	p2 =	por !p2, p0  }
0x20: {  	[sflag:s8] =	ssyncset.s32 @!p0 $0xFFFFF086;
	s6 =	sadd.s32 @!p0 s3, s7;
	s7 =	simm.s32 @!p0 $0x108  }
0x21: {  	s3 =	sadd.s32 s3, s9;
	s6 =	sadd.s32 @!p0 $0x88, s6;
	s7 =	simm.s32 @p2 $0x1082  }
0x22: {  	[simem:s7], [sflag:s8] =	dma.local @!p0 [hbm:s6], $0xF7A  }
0x23: {  	s9 =	sor.u32 $0xD0000000, s2;
	s6 =	simm.s32 $0x108;
	_ =	swait.ge @!p0 [sflag:s8], $0x0  }
0x24: {  	s3 =	sadd.s32 $0x88, s3;
	s6 =	simm.s32 @!p1 $0x1082;
	[sflag:s4] =	ssyncset.s32 $0xFFFFF086  }
0x25: {  	[simem:s6], [sflag:s4] =	dma.local [hbm:s3], $0xF7A  }
0x26: {  	[smem:$0x3F7D] =	sst s1;
	(tag) =	ssettag s2;
	_ =	strace s9  }
0x27: {  	s1 =	sld [smem:$0x3F8D]  }
0x28: {  	s2 =	sld [smem:$0x3F8E]  }
0x29: {  	s4 =	sld [smem:$0x3F90]  }
0x2a: {  	p0 =	seq.s32 s5, $0x0;
	s5 =	sld [smem:$0x3F91]  }
0x2b: {  	s6 =	sld [smem:$0x3F92]  }
0x2c: {  	s7 =	sld [smem:$0x3F93]  }
0x2d: {  	s3 =	simm.s32 $0x108;
	s8 =	sld [smem:$0x3F94]  }
0x2e: {  	s3 =	simm.s32 @!p0 $0x1082;
	s9 =	sld [smem:$0x3F95]  }
0x2f: {  	lr =	sadd.s32 s0, s3;
	s0 =	sld [smem:$0x3F8C]  }
0x30: {  	s3 =	sld [smem:$0x3F8F]  }
0x31: {  	[smem:$0x3F98] =	sst s10  }
0x32: {  	s10 =	sld [smem:$0x3F96];
	_ =	sdelay $0x3  }
0x33: {  	p0 =	seq.s32 s10, $0x1;
	s10 =	sld [smem:$0x3F98];
	_ =	sdelay $0x3  }
0x34: {  	[smem:$0x3F98] =	sst s10  }
0x35: {  	s10 =	sld [smem:$0x3F97];
	_ =	sdelay $0x3  }
0x36: {  	p1 =	seq.s32 s10, $0x1;
	s10 =	sld [smem:$0x3F98];
	_ =	sdelay $0x3  }
0x37: {  	[smem:$0x3F98] =	sst s10  }
0x38: {  	s10 =	sld [smem:$0x3F99]  }
0x39: {  	_ = 	snop;
	(pc) =	sbr.ind lr, $3  }
0x3a: {  	_ = 	snop  }
0x3b: {  	_ = 	snop  }
0x3c: {  	p2 =	seq.s32 s10, $0x1;
	s10 =	sld [smem:$0x3F98]  }
0x3d: {  	_ =	shalt  }
0x3e: {  	_ =	shalt  }
0x3f: {  	_ =	shalt  }
0x40: {  	_ =	shalt  }
0x41: {  	_ =	shalt  }
0x42: {  	_ =	shalt  }
0x43: {  	_ =	shalt  }
0x44: {  	_ =	shalt  }
0x45: {  	_ =	shalt  }
0x46: {  	_ =	shalt  }
0x47: {  	_ =	shalt  }
0x48: {  	_ =	shalt  }
0x49: {  	_ =	shalt  }
0x4a: {  	_ =	shalt  }
0x4b: {  	_ =	shalt  }
0x4c: {  	_ =	shalt  }
0x4d: {  	_ =	shalt  }
0x4e: {  	_ =	shalt  }
0x4f: {  	_ =	shalt  }
0x50: {  	_ =	shalt  }
0x51: {  	_ =	shalt  }
0x52: {  	_ =	shalt  }
0x53: {  	_ =	shalt  }
0x54: {  	_ =	shalt  }
0x55: {  	_ =	shalt  }
0x56: {  	_ =	shalt  }
0x57: {  	_ =	shalt  }
0x58: {  	_ =	shalt  }
0x59: {  	_ =	shalt  }
0x5a: {  	_ =	shalt  }
0x5b: {  	_ =	shalt  }
0x5c: {  	_ =	shalt  }
0x5d: {  	_ =	shalt  }
0x5e: {  	_ =	shalt  }
0x5f: {  	_ =	shalt  }
0x60: {  	_ =	shalt  }
0x61: {  	_ =	shalt  }
0x62: {  	_ =	shalt  }
0x63: {  	_ =	shalt  }
0x64: {  	_ =	shalt  }
0x65: {  	_ =	shalt  }
0x66: {  	_ =	shalt  }
0x67: {  	_ =	shalt  }
0x68: {  	_ =	shalt  }
0x69: {  	_ =	shalt  }
0x6a: {  	_ =	shalt  }
0x6b: {  	_ =	shalt  }
0x6c: {  	_ =	shalt  }
0x6d: {  	_ =	shalt  }
0x6e: {  	_ =	shalt  }
0x6f: {  	_ =	shalt  }
0x70: {  	_ =	shalt  }
0x71: {  	_ =	shalt  }
0x72: {  	_ =	shalt  }
0x73: {  	_ =	shalt  }
0x74: {  	_ =	shalt  }
0x75: {  	_ =	shalt  }
0x76: {  	_ =	shalt  }
0x77: {  	_ =	shalt  }
0x78: {  	_ =	shalt  }
0x79: {  	_ =	shalt  }
0x7a: {  	_ =	shalt  }
0x7b: {  	_ =	shalt  }
0x7c: {  	_ =	shalt  }
0x7d: {  	_ =	shalt  }
0x7e: {  	_ =	shalt  }
0x7f: {  	_ =	shalt  }
0x80: {  	_ =	shalt  }
0x81: {  	_ =	shalt  }
0x82: {  	_ =	shalt  }
0x83: {  	_ =	shalt  }
0x84: {  	_ =	shalt  }
0x85: {  	_ =	shalt  }
0x86: {  	_ =	shalt  }
0x87: {  	_ =	shalt  }
.Lfunc_end0:
.L_simem_size_0:
called_computation.1_lowered:
.L_overlay_start_0:
0x88: {  	s2 =	sld [smem:$0x3FD9]  }
0x89: {  	s3 =	sld [smem:$0x3FFE];
	_ =	sdelay $0x1  }
0x8a: {  	s1 =	srdreg.scid  }
0x8b: {  	s0 =	sand.u32 $0x1, s1  }
0x8c: {  	s14 =	sshll.u32 s0, $0xA;
	s2 =	sadd.s32 s3, s2  }
0x8d: {  	s2 =	sadd.s32 s2, s14  }
0x8e: {  	[smem:$0x3FA4] =	sst s2  }
0x8f: {  	_ = 	snop  }
0x90: {  	s2 =	sld [smem:$0x3FD0];
	_ =	sdelay $0x1  }
0x91: {  	s15 =	sld [smem:$0x3FC6]  }
0x92: {  	s5 =	simm.s32 $0xA;
	s6 =	simm.s32 $0x10;
	s4 =	sld [smem:$0x3FC5]  }
0x93: {  	[smem:s6], [sflag:s5] =	dma.local [hbm:s2], $0x1  }
0x94: {  	_ =	swait.eq [sflag:s5], $0x1  }
0x95: {  	[sflag:s5] =	ssyncset.done $0x0  }
0x96: {  	s16 =	sld [smem:$0x10];
	[sflag:s5] =	ssyncadd.s32 $0xFFFFFFFF  }
0x97: {  	s17 =	sld [smem:$0x11];
	(tm) =	ssettm $0x1  }
0x98: {  	s18 =	sld [smem:$0x3FFB];
	_ =	sdelay $0x3  }
0x99: {  	_ =	strace s18  }
0x9a: {  	s6 =	sld [smem:$0x3FFC];
	_ =	sdelay $0x3  }
0x9b: {  	_ =	strace s6  }
0x9c: {  	s6 =	sld [smem:$0x3FFD];
	_ =	sdelay $0x3  }
0x9d: {  	_ =	strace s6  }
0x9e: {  	_ =	strace $0x8FFFFFFF  }
0x9f: {  	s19 =	sld [smem:$0x3FDB];
	_ =	sdelay $0x1  }
0xa0: {  	s7 =	simm.s32 $_scs_section_size  }
0xa1: {  	s8 =	simm.s32 $_size__tile_overlayer_lowered;
	s9 =	simm.s32 $_tile_overlayer_lowered  }
0xa2: {  	s22 =	simm.s32 $0x1BFF;
	s21 =	sshll.u32 s9, $0x1;
	s6 =	sadd.s32 s7, s19  }
0xa3: {  	s10 =	simm.s32 $0x0;
	s20 =	sshll.u32 s8, $0x1;
	s8 =	sadd.s32 s21, s6  }
0xa4: {  	[timem:s10], [sflag:s22] =	dma.local [hbm:s8], s20  }
0xa5: {  	_ =	swait.ge [sflag:s22], s20  }
0xa6: {  	s7 =	ssub.s32 $0x0, s20;
	[sflag:s22] =	ssyncset.done $0x0  }
0xa7: {  	[sflag:s22] =	ssyncadd.s32 s7;
	_ =	sdelay $0x1  }
0xa8: {  	s23 =	simm.s32 $0x1B8B  }
0xa9: {  	_ =	swait.ge [sflag:s23], $0x1  }
0xaa: {  	[sflag:s23] =	ssyncset.done $0x0  }
0xab: {  	s25 =	simm.s32 $0x1B8E;
	s24 =	sld [smem:$0x3FFE];
	[sflag:s23] =	ssyncadd.s32 $0xFFFFFFFF  }
0xac: {  	s26 =	simm.s32 $execute0_lowered;
	[smem:$0x3FD2] =	sst s25  }
0xad: {  	s8 =	sshll.u32 s26, $0x1;
	_ =	strace $0x80000049;
	[dreg:$0x1] =	wrdreg $0xFFFFFFFF  }
0xae: {  	s28 =	simm.s32 $_size_execute0_lowered;
	s6 =	sadd.s32 s6, s8;
	[dreg:$0x0] =	wrdreg $0x0  }
0xaf: {  	s8 =	sshll.u32 s28, $0x1;
	[dreg:$0x2] =	wrdreg s6  }
0xb0: {  	[dreg:$0x3] =	wrdreg s8  }
0xb1: {  	[dreg:$0x4] =	wrdreg $0xC0  }
0xb2: {  	_ =	task [dreg:s10], $0x5FFFF  }
0xb3: {  	[dreg:$0x1] =	wrdreg $0xFFFFFFFF  }
0xb4: {  	[dreg:$0x0] =	wrdreg $0x60  }
0xb5: {  	[dreg:$0x2] =	wrdreg s24  }
0xb6: {  	[dreg:$0x3] =	wrdreg s17  }
0xb7: {  	[dreg:$0x4] =	wrdreg s16  }
0xb8: {  	[dreg:$0x5] =	wrdreg s4  }
0xb9: {  	[dreg:$0x6] =	wrdreg s15  }
0xba: {  	[dreg:$0x7] =	wrdreg $0x9  }
0xbb: {  	_ =	task.clear_ibuf [dreg:s10], $0x8FFFF;
	_ =	strace $0x90000049  }
0xbc: {  	s29 =	simm.s32 $0x9;
	_ =	strace $0x8000004B  }
0xbd: {  	_ =	swait.ge [sflag:s29], $0x1  }
0xbe: {  	[sflag:s29] =	ssyncadd.s32 $0xFFFFFFFF  }
0xbf: {  	_ =	strace $0x9000004B  }
0xc0: {  	_ =	sfence  }
0xc1: {  	s30 =	sld [smem:$0x0];
	_ =	sdelay $0x2  }
0xc2: {  	s31 =	sshll.u32 s1, $0xD;
	s1 =	sshrl.u32 s1, $0x2  }
0xc3: {  	s3 =	sand.u32 $0x4000, s31;
	s1 =	sadd.s32 s1, s30  }
0xc4: {  	s0 =	sor.u32 s3, s0;
	s1 =	sshll.u32 s1, $0x11  }
0xc5: {  	s0 =	sor.u32 s1, s0  }
0xc6: {  	s0 =	sadd.s32 $0x8F2B, s0  }
0xc7: {  	[sflag:s0] =	ssyncadd.remote.s32 $0x1  }
0xc8: {  	_ =	sfence.sel $0xFFFF  }
0xc9: {  	[dreg:$0x0] =	wrdreg $0xFFFFFFFF;
	(pc) =	sbr.abs _section_cstart, $3  }
0xca: {  	[dreg:$0x1] =	wrdreg $0xFFFFFFFF  }
0xcb: {  	_ =	task.clear_ibuf [dreg:s10], $0x2FFFF;
	_ =	strace $0x9FFFFFFF  }
0xcc: {  	(tm) =	ssettm $0x7FFFFFFF  }
0xcd: {  	_ =	shalt  }
tec
execute0_lowered:
.L_overlay_start_1:
0x0: {  	(tag) =	ssettag $0x1  }
0x1: {  	s0 =	rddreg [dreg:$0x0]  }
0x2: {  	s1 =	rddreg [dreg:$0x1]  }
0x3: {  	s5 =	rddreg [dreg:$0x2]  }
0x4: {  	s6 =	rddreg [dreg:$0x3];
	s2 =	srdreg.scid  }
0x5: {  	s20 =	stileid.u32;
	s7 =	rddreg [dreg:$0x4]  }
0x6: {  	s28 =	simm.s32 $0x50;
	s29 =	simm.s32 $0x2BC0;
	s30 =	simm.s32 $0x44C0  }
0x7: {  	s31 =	simm.s32 $0x5DC0;
	s8 =	sand.u32 $0x1, s2;
	s12 =	smul.u32 $0x27100, s20  }
0x8: {  	s3 =	sshll.u32 s20, $0x1;
	s2 =	simm.s32 $0x0;
	s13 =	smul.u32 $0x7D00, s20  }
0x9: {  	s4 =	sadd.s32 $0x25000, s0;
	s17 =	sadd.s32 $0x22EA00, s0;
	s26 =	smul.u32 $0xC80, s20  }
0xa: {  	s18 =	sadd.s32 $0x213200, s0;
	s9 =	sor.u32 s8, s3;
	s25 =	smul.u32 $0x13880, s8  }
0xb: {  	[smem:$0x7FF] =	sst s2;
	s3 =	sadd.s32 $0x394000, s0;
	s21 =	smul.u32 $0x3E80, s8  }
0xc: {  	s16 =	ssub.s32 $0x2, s8;
	s10 =	smul.u32 $0x1F40, s9;
	_ =	strace $0x8000004A  }
0xd: {  	s11 =	smul.u32 $0x640, s9;
	s12 =	sadd.s32 s12, s0;
	s13 =	sadd.s32 s13, s0  }
0xe: {  	s15 =	smul.u32 $0x140, s9;
	s19 =	sshrl.u32 s16, $0x1;
	s9 =	sshll.u32 s9, $0x2  }
0xf: {  	s6 =	sadd.s32 s6, s9;
	s22 =	sadd.s32 s7, s9;
	s23 =	sadd.s32 s25, s12  }
0x10: {  	s9 =	simm.s32 $0x7;
	s10 =	sshrl.u32 s10, $0x3;
	[dreg:$0xb] =	wrdreg s6  }
0x11: {  	s11 =	sshrl.u32 s11, $0x3;
	[dreg:$0xc] =	wrdreg s22;
	s6 =	sadd.s32 s21, s13  }
0x12: {  	s22 =	sadd.s32 $0x488D60, s23;
	s10 =	sadd.s32 s10, s0;
	s14 =	sadd.s32 s11, s0  }
0x13: {  	s0 =	sadd.s32 s15, s0;
	s1 =	sadd.s32 s1, s11;
	[dreg:$0x16] =	wrdreg s22  }
0x14: {  	s15 =	ssub.s32 s16, s19;
	s5 =	sadd.s32 s5, s11;
	[dreg:$0x7] =	wrdreg s1  }
0x15: {  	s11 =	smul.u32 $0x640, s8;
	s10 =	sadd.s32 $0x1B200, s10;
	[dreg:$0x8] =	wrdreg s5  }
0x16: {  	s8 =	smul.u32 $0xC80, s8;
	s19 =	sadd.s32 $0x20F000, s14;
	[dreg:$0x6] =	wrdreg s10  }
0x17: {  	s21 =	smax.u32 s15, $0x1;
	s5 =	simm.s32 $0x2;
	[dreg:$0xa] =	wrdreg s19  }
0x18: {  	s10 =	sadd.s32 $0x20D600, s14;
	s1 =	sadd.s32 s11, s26;
	[dreg:$0x15] =	wrdreg s21  }
0x19: {  	s26 =	smul.u32 $0x1900, s20;
	s20 =	sadd.s32 $0x22C200, s0;
	[dreg:$0x9] =	wrdreg s10  }
0x1a: {  	s0 =	sadd.s32 $0x210A00, s0;
	s1 =	sshll.u32 s1, $0x1;
	[dreg:$0x13] =	wrdreg s20  }
0x1b: {  	s11 =	simm.s32 $0x94C0;
	[dreg:$0x14] =	wrdreg s0;
	s24 =	sadd.s32 $0x1E0, s1  }
0x1c: {  	s16 =	sadd.s32 s26, s17;
	s19 =	sadd.s32 s26, s18;
	s26 =	sadd.s32 $0x2C5360, s6  }
0x1d: {  	s25 =	sadd.s32 $0x140, s1;
	s12 =	sadd.s32 s24, s17;
	[dreg:$0x1a] =	wrdreg s26  }
0x1e: {  	s1 =	sadd.s32 $0xA0, s1;
	s13 =	sadd.s32 s25, s17;
	[dreg:$0xd] =	wrdreg s12  }
0x1f: {  	s0 =	simm.s32 $0x1;
	s14 =	sadd.s32 s1, s17;
	[dreg:$0xe] =	wrdreg s13  }
0x20: {  	s10 =	simm.s32 $0x8FC0;
	s7 =	sadd.s32 s24, s18;
	[dreg:$0xf] =	wrdreg s14  }
0x21: {  	s20 =	simm.s32 $0x5;
	s17 =	sadd.s32 s25, s18;
	[dreg:$0x10] =	wrdreg s7  }
0x22: {  	s1 =	sadd.s32 s1, s18;
	s23 =	sadd.s32 s8, s16;
	[dreg:$0x11] =	wrdreg s17  }
0x23: {  	s24 =	sadd.s32 s8, s19;
	s25 =	sadd.s32 $0x248360, s6;
	[dreg:$0x12] =	wrdreg s1  }
0x24: {  	s26 =	simm.s32 $0x9;
	s6 =	simm.s32 $0x3;
	[dreg:$0x17] =	wrdreg s23  }
0x25: {  	s18 =	simm.s32 $0x99C0;
	s19 =	simm.s32 $0x9EC0;
	[dreg:$0x18] =	wrdreg s24  }
0x26: {  	s8 =	simm.s32 $0x6;
	[dreg:$0x19] =	wrdreg s25;
	s1 =	simm.s32 $0x76C0  }
0x27: {  	s7 =	simm.s32 $0x4;
	s12 =	simm.s32 $0x8;
	s14 =	simm.s32 $0x0  }
.LBB2_1:
0x28: {  	[dreg:$0x1b] =	wrdreg s14  }
0x29: {  	s13 =	rddreg [dreg:$0x6]  }
0x2a: {  	[tilespmem:s2], [sflag:$0x9] =	stream.linear.gather [hbm4b:s13+s2], $0x1F40, $0x38;
	[tilespmem:$0xADE0] =	vst v63  }
0x2b: {  	_ =	swait.ge [sflag:s26], $0x1F40  }
0x2c: {  	[sflag:s26] =	ssyncset.done $0x0  }
0x2d: {  	s16 =	simm.s32 $0x0;
	[sflag:s26] =	ssyncadd.s32 $0xFFFFE0C0  }
0x2e: {  	[tilespmem:s29], [sflag:$0x1] =	stream.indirect.gather [hbm4b:s3+s28], $0x50, s16, s28, $0xb8;
	[tilespmem:$0xADE0] =	vst v63  }
0x2f: {  	s17 =	simm.s32 $0x50  }
0x30: {  	[tilespmem:s30], [sflag:$0x2] =	stream.indirect.gather [hbm4b:s3+s28], $0x50, s17, s28, $0xb8;
	[tilespmem:$0xADE0] =	vst v63  }
0x31: {  	s21 =	simm.s32 $0xA0  }
0x32: {  	[tilespmem:s31], [sflag:$0x3] =	stream.indirect.gather [hbm4b:s3+s28], $0x50, s21, s28, $0xb8;
	[tilespmem:$0xADE0] =	vst v63  }
0x33: {  	s22 =	simm.s32 $0xF0  }
0x34: {  	[tilespmem:s1], [sflag:$0x4] =	stream.indirect.gather [hbm4b:s3+s28], $0x50, s22, s28, $0xb8;
	[tilespmem:$0xADE0] =	vst v63  }
0x35: {  	_ =	swait.ge [sflag:s0], $0x1900  }
0x36: {  	[sflag:s0] =	ssyncset.done $0x0;
	s15 =	rddreg [dreg:$0x16]  }
0x37: {  	[sflag:s0] =	ssyncadd.s32 $0xFFFFE700;
	s23 =	sadd.s32 $0xFFFFF6A0, s15  }
0x38: {  	[hbm4b:s23+s2] =	stream.linear.scatter [tilespmem:s29], [sflag:$0x9], $0x1900, $0x38;
	[tilespmem:$0xADE0] =	vst v63  }
0x39: {  	_ =	swait.ge [sflag:s26], $0x1900  }
0x3a: {  	[sflag:s26] =	ssyncset.done $0x0  }
0x3b: {  	[sflag:s26] =	ssyncadd.s32 $0xFFFFE700  }
0x3c: {  	_ =	swait.ge [sflag:s5], $0x1900  }
0x3d: {  	[sflag:s5] =	ssyncset.done $0x0  }
0x3e: {  	s24 =	sadd.s32 $0xFFFFF9C0, s15;
	[sflag:s5] =	ssyncadd.s32 $0xFFFFE700  }
0x3f: {  	[hbm4b:s24+s2] =	stream.linear.scatter [tilespmem:s30], [sflag:$0x9], $0x1900, $0x38;
	[tilespmem:$0xADE0] =	vst v63  }
0x40: {  	_ =	swait.ge [sflag:s26], $0x1900  }
0x41: {  	[sflag:s26] =	ssyncset.done $0x0  }
0x42: {  	[sflag:s26] =	ssyncadd.s32 $0xFFFFE700  }
0x43: {  	_ =	swait.ge [sflag:s6], $0x1900  }
0x44: {  	[sflag:s6] =	ssyncset.done $0x0  }
0x45: {  	s25 =	sadd.s32 $0xFFFFFCE0, s15;
	[sflag:s6] =	ssyncadd.s32 $0xFFFFE700  }
0x46: {  	[hbm4b:s25+s2] =	stream.linear.scatter [tilespmem:s31], [sflag:$0x9], $0x1900, $0x38;
	[tilespmem:$0xADE0] =	vst v63  }
0x47: {  	_ =	swait.ge [sflag:s26], $0x1900  }
0x48: {  	[sflag:s26] =	ssyncset.done $0x0  }
0x49: {  	[sflag:s26] =	ssyncadd.s32 $0xFFFFE700  }
0x4a: {  	_ =	swait.ge [sflag:s7], $0x1900  }
0x4b: {  	[sflag:s7] =	ssyncset.done $0x0  }
0x4c: {  	[sflag:s7] =	ssyncadd.s32 $0xFFFFE700  }
0x4d: {  	[hbm4b:s15+s2] =	stream.linear.scatter [tilespmem:s1], [sflag:$0x9], $0x1900, $0x38;
	[tilespmem:$0xADE0] =	vst v63  }
0x4e: {  	s14 =	simm.s32 $0x500;
	_ =	swait.ge [sflag:s26], $0x1900  }
0x4f: {  	s17 =	simm.s32 $0xA00;
	s13 =	sadd.s32 $0xC80, s15;
	[sflag:s26] =	ssyncset.done $0x0  }
.LBB2_2:
0x50: {  	s21 =	sshra.s32 s14, $0x2  }
0x51: {  	[sflag:s26] =	ssyncadd.s32 $0xFFFFE700;
	s14 =	smov.u32 s17;
	s16 =	sadd.s32 $0x500, s17  }
0x52: {  	[tilespmem:s29], [sflag:$0x1] =	stream.indirect.gather [hbm4b:s3+s28], $0x50, s21, s28, $0xb8;
	[tilespmem:$0xADE0] =	vst v63  }
0x53: {  	p0 =	sne.s32 s17, $0x7800;
	s17 =	sadd.s32 $0x50, s21  }
0x54: {  	[tilespmem:s30], [sflag:$0x2] =	stream.indirect.gather [hbm4b:s3+s28], $0x50, s17, s28, $0xb8;
	[tilespmem:$0xADE0] =	vst v63  }
0x55: {  	s17 =	sadd.s32 $0xA0, s21  }
0x56: {  	[tilespmem:s31], [sflag:$0x3] =	stream.indirect.gather [hbm4b:s3+s28], $0x50, s17, s28, $0xb8;
	[tilespmem:$0xADE0] =	vst v63  }
0x57: {  	s17 =	sadd.s32 $0xF0, s21  }
0x58: {  	[tilespmem:s1], [sflag:$0x4] =	stream.indirect.gather [hbm4b:s3+s28], $0x50, s17, s28, $0xb8;
	[tilespmem:$0xADE0] =	vst v63  }
0x59: {  	_ =	swait.ge [sflag:s0], $0x1900  }
0x5a: {  	[sflag:s0] =	ssyncset.done $0x0  }
0x5b: {  	s17 =	sadd.s32 $0xFFFFF6A0, s13;
	[sflag:s0] =	ssyncadd.s32 $0xFFFFE700  }
0x5c: {  	[hbm4b:s17+s2] =	stream.linear.scatter [tilespmem:s29], [sflag:$0x9], $0x1900, $0x38;
	[tilespmem:$0xADE0] =	vst v63  }
0x5d: {  	_ =	swait.ge [sflag:s26], $0x1900  }
0x5e: {  	[sflag:s26] =	ssyncset.done $0x0  }
0x5f: {  	[sflag:s26] =	ssyncadd.s32 $0xFFFFE700  }
0x60: {  	_ =	swait.ge [sflag:s5], $0x1900  }
0x61: {  	[sflag:s5] =	ssyncset.done $0x0  }
0x62: {  	s17 =	sadd.s32 $0xFFFFF9C0, s13;
	[sflag:s5] =	ssyncadd.s32 $0xFFFFE700  }
0x63: {  	[hbm4b:s17+s2] =	stream.linear.scatter [tilespmem:s30], [sflag:$0x9], $0x1900, $0x38;
	[tilespmem:$0xADE0] =	vst v63  }
0x64: {  	_ =	swait.ge [sflag:s26], $0x1900  }
0x65: {  	[sflag:s26] =	ssyncset.done $0x0  }
0x66: {  	[sflag:s26] =	ssyncadd.s32 $0xFFFFE700  }
0x67: {  	_ =	swait.ge [sflag:s6], $0x1900  }
0x68: {  	[sflag:s6] =	ssyncset.done $0x0  }
0x69: {  	s17 =	sadd.s32 $0xFFFFFCE0, s13;
	[sflag:s6] =	ssyncadd.s32 $0xFFFFE700  }
0x6a: {  	[hbm4b:s17+s2] =	stream.linear.scatter [tilespmem:s31], [sflag:$0x9], $0x1900, $0x38;
	[tilespmem:$0xADE0] =	vst v63  }
0x6b: {  	_ =	swait.ge [sflag:s26], $0x1900  }
0x6c: {  	[sflag:s26] =	ssyncset.done $0x0  }
0x6d: {  	[sflag:s26] =	ssyncadd.s32 $0xFFFFE700  }
0x6e: {  	_ =	swait.ge [sflag:s7], $0x1900  }
.Ltmp0:
0x6f: {  	[sflag:s7] =	ssyncset.done $0x0;
	(pc) =	sbr.rel @p0 .LBB2_2-.Ltmp0, $4  }
0x70: {  	[sflag:s7] =	ssyncadd.s32 $0xFFFFE700  }
0x71: {  	[hbm4b:s13+s2] =	stream.linear.scatter [tilespmem:s1], [sflag:$0x9], $0x1900, $0x38;
	[tilespmem:$0xADE0] =	vst v63  }
0x72: {  	_ =	swait.ge [sflag:s26], $0x1900  }
0x73: {  	s17 =	smov.u32 s16;
	s13 =	sadd.s32 $0xC80, s13;
	[sflag:s26] =	ssyncset.done $0x0  }
0x74: {  	s14 =	sshra.s32 s14, $0x2;
	[sflag:s26] =	ssyncadd.s32 $0xFFFFE700  }
0x75: {  	[tilespmem:s29], [sflag:$0x1] =	stream.indirect.gather [hbm4b:s3+s28], $0x50, s14, s28, $0xb8;
	[tilespmem:$0xADE0] =	vst v63  }
0x76: {  	s16 =	sadd.s32 $0x50, s14  }
0x77: {  	[tilespmem:s30], [sflag:$0x2] =	stream.indirect.gather [hbm4b:s3+s28], $0x50, s16, s28, $0xb8;
	[tilespmem:$0xADE0] =	vst v63  }
0x78: {  	s25 =	sadd.s32 $0xA0, s14  }
0x79: {  	[tilespmem:s31], [sflag:$0x3] =	stream.indirect.gather [hbm4b:s3+s28], $0x50, s25, s28, $0xb8;
	[tilespmem:$0xADE0] =	vst v63  }
0x7a: {  	s14 =	sadd.s32 $0xF0, s14  }
0x7b: {  	[tilespmem:s1], [sflag:$0x4] =	stream.indirect.gather [hbm4b:s3+s28], $0x50, s14, s28, $0xb8;
	[tilespmem:$0xADE0] =	vst v63  }
0x7c: {  	_ =	swait.ge [sflag:s0], $0x1900  }
0x7d: {  	[sflag:s0] =	ssyncset.done $0x0  }
0x7e: {  	s15 =	sadd.s32 $0xFFFFF6A0, s13;
	[sflag:s0] =	ssyncadd.s32 $0xFFFFE700  }
0x7f: {  	[hbm4b:s15+s2] =	stream.linear.scatter [tilespmem:s29], [sflag:$0x9], $0x1900, $0x38;
	[tilespmem:$0xADE0] =	vst v63  }
0x80: {  	_ =	swait.ge [sflag:s26], $0x1900  }
0x81: {  	[sflag:s26] =	ssyncset.done $0x0  }
0x82: {  	[sflag:s26] =	ssyncadd.s32 $0xFFFFE700  }
0x83: {  	_ =	swait.ge [sflag:s5], $0x1900  }
0x84: {  	[sflag:s5] =	ssyncset.done $0x0  }
0x85: {  	s16 =	sadd.s32 $0xFFFFF9C0, s13;
	[sflag:s5] =	ssyncadd.s32 $0xFFFFE700  }
0x86: {  	[hbm4b:s16+s2] =	stream.linear.scatter [tilespmem:s30], [sflag:$0x9], $0x1900, $0x38;
	[tilespmem:$0xADE0] =	vst v63  }
0x87: {  	_ =	swait.ge [sflag:s26], $0x1900  }
0x88: {  	[sflag:s26] =	ssyncset.done $0x0  }
0x89: {  	[sflag:s26] =	ssyncadd.s32 $0xFFFFE700  }
0x8a: {  	_ =	swait.ge [sflag:s6], $0x1900  }
0x8b: {  	[sflag:s6] =	ssyncset.done $0x0  }
0x8c: {  	s17 =	sadd.s32 $0xFFFFFCE0, s13;
	[sflag:s6] =	ssyncadd.s32 $0xFFFFE700  }
0x8d: {  	[hbm4b:s17+s2] =	stream.linear.scatter [tilespmem:s31], [sflag:$0x9], $0x1900, $0x38;
	[tilespmem:$0xADE0] =	vst v63  }
0x8e: {  	_ =	swait.ge [sflag:s26], $0x1900  }
0x8f: {  	[sflag:s26] =	ssyncset.done $0x0  }
0x90: {  	[sflag:s26] =	ssyncadd.s32 $0xFFFFE700  }
0x91: {  	_ =	swait.ge [sflag:s7], $0x1900  }
0x92: {  	[sflag:s7] =	ssyncset.done $0x0  }
0x93: {  	[sflag:s7] =	ssyncadd.s32 $0xFFFFE700  }
0x94: {  	[hbm4b:s13+s2] =	stream.linear.scatter [tilespmem:s1], [sflag:$0x9], $0x1900, $0x38;
	[tilespmem:$0xADE0] =	vst v63  }
0x95: {  	_ =	swait.ge [sflag:s26], $0x1900  }
0x96: {  	s21 =	simm.s32 $0x0;
	[sflag:s26] =	ssyncset.done $0x0  }
0x97: {  	s15 =	simm.s32 $0x1F40;
	s22 =	rddreg [dreg:$0x7];
	[sflag:s26] =	ssyncadd.s32 $0xFFFFE700  }
0x98: {  	[tilespmem:s15], [sflag:$0x9] =	stream.linear.gather [hbm4b:s22+s21], $0x640, $0x38;
	[tilespmem:$0xADE0] =	vst v63  }
0x99: {  	_ =	swait.ge [sflag:s26], $0x640  }
0x9a: {  	[sflag:s26] =	ssyncset.done $0x0  }
0x9b: {  	s24 =	simm.s32 $0x2580;
	s23 =	rddreg [dreg:$0x8];
	[sflag:s26] =	ssyncadd.s32 $0xFFFFF9C0  }
0x9c: {  	[tilespmem:s24], [sflag:$0x9] =	stream.linear.gather [hbm4b:s23+s21], $0x640, $0x38;
	[tilespmem:$0xADE0] =	vst v63  }
0x9d: {  	_ =	swait.ge [sflag:s26], $0x640  }
0x9e: {  	[sflag:s26] =	ssyncset.done $0x0  }
0x9f: {  	s25 =	simm.s32 $0x1F40;
	[sflag:s26] =	ssyncadd.s32 $0xFFFFF9C0  }
0xa0: {  	[tilespmem:s29], [sflag:$0x1] =	stream.indirect.gather [hbm4b:s3+s28], $0x50, s25, s28, $0xb8;
	[tilespmem:$0xADE0] =	vst v63  }
0xa1: {  	s14 =	simm.s32 $0x1F90  }
0xa2: {  	[tilespmem:s30], [sflag:$0x2] =	stream.indirect.gather [hbm4b:s3+s28], $0x50, s14, s28, $0xb8;
	[tilespmem:$0xADE0] =	vst v63  }
0xa3: {  	s15 =	simm.s32 $0x1FE0  }
0xa4: {  	[tilespmem:s31], [sflag:$0x3] =	stream.indirect.gather [hbm4b:s3+s28], $0x50, s15, s28, $0xb8;
	[tilespmem:$0xADE0] =	vst v63  }
0xa5: {  	s16 =	simm.s32 $0x2030  }
0xa6: {  	[tilespmem:s1], [sflag:$0x4] =	stream.indirect.gather [hbm4b:s3+s28], $0x50, s16, s28, $0xb8;
	[tilespmem:$0xADE0] =	vst v63  }
0xa7: {  	s17 =	simm.s32 $0x2580  }
0xa8: {  	[tilespmem:s10], [sflag:$0x5] =	stream.indirect.gather [hbm4b:s4+s28], $0x10, s17, s28, $0xb8;
	[tilespmem:$0xADE0] =	vst v63  }
0xa9: {  	s21 =	simm.s32 $0x25D0  }
0xaa: {  	[tilespmem:s11], [sflag:$0x6] =	stream.indirect.gather [hbm4b:s4+s28], $0x10, s21, s28, $0xb8;
	[tilespmem:$0xADE0] =	vst v63  }
0xab: {  	s22 =	simm.s32 $0x2620  }
0xac: {  	[tilespmem:s18], [sflag:$0x7] =	stream.indirect.gather [hbm4b:s4+s28], $0x10, s22, s28, $0xb8;
	[tilespmem:$0xADE0] =	vst v63  }
0xad: {  	s23 =	simm.s32 $0x2670  }
0xae: {  	[tilespmem:s19], [sflag:$0x8] =	stream.indirect.gather [hbm4b:s4+s28], $0x10, s23, s28, $0xb8;
	[tilespmem:$0xADE0] =	vst v63  }
0xaf: {  	_ =	swait.ge [sflag:s0], $0x1900  }
0xb0: {  	[sflag:s0] =	ssyncset.done $0x0;
	s21 =	rddreg [dreg:$0x19]  }
0xb1: {  	[sflag:s0] =	ssyncadd.s32 $0xFFFFE700;
	s24 =	sadd.s32 $0xFFFFF6A0, s21  }
0xb2: {  	[hbm4b:s24+s2] =	stream.linear.scatter [tilespmem:s29], [sflag:$0x9], $0x1900, $0x38;
	[tilespmem:$0xADE0] =	vst v63  }
0xb3: {  	_ =	swait.ge [sflag:s26], $0x1900  }
0xb4: {  	[sflag:s26] =	ssyncset.done $0x0  }
0xb5: {  	[sflag:s26] =	ssyncadd.s32 $0xFFFFE700  }
0xb6: {  	_ =	swait.ge [sflag:s20], $0x500  }
0xb7: {  	[sflag:s20] =	ssyncset.done $0x0  }
0xb8: {  	s25 =	rddreg [dreg:$0x17];
	[sflag:s20] =	ssyncadd.s32 $0xFFFFFB00  }
0xb9: {  	[hbm4b:s25+s2] =	stream.linear.scatter [tilespmem:s10], [sflag:$0x9], $0x500, $0x38;
	[tilespmem:$0xADE0] =	vst v63  }
0xba: {  	_ =	swait.ge [sflag:s26], $0x500  }
0xbb: {  	[sflag:s26] =	ssyncset.done $0x0  }
0xbc: {  	[sflag:s26] =	ssyncadd.s32 $0xFFFFFB00  }
0xbd: {  	_ =	swait.ge [sflag:s5], $0x1900  }
0xbe: {  	[sflag:s5] =	ssyncset.done $0x0  }
0xbf: {  	s22 =	sadd.s32 $0xFFFFF9C0, s21;
	[sflag:s5] =	ssyncadd.s32 $0xFFFFE700  }
0xc0: {  	[hbm4b:s22+s2] =	stream.linear.scatter [tilespmem:s30], [sflag:$0x9], $0x1900, $0x38;
	[tilespmem:$0xADE0] =	vst v63  }
0xc1: {  	_ =	swait.ge [sflag:s26], $0x1900  }
0xc2: {  	[sflag:s26] =	ssyncset.done $0x0  }
0xc3: {  	[sflag:s26] =	ssyncadd.s32 $0xFFFFE700  }
0xc4: {  	_ =	swait.ge [sflag:s8], $0x500  }
0xc5: {  	[sflag:s8] =	ssyncset.done $0x0  }
0xc6: {  	s23 =	rddreg [dreg:$0xf];
	[sflag:s8] =	ssyncadd.s32 $0xFFFFFB00  }
0xc7: {  	[hbm4b:s23+s2] =	stream.linear.scatter [tilespmem:s11], [sflag:$0x9], $0x500, $0x38;
	[tilespmem:$0xADE0] =	vst v63  }
0xc8: {  	_ =	swait.ge [sflag:s26], $0x500  }
0xc9: {  	[sflag:s26] =	ssyncset.done $0x0  }
0xca: {  	[sflag:s26] =	ssyncadd.s32 $0xFFFFFB00  }
0xcb: {  	_ =	swait.ge [sflag:s6], $0x1900  }
0xcc: {  	[sflag:s6] =	ssyncset.done $0x0  }
0xcd: {  	s24 =	sadd.s32 $0xFFFFFCE0, s21;
	[sflag:s6] =	ssyncadd.s32 $0xFFFFE700  }
0xce: {  	[hbm4b:s24+s2] =	stream.linear.scatter [tilespmem:s31], [sflag:$0x9], $0x1900, $0x38;
	[tilespmem:$0xADE0] =	vst v63  }
0xcf: {  	_ =	swait.ge [sflag:s26], $0x1900  }
0xd0: {  	[sflag:s26] =	ssyncset.done $0x0  }
0xd1: {  	[sflag:s26] =	ssyncadd.s32 $0xFFFFE700  }
0xd2: {  	_ =	swait.ge [sflag:s9], $0x500  }
0xd3: {  	[sflag:s9] =	ssyncset.done $0x0  }
0xd4: {  	s17 =	rddreg [dreg:$0xe];
	[sflag:s9] =	ssyncadd.s32 $0xFFFFFB00  }
0xd5: {  	[hbm4b:s17+s2] =	stream.linear.scatter [tilespmem:s18], [sflag:$0x9], $0x500, $0x38;
	[tilespmem:$0xADE0] =	vst v63  }
0xd6: {  	_ =	swait.ge [sflag:s26], $0x500  }
0xd7: {  	[sflag:s26] =	ssyncset.done $0x0  }
0xd8: {  	[sflag:s26] =	ssyncadd.s32 $0xFFFFFB00  }
0xd9: {  	_ =	swait.ge [sflag:s7], $0x1900  }
0xda: {  	[sflag:s7] =	ssyncset.done $0x0  }
0xdb: {  	[sflag:s7] =	ssyncadd.s32 $0xFFFFE700  }
0xdc: {  	[hbm4b:s21+s2] =	stream.linear.scatter [tilespmem:s1], [sflag:$0x9], $0x1900, $0x38;
	[tilespmem:$0xADE0] =	vst v63  }
0xdd: {  	_ =	swait.ge [sflag:s26], $0x1900  }
0xde: {  	[sflag:s26] =	ssyncset.done $0x0  }
0xdf: {  	[sflag:s26] =	ssyncadd.s32 $0xFFFFE700  }
0xe0: {  	_ =	swait.ge [sflag:s12], $0x500  }
0xe1: {  	s14 =	simm.s32 $0xA00;
	s13 =	sadd.s32 $0x280, s25;
	[sflag:s12] =	ssyncset.done $0x0  }
0xe2: {  	s23 =	sadd.s32 $0x280, s23;
	s25 =	rddreg [dreg:$0xd];
	[sflag:s12] =	ssyncadd.s32 $0xFFFFFB00  }
0xe3: {  	[hbm4b:s25+s2] =	stream.linear.scatter [tilespmem:s19], [sflag:$0x9], $0x500, $0x38;
	[tilespmem:$0xADE0] =	vst v63  }
0xe4: {  	s24 =	simm.s32 $0x140;
	s22 =	sadd.s32 $0x280, s17;
	_ =	swait.ge [sflag:s26], $0x500  }
0xe5: {  	s17 =	sadd.s32 $0xC80, s21;
	s16 =	sadd.s32 $0x280, s25;
	[sflag:s26] =	ssyncset.done $0x0  }
.LBB2_4:
0xe6: {  	s15 =	sadd.s32 $0x1F40, s24  }
0xe7: {  	[sflag:s26] =	ssyncadd.s32 $0xFFFFFB00;
	s21 =	smov.u32 s14;
	s25 =	sadd.s32 $0x500, s14  }
0xe8: {  	[tilespmem:s29], [sflag:$0x1] =	stream.indirect.gather [hbm4b:s3+s28], $0x50, s15, s28, $0xb8;
	[tilespmem:$0xADE0] =	vst v63  }
0xe9: {  	p0 =	sne.s32 s14, $0x1400;
	s14 =	sadd.s32 $0x1F90, s24  }
0xea: {  	[tilespmem:s30], [sflag:$0x2] =	stream.indirect.gather [hbm4b:s3+s28], $0x50, s14, s28, $0xb8;
	[tilespmem:$0xADE0] =	vst v63  }
0xeb: {  	s14 =	sadd.s32 $0x1FE0, s24  }
0xec: {  	[tilespmem:s31], [sflag:$0x3] =	stream.indirect.gather [hbm4b:s3+s28], $0x50, s14, s28, $0xb8;
	[tilespmem:$0xADE0] =	vst v63  }
0xed: {  	s14 =	sadd.s32 $0x2030, s24  }
0xee: {  	[tilespmem:s1], [sflag:$0x4] =	stream.indirect.gather [hbm4b:s3+s28], $0x50, s14, s28, $0xb8;
	[tilespmem:$0xADE0] =	vst v63  }
0xef: {  	s14 =	sadd.s32 $0x2580, s24  }
0xf0: {  	[tilespmem:s10], [sflag:$0x5] =	stream.indirect.gather [hbm4b:s4+s28], $0x10, s14, s28, $0xb8;
	[tilespmem:$0xADE0] =	vst v63  }
0xf1: {  	s14 =	sadd.s32 $0x25D0, s24  }
0xf2: {  	[tilespmem:s11], [sflag:$0x6] =	stream.indirect.gather [hbm4b:s4+s28], $0x10, s14, s28, $0xb8;
	[tilespmem:$0xADE0] =	vst v63  }
0xf3: {  	s14 =	sadd.s32 $0x2620, s24  }
0xf4: {  	[tilespmem:s18], [sflag:$0x7] =	stream.indirect.gather [hbm4b:s4+s28], $0x10, s14, s28, $0xb8;
	[tilespmem:$0xADE0] =	vst v63  }
0xf5: {  	s14 =	sadd.s32 $0x2670, s24  }
0xf6: {  	[tilespmem:s19], [sflag:$0x8] =	stream.indirect.gather [hbm4b:s4+s28], $0x10, s14, s28, $0xb8;
	[tilespmem:$0xADE0] =	vst v63  }
0xf7: {  	_ =	swait.ge [sflag:s0], $0x1900  }
0xf8: {  	[sflag:s0] =	ssyncset.done $0x0  }
0xf9: {  	s14 =	sadd.s32 $0xFFFFF6A0, s17;
	[sflag:s0] =	ssyncadd.s32 $0xFFFFE700  }
0xfa: {  	[hbm4b:s14+s2] =	stream.linear.scatter [tilespmem:s29], [sflag:$0x9], $0x1900, $0x38;
	[tilespmem:$0xADE0] =	vst v63  }
0xfb: {  	_ =	swait.ge [sflag:s26], $0x1900  }
0xfc: {  	[sflag:s26] =	ssyncset.done $0x0  }
0xfd: {  	[sflag:s26] =	ssyncadd.s32 $0xFFFFE700  }
0xfe: {  	_ =	swait.ge [sflag:s20], $0x500  }
0xff: {  	[sflag:s20] =	ssyncset.done $0x0  }
0x100: {  	[sflag:s20] =	ssyncadd.s32 $0xFFFFFB00  }
0x101: {  	[hbm4b:s13+s2] =	stream.linear.scatter [tilespmem:s10], [sflag:$0x9], $0x500, $0x38;
	[tilespmem:$0xADE0] =	vst v63  }
0x102: {  	_ =	swait.ge [sflag:s26], $0x500  }
0x103: {  	[sflag:s26] =	ssyncset.done $0x0  }
0x104: {  	[sflag:s26] =	ssyncadd.s32 $0xFFFFFB00  }
0x105: {  	_ =	swait.ge [sflag:s5], $0x1900  }
0x106: {  	[sflag:s5] =	ssyncset.done $0x0  }
0x107: {  	s14 =	sadd.s32 $0xFFFFF9C0, s17;
	[sflag:s5] =	ssyncadd.s32 $0xFFFFE700  }
0x108: {  	[hbm4b:s14+s2] =	stream.linear.scatter [tilespmem:s30], [sflag:$0x9], $0x1900, $0x38;
	[tilespmem:$0xADE0] =	vst v63  }
0x109: {  	_ =	swait.ge [sflag:s26], $0x1900  }
0x10a: {  	[sflag:s26] =	ssyncset.done $0x0  }
0x10b: {  	[sflag:s26] =	ssyncadd.s32 $0xFFFFE700  }
0x10c: {  	_ =	swait.ge [sflag:s8], $0x500  }
0x10d: {  	[sflag:s8] =	ssyncset.done $0x0  }
0x10e: {  	[sflag:s8] =	ssyncadd.s32 $0xFFFFFB00  }
0x10f: {  	[hbm4b:s23+s2] =	stream.linear.scatter [tilespmem:s11], [sflag:$0x9], $0x500, $0x38;
	[tilespmem:$0xADE0] =	vst v63  }
0x110: {  	_ =	swait.ge [sflag:s26], $0x500  }
0x111: {  	[sflag:s26] =	ssyncset.done $0x0  }
0x112: {  	[sflag:s26] =	ssyncadd.s32 $0xFFFFFB00  }
0x113: {  	_ =	swait.ge [sflag:s6], $0x1900  }
0x114: {  	[sflag:s6] =	ssyncset.done $0x0  }
0x115: {  	s14 =	sadd.s32 $0xFFFFFCE0, s17;
	[sflag:s6] =	ssyncadd.s32 $0xFFFFE700  }
0x116: {  	[hbm4b:s14+s2] =	stream.linear.scatter [tilespmem:s31], [sflag:$0x9], $0x1900, $0x38;
	[tilespmem:$0xADE0] =	vst v63  }
0x117: {  	_ =	swait.ge [sflag:s26], $0x1900  }
0x118: {  	[sflag:s26] =	ssyncset.done $0x0  }
0x119: {  	[sflag:s26] =	ssyncadd.s32 $0xFFFFE700  }
0x11a: {  	_ =	swait.ge [sflag:s9], $0x500  }
0x11b: {  	[sflag:s9] =	ssyncset.done $0x0  }
0x11c: {  	[sflag:s9] =	ssyncadd.s32 $0xFFFFFB00  }
0x11d: {  	[hbm4b:s22+s2] =	stream.linear.scatter [tilespmem:s18], [sflag:$0x9], $0x500, $0x38;
	[tilespmem:$0xADE0] =	vst v63  }
0x11e: {  	_ =	swait.ge [sflag:s26], $0x500  }
0x11f: {  	[sflag:s26] =	ssyncset.done $0x0  }
0x120: {  	[sflag:s26] =	ssyncadd.s32 $0xFFFFFB00  }
0x121: {  	_ =	swait.ge [sflag:s7], $0x1900  }
0x122: {  	[sflag:s7] =	ssyncset.done $0x0  }
0x123: {  	[sflag:s7] =	ssyncadd.s32 $0xFFFFE700  }
0x124: {  	[hbm4b:s17+s2] =	stream.linear.scatter [tilespmem:s1], [sflag:$0x9], $0x1900, $0x38;
	[tilespmem:$0xADE0] =	vst v63  }
0x125: {  	_ =	swait.ge [sflag:s26], $0x1900  }
0x126: {  	[sflag:s26] =	ssyncset.done $0x0  }
0x127: {  	[sflag:s26] =	ssyncadd.s32 $0xFFFFE700  }
0x128: {  	_ =	swait.ge [sflag:s12], $0x500  }
.Ltmp1:
0x129: {  	s24 =	sshra.s32 s21, $0x2;
	[sflag:s12] =	ssyncset.done $0x0;
	(pc) =	sbr.rel @p0 .LBB2_4-.Ltmp1, $4  }
0x12a: {  	s13 =	sadd.s32 $0x280, s13;
	s23 =	sadd.s32 $0x280, s23;
	[sflag:s12] =	ssyncadd.s32 $0xFFFFFB00  }
0x12b: {  	[hbm4b:s16+s2] =	stream.linear.scatter [tilespmem:s19], [sflag:$0x9], $0x500, $0x38;
	[tilespmem:$0xADE0] =	vst v63  }
0x12c: {  	s22 =	sadd.s32 $0x280, s22;
	s16 =	sadd.s32 $0x280, s16;
	_ =	swait.ge [sflag:s26], $0x500  }
0x12d: {  	s14 =	smov.u32 s25;
	s17 =	sadd.s32 $0xC80, s17;
	[sflag:s26] =	ssyncset.done $0x0  }
0x12e: {  	s14 =	sadd.s32 $0x1F40, s24;
	[sflag:s26] =	ssyncadd.s32 $0xFFFFFB00  }
0x12f: {  	[tilespmem:s29], [sflag:$0x1] =	stream.indirect.gather [hbm4b:s3+s28], $0x50, s14, s28, $0xb8;
	[tilespmem:$0xADE0] =	vst v63  }
0x130: {  	s25 =	sadd.s32 $0x1F90, s24  }
0x131: {  	[tilespmem:s30], [sflag:$0x2] =	stream.indirect.gather [hbm4b:s3+s28], $0x50, s25, s28, $0xb8;
	[tilespmem:$0xADE0] =	vst v63  }
0x132: {  	s15 =	sadd.s32 $0x1FE0, s24  }
0x133: {  	[tilespmem:s31], [sflag:$0x3] =	stream.indirect.gather [hbm4b:s3+s28], $0x50, s15, s28, $0xb8;
	[tilespmem:$0xADE0] =	vst v63  }
0x134: {  	s21 =	sadd.s32 $0x2030, s24  }
0x135: {  	[tilespmem:s1], [sflag:$0x4] =	stream.indirect.gather [hbm4b:s3+s28], $0x50, s21, s28, $0xb8;
	[tilespmem:$0xADE0] =	vst v63  }
0x136: {  	s25 =	sadd.s32 $0x2580, s24  }
0x137: {  	[tilespmem:s10], [sflag:$0x5] =	stream.indirect.gather [hbm4b:s4+s28], $0x10, s25, s28, $0xb8;
	[tilespmem:$0xADE0] =	vst v63  }
0x138: {  	s15 =	sadd.s32 $0x25D0, s24  }
0x139: {  	[tilespmem:s11], [sflag:$0x6] =	stream.indirect.gather [hbm4b:s4+s28], $0x10, s15, s28, $0xb8;
	[tilespmem:$0xADE0] =	vst v63  }
0x13a: {  	s21 =	sadd.s32 $0x2620, s24  }
0x13b: {  	[tilespmem:s18], [sflag:$0x7] =	stream.indirect.gather [hbm4b:s4+s28], $0x10, s21, s28, $0xb8;
	[tilespmem:$0xADE0] =	vst v63  }
0x13c: {  	s24 =	sadd.s32 $0x2670, s24  }
0x13d: {  	[tilespmem:s19], [sflag:$0x8] =	stream.indirect.gather [hbm4b:s4+s28], $0x10, s24, s28, $0xb8;
	[tilespmem:$0xADE0] =	vst v63  }
0x13e: {  	_ =	swait.ge [sflag:s0], $0x1900  }
0x13f: {  	[sflag:s0] =	ssyncset.done $0x0  }
0x140: {  	s25 =	sadd.s32 $0xFFFFF6A0, s17;
	[sflag:s0] =	ssyncadd.s32 $0xFFFFE700  }
0x141: {  	[hbm4b:s25+s2] =	stream.linear.scatter [tilespmem:s29], [sflag:$0x9], $0x1900, $0x38;
	[tilespmem:$0xADE0] =	vst v63  }
0x142: {  	_ =	swait.ge [sflag:s26], $0x1900  }
0x143: {  	[sflag:s26] =	ssyncset.done $0x0  }
0x144: {  	[sflag:s26] =	ssyncadd.s32 $0xFFFFE700  }
0x145: {  	_ =	swait.ge [sflag:s20], $0x500  }
0x146: {  	[sflag:s20] =	ssyncset.done $0x0  }
0x147: {  	[sflag:s20] =	ssyncadd.s32 $0xFFFFFB00  }
0x148: {  	[hbm4b:s13+s2] =	stream.linear.scatter [tilespmem:s10], [sflag:$0x9], $0x500, $0x38;
	[tilespmem:$0xADE0] =	vst v63  }
0x149: {  	_ =	swait.ge [sflag:s26], $0x500  }
0x14a: {  	[sflag:s26] =	ssyncset.done $0x0  }
0x14b: {  	[sflag:s26] =	ssyncadd.s32 $0xFFFFFB00  }
0x14c: {  	_ =	swait.ge [sflag:s5], $0x1900  }
0x14d: {  	[sflag:s5] =	ssyncset.done $0x0  }
0x14e: {  	s14 =	sadd.s32 $0xFFFFF9C0, s17;
	[sflag:s5] =	ssyncadd.s32 $0xFFFFE700  }
0x14f: {  	[hbm4b:s14+s2] =	stream.linear.scatter [tilespmem:s30], [sflag:$0x9], $0x1900, $0x38;
	[tilespmem:$0xADE0] =	vst v63  }
0x150: {  	_ =	swait.ge [sflag:s26], $0x1900  }
0x151: {  	[sflag:s26] =	ssyncset.done $0x0  }
0x152: {  	[sflag:s26] =	ssyncadd.s32 $0xFFFFE700  }
0x153: {  	_ =	swait.ge [sflag:s8], $0x500  }
0x154: {  	[sflag:s8] =	ssyncset.done $0x0  }
0x155: {  	[sflag:s8] =	ssyncadd.s32 $0xFFFFFB00  }
0x156: {  	[hbm4b:s23+s2] =	stream.linear.scatter [tilespmem:s11], [sflag:$0x9], $0x500, $0x38;
	[tilespmem:$0xADE0] =	vst v63  }
0x157: {  	_ =	swait.ge [sflag:s26], $0x500  }
0x158: {  	[sflag:s26] =	ssyncset.done $0x0  }
0x159: {  	[sflag:s26] =	ssyncadd.s32 $0xFFFFFB00  }
0x15a: {  	_ =	swait.ge [sflag:s6], $0x1900  }
0x15b: {  	[sflag:s6] =	ssyncset.done $0x0  }
0x15c: {  	s15 =	sadd.s32 $0xFFFFFCE0, s17;
	[sflag:s6] =	ssyncadd.s32 $0xFFFFE700  }
0x15d: {  	[hbm4b:s15+s2] =	stream.linear.scatter [tilespmem:s31], [sflag:$0x9], $0x1900, $0x38;
	[tilespmem:$0xADE0] =	vst v63  }
0x15e: {  	_ =	swait.ge [sflag:s26], $0x1900  }
0x15f: {  	[sflag:s26] =	ssyncset.done $0x0  }
0x160: {  	[sflag:s26] =	ssyncadd.s32 $0xFFFFE700  }
0x161: {  	_ =	swait.ge [sflag:s9], $0x500  }
0x162: {  	[sflag:s9] =	ssyncset.done $0x0  }
0x163: {  	[sflag:s9] =	ssyncadd.s32 $0xFFFFFB00  }
0x164: {  	[hbm4b:s22+s2] =	stream.linear.scatter [tilespmem:s18], [sflag:$0x9], $0x500, $0x38;
	[tilespmem:$0xADE0] =	vst v63  }
0x165: {  	_ =	swait.ge [sflag:s26], $0x500  }
0x166: {  	[sflag:s26] =	ssyncset.done $0x0  }
0x167: {  	[sflag:s26] =	ssyncadd.s32 $0xFFFFFB00  }
0x168: {  	_ =	swait.ge [sflag:s7], $0x1900  }
0x169: {  	[sflag:s7] =	ssyncset.done $0x0  }
0x16a: {  	[sflag:s7] =	ssyncadd.s32 $0xFFFFE700  }
0x16b: {  	[hbm4b:s17+s2] =	stream.linear.scatter [tilespmem:s1], [sflag:$0x9], $0x1900, $0x38;
	[tilespmem:$0xADE0] =	vst v63  }
0x16c: {  	_ =	swait.ge [sflag:s26], $0x1900  }
0x16d: {  	[sflag:s26] =	ssyncset.done $0x0  }
0x16e: {  	[sflag:s26] =	ssyncadd.s32 $0xFFFFE700  }
0x16f: {  	_ =	swait.ge [sflag:s12], $0x500  }
0x170: {  	[sflag:s12] =	ssyncset.done $0x0  }
0x171: {  	[sflag:s12] =	ssyncadd.s32 $0xFFFFFB00  }
0x172: {  	[hbm4b:s16+s2] =	stream.linear.scatter [tilespmem:s19], [sflag:$0x9], $0x500, $0x38;
	[tilespmem:$0xADE0] =	vst v63  }
0x173: {  	_ =	swait.ge [sflag:s26], $0x500  }
0x174: {  	s15 =	simm.s32 $0x1F40;
	[sflag:s26] =	ssyncset.done $0x0  }
0x175: {  	s17 =	simm.s32 $0x0;
	s21 =	rddreg [dreg:$0x9];
	[sflag:s26] =	ssyncadd.s32 $0xFFFFFB00  }
0x176: {  	[tilespmem:s15], [sflag:$0x9] =	stream.linear.gather [hbm4b:s21+s17], $0x640, $0x38;
	[tilespmem:$0xADE0] =	vst v63  }
0x177: {  	_ =	swait.ge [sflag:s26], $0x640  }
0x178: {  	[sflag:s26] =	ssyncset.done $0x0  }
0x179: {  	s23 =	simm.s32 $0x2580;
	s22 =	rddreg [dreg:$0xa];
	[sflag:s26] =	ssyncadd.s32 $0xFFFFF9C0  }
0x17a: {  	[tilespmem:s23], [sflag:$0x9] =	stream.linear.gather [hbm4b:s22+s17], $0x640, $0x38;
	[tilespmem:$0xADE0] =	vst v63  }
0x17b: {  	_ =	swait.ge [sflag:s26], $0x640  }
0x17c: {  	[sflag:s26] =	ssyncset.done $0x0  }
0x17d: {  	s24 =	simm.s32 $0x1F40;
	[sflag:s26] =	ssyncadd.s32 $0xFFFFF9C0  }
0x17e: {  	[tilespmem:s29], [sflag:$0x1] =	stream.indirect.gather [hbm4b:s3+s28], $0x50, s24, s28, $0xb8;
	[tilespmem:$0xADE0] =	vst v63  }
0x17f: {  	s25 =	simm.s32 $0x1F90  }
0x180: {  	[tilespmem:s30], [sflag:$0x2] =	stream.indirect.gather [hbm4b:s3+s28], $0x50, s25, s28, $0xb8;
	[tilespmem:$0xADE0] =	vst v63  }
0x181: {  	s14 =	simm.s32 $0x1FE0  }
0x182: {  	[tilespmem:s31], [sflag:$0x3] =	stream.indirect.gather [hbm4b:s3+s28], $0x50, s14, s28, $0xb8;
	[tilespmem:$0xADE0] =	vst v63  }
0x183: {  	s15 =	simm.s32 $0x2030  }
0x184: {  	[tilespmem:s1], [sflag:$0x4] =	stream.indirect.gather [hbm4b:s3+s28], $0x50, s15, s28, $0xb8;
	[tilespmem:$0xADE0] =	vst v63  }
0x185: {  	s16 =	simm.s32 $0x2580  }
0x186: {  	[tilespmem:s10], [sflag:$0x5] =	stream.indirect.gather [hbm4b:s4+s28], $0x10, s16, s28, $0xb8;
	[tilespmem:$0xADE0] =	vst v63  }
0x187: {  	s17 =	simm.s32 $0x25D0  }
0x188: {  	[tilespmem:s11], [sflag:$0x6] =	stream.indirect.gather [hbm4b:s4+s28], $0x10, s17, s28, $0xb8;
	[tilespmem:$0xADE0] =	vst v63  }
0x189: {  	s21 =	simm.s32 $0x2620  }
0x18a: {  	[tilespmem:s18], [sflag:$0x7] =	stream.indirect.gather [hbm4b:s4+s28], $0x10, s21, s28, $0xb8;
	[tilespmem:$0xADE0] =	vst v63  }
0x18b: {  	s22 =	simm.s32 $0x2670  }
0x18c: {  	[tilespmem:s19], [sflag:$0x8] =	stream.indirect.gather [hbm4b:s4+s28], $0x10, s22, s28, $0xb8;
	[tilespmem:$0xADE0] =	vst v63  }
0x18d: {  	_ =	swait.ge [sflag:s0], $0x1900  }
0x18e: {  	[sflag:s0] =	ssyncset.done $0x0;
	s17 =	rddreg [dreg:$0x1a]  }
0x18f: {  	[sflag:s0] =	ssyncadd.s32 $0xFFFFE700;
	s23 =	sadd.s32 $0xFFFFF6A0, s17  }
0x190: {  	[hbm4b:s23+s2] =	stream.linear.scatter [tilespmem:s29], [sflag:$0x9], $0x1900, $0x38;
	[tilespmem:$0xADE0] =	vst v63  }
0x191: {  	_ =	swait.ge [sflag:s26], $0x1900  }
0x192: {  	[sflag:s26] =	ssyncset.done $0x0  }
0x193: {  	[sflag:s26] =	ssyncadd.s32 $0xFFFFE700  }
0x194: {  	_ =	swait.ge [sflag:s20], $0x500  }
0x195: {  	[sflag:s20] =	ssyncset.done $0x0  }
0x196: {  	s24 =	rddreg [dreg:$0x18];
	[sflag:s20] =	ssyncadd.s32 $0xFFFFFB00  }
0x197: {  	[hbm4b:s24+s2] =	stream.linear.scatter [tilespmem:s10], [sflag:$0x9], $0x500, $0x38;
	[tilespmem:$0xADE0] =	vst v63  }
0x198: {  	_ =	swait.ge [sflag:s26], $0x500  }
0x199: {  	[sflag:s26] =	ssyncset.done $0x0  }
0x19a: {  	[sflag:s26] =	ssyncadd.s32 $0xFFFFFB00  }
0x19b: {  	_ =	swait.ge [sflag:s5], $0x1900  }
0x19c: {  	[sflag:s5] =	ssyncset.done $0x0  }
0x19d: {  	s14 =	sadd.s32 $0xFFFFF9C0, s17;
	[sflag:s5] =	ssyncadd.s32 $0xFFFFE700  }
0x19e: {  	[hbm4b:s14+s2] =	stream.linear.scatter [tilespmem:s30], [sflag:$0x9], $0x1900, $0x38;
	[tilespmem:$0xADE0] =	vst v63  }
0x19f: {  	_ =	swait.ge [sflag:s26], $0x1900  }
0x1a0: {  	[sflag:s26] =	ssyncset.done $0x0  }
0x1a1: {  	[sflag:s26] =	ssyncadd.s32 $0xFFFFE700  }
0x1a2: {  	_ =	swait.ge [sflag:s8], $0x500  }
0x1a3: {  	[sflag:s8] =	ssyncset.done $0x0  }
0x1a4: {  	s15 =	rddreg [dreg:$0x12];
	[sflag:s8] =	ssyncadd.s32 $0xFFFFFB00  }
0x1a5: {  	[hbm4b:s15+s2] =	stream.linear.scatter [tilespmem:s11], [sflag:$0x9], $0x500, $0x38;
	[tilespmem:$0xADE0] =	vst v63  }
0x1a6: {  	_ =	swait.ge [sflag:s26], $0x500  }
0x1a7: {  	[sflag:s26] =	ssyncset.done $0x0  }
0x1a8: {  	[sflag:s26] =	ssyncadd.s32 $0xFFFFFB00  }
0x1a9: {  	_ =	swait.ge [sflag:s6], $0x1900  }
0x1aa: {  	[sflag:s6] =	ssyncset.done $0x0  }
0x1ab: {  	s21 =	sadd.s32 $0xFFFFFCE0, s17;
	[sflag:s6] =	ssyncadd.s32 $0xFFFFE700  }
0x1ac: {  	[hbm4b:s21+s2] =	stream.linear.scatter [tilespmem:s31], [sflag:$0x9], $0x1900, $0x38;
	[tilespmem:$0xADE0] =	vst v63  }
0x1ad: {  	_ =	swait.ge [sflag:s26], $0x1900  }
0x1ae: {  	[sflag:s26] =	ssyncset.done $0x0  }
0x1af: {  	[sflag:s26] =	ssyncadd.s32 $0xFFFFE700  }
0x1b0: {  	_ =	swait.ge [sflag:s9], $0x500  }
0x1b1: {  	[sflag:s9] =	ssyncset.done $0x0  }
0x1b2: {  	s22 =	rddreg [dreg:$0x11];
	[sflag:s9] =	ssyncadd.s32 $0xFFFFFB00  }
0x1b3: {  	[hbm4b:s22+s2] =	stream.linear.scatter [tilespmem:s18], [sflag:$0x9], $0x500, $0x38;
	[tilespmem:$0xADE0] =	vst v63  }
0x1b4: {  	_ =	swait.ge [sflag:s26], $0x500  }
0x1b5: {  	[sflag:s26] =	ssyncset.done $0x0  }
0x1b6: {  	[sflag:s26] =	ssyncadd.s32 $0xFFFFFB00  }
0x1b7: {  	_ =	swait.ge [sflag:s7], $0x1900  }
0x1b8: {  	[sflag:s7] =	ssyncset.done $0x0  }
0x1b9: {  	[sflag:s7] =	ssyncadd.s32 $0xFFFFE700  }
0x1ba: {  	[hbm4b:s17+s2] =	stream.linear.scatter [tilespmem:s1], [sflag:$0x9], $0x1900, $0x38;
	[tilespmem:$0xADE0] =	vst v63  }
0x1bb: {  	_ =	swait.ge [sflag:s26], $0x1900  }
0x1bc: {  	[sflag:s26] =	ssyncset.done $0x0  }
0x1bd: {  	[sflag:s26] =	ssyncadd.s32 $0xFFFFE700  }
0x1be: {  	_ =	swait.ge [sflag:s12], $0x500  }
0x1bf: {  	s25 =	simm.s32 $0xA00;
	s13 =	sadd.s32 $0x280, s24;
	[sflag:s12] =	ssyncset.done $0x0  }
0x1c0: {  	s23 =	sadd.s32 $0x280, s15;
	s24 =	rddreg [dreg:$0x10];
	[sflag:s12] =	ssyncadd.s32 $0xFFFFFB00  }
0x1c1: {  	[hbm4b:s24+s2] =	stream.linear.scatter [tilespmem:s19], [sflag:$0x9], $0x500, $0x38;
	[tilespmem:$0xADE0] =	vst v63  }
0x1c2: {  	s22 =	sadd.s32 $0x280, s22;
	s17 =	sadd.s32 $0xC80, s17;
	_ =	swait.ge [sflag:s26], $0x500  }
0x1c3: {  	s16 =	sadd.s32 $0x280, s24;
	s24 =	simm.s32 $0x140;
	[sflag:s26] =	ssyncset.done $0x0  }
.LBB2_6:
0x1c4: {  	s15 =	sadd.s32 $0x1F40, s24  }
0x1c5: {  	[sflag:s26] =	ssyncadd.s32 $0xFFFFFB00;
	s21 =	smov.u32 s25;
	s14 =	sadd.s32 $0x500, s25  }
0x1c6: {  	[tilespmem:s29], [sflag:$0x1] =	stream.indirect.gather [hbm4b:s3+s28], $0x50, s15, s28, $0xb8;
	[tilespmem:$0xADE0] =	vst v63  }
0x1c7: {  	p0 =	sne.s32 s25, $0x1400;
	s15 =	sadd.s32 $0x1F90, s24  }
0x1c8: {  	[tilespmem:s30], [sflag:$0x2] =	stream.indirect.gather [hbm4b:s3+s28], $0x50, s15, s28, $0xb8;
	[tilespmem:$0xADE0] =	vst v63  }
0x1c9: {  	s15 =	sadd.s32 $0x1FE0, s24  }
0x1ca: {  	[tilespmem:s31], [sflag:$0x3] =	stream.indirect.gather [hbm4b:s3+s28], $0x50, s15, s28, $0xb8;
	[tilespmem:$0xADE0] =	vst v63  }
0x1cb: {  	s15 =	sadd.s32 $0x2030, s24  }
0x1cc: {  	[tilespmem:s1], [sflag:$0x4] =	stream.indirect.gather [hbm4b:s3+s28], $0x50, s15, s28, $0xb8;
	[tilespmem:$0xADE0] =	vst v63  }
0x1cd: {  	s15 =	sadd.s32 $0x2580, s24  }
0x1ce: {  	[tilespmem:s10], [sflag:$0x5] =	stream.indirect.gather [hbm4b:s4+s28], $0x10, s15, s28, $0xb8;
	[tilespmem:$0xADE0] =	vst v63  }
0x1cf: {  	s15 =	sadd.s32 $0x25D0, s24  }
0x1d0: {  	[tilespmem:s11], [sflag:$0x6] =	stream.indirect.gather [hbm4b:s4+s28], $0x10, s15, s28, $0xb8;
	[tilespmem:$0xADE0] =	vst v63  }
0x1d1: {  	s15 =	sadd.s32 $0x2620, s24  }
0x1d2: {  	[tilespmem:s18], [sflag:$0x7] =	stream.indirect.gather [hbm4b:s4+s28], $0x10, s15, s28, $0xb8;
	[tilespmem:$0xADE0] =	vst v63  }
0x1d3: {  	s15 =	sadd.s32 $0x2670, s24  }
0x1d4: {  	[tilespmem:s19], [sflag:$0x8] =	stream.indirect.gather [hbm4b:s4+s28], $0x10, s15, s28, $0xb8;
	[tilespmem:$0xADE0] =	vst v63  }
0x1d5: {  	_ =	swait.ge [sflag:s0], $0x1900  }
0x1d6: {  	[sflag:s0] =	ssyncset.done $0x0  }
0x1d7: {  	s15 =	sadd.s32 $0xFFFFF6A0, s17;
	[sflag:s0] =	ssyncadd.s32 $0xFFFFE700  }
0x1d8: {  	[hbm4b:s15+s2] =	stream.linear.scatter [tilespmem:s29], [sflag:$0x9], $0x1900, $0x38;
	[tilespmem:$0xADE0] =	vst v63  }
0x1d9: {  	_ =	swait.ge [sflag:s26], $0x1900  }
0x1da: {  	[sflag:s26] =	ssyncset.done $0x0  }
0x1db: {  	[sflag:s26] =	ssyncadd.s32 $0xFFFFE700  }
0x1dc: {  	_ =	swait.ge [sflag:s20], $0x500  }
0x1dd: {  	[sflag:s20] =	ssyncset.done $0x0  }
0x1de: {  	[sflag:s20] =	ssyncadd.s32 $0xFFFFFB00  }
0x1df: {  	[hbm4b:s13+s2] =	stream.linear.scatter [tilespmem:s10], [sflag:$0x9], $0x500, $0x38;
	[tilespmem:$0xADE0] =	vst v63  }
0x1e0: {  	_ =	swait.ge [sflag:s26], $0x500  }
0x1e1: {  	[sflag:s26] =	ssyncset.done $0x0  }
0x1e2: {  	[sflag:s26] =	ssyncadd.s32 $0xFFFFFB00  }
0x1e3: {  	_ =	swait.ge [sflag:s5], $0x1900  }
0x1e4: {  	[sflag:s5] =	ssyncset.done $0x0  }
0x1e5: {  	s15 =	sadd.s32 $0xFFFFF9C0, s17;
	[sflag:s5] =	ssyncadd.s32 $0xFFFFE700  }
0x1e6: {  	[hbm4b:s15+s2] =	stream.linear.scatter [tilespmem:s30], [sflag:$0x9], $0x1900, $0x38;
	[tilespmem:$0xADE0] =	vst v63  }
0x1e7: {  	_ =	swait.ge [sflag:s26], $0x1900  }
0x1e8: {  	[sflag:s26] =	ssyncset.done $0x0  }
0x1e9: {  	[sflag:s26] =	ssyncadd.s32 $0xFFFFE700  }
0x1ea: {  	_ =	swait.ge [sflag:s8], $0x500  }
0x1eb: {  	[sflag:s8] =	ssyncset.done $0x0  }
0x1ec: {  	[sflag:s8] =	ssyncadd.s32 $0xFFFFFB00  }
0x1ed: {  	[hbm4b:s23+s2] =	stream.linear.scatter [tilespmem:s11], [sflag:$0x9], $0x500, $0x38;
	[tilespmem:$0xADE0] =	vst v63  }
0x1ee: {  	_ =	swait.ge [sflag:s26], $0x500  }
0x1ef: {  	[sflag:s26] =	ssyncset.done $0x0  }
0x1f0: {  	[sflag:s26] =	ssyncadd.s32 $0xFFFFFB00  }
0x1f1: {  	_ =	swait.ge [sflag:s6], $0x1900  }
0x1f2: {  	[sflag:s6] =	ssyncset.done $0x0  }
0x1f3: {  	s15 =	sadd.s32 $0xFFFFFCE0, s17;
	[sflag:s6] =	ssyncadd.s32 $0xFFFFE700  }
0x1f4: {  	[hbm4b:s15+s2] =	stream.linear.scatter [tilespmem:s31], [sflag:$0x9], $0x1900, $0x38;
	[tilespmem:$0xADE0] =	vst v63  }
0x1f5: {  	_ =	swait.ge [sflag:s26], $0x1900  }
0x1f6: {  	[sflag:s26] =	ssyncset.done $0x0  }
0x1f7: {  	[sflag:s26] =	ssyncadd.s32 $0xFFFFE700  }
0x1f8: {  	_ =	swait.ge [sflag:s9], $0x500  }
0x1f9: {  	[sflag:s9] =	ssyncset.done $0x0  }
0x1fa: {  	[sflag:s9] =	ssyncadd.s32 $0xFFFFFB00  }
0x1fb: {  	[hbm4b:s22+s2] =	stream.linear.scatter [tilespmem:s18], [sflag:$0x9], $0x500, $0x38;
	[tilespmem:$0xADE0] =	vst v63  }
0x1fc: {  	_ =	swait.ge [sflag:s26], $0x500  }
0x1fd: {  	[sflag:s26] =	ssyncset.done $0x0  }
0x1fe: {  	[sflag:s26] =	ssyncadd.s32 $0xFFFFFB00  }
0x1ff: {  	_ =	swait.ge [sflag:s7], $0x1900  }
0x200: {  	[sflag:s7] =	ssyncset.done $0x0  }
0x201: {  	[sflag:s7] =	ssyncadd.s32 $0xFFFFE700  }
0x202: {  	[hbm4b:s17+s2] =	stream.linear.scatter [tilespmem:s1], [sflag:$0x9], $0x1900, $0x38;
	[tilespmem:$0xADE0] =	vst v63  }
0x203: {  	_ =	swait.ge [sflag:s26], $0x1900  }
0x204: {  	[sflag:s26] =	ssyncset.done $0x0  }
0x205: {  	[sflag:s26] =	ssyncadd.s32 $0xFFFFE700  }
0x206: {  	_ =	swait.ge [sflag:s12], $0x500  }
.Ltmp2:
0x207: {  	s25 =	smov.u32 s14;
	[sflag:s12] =	ssyncset.done $0x0;
	(pc) =	sbr.rel @p0 .LBB2_6-.Ltmp2, $4  }
0x208: {  	s13 =	sadd.s32 $0x280, s13;
	s23 =	sadd.s32 $0x280, s23;
	[sflag:s12] =	ssyncadd.s32 $0xFFFFFB00  }
0x209: {  	[hbm4b:s16+s2] =	stream.linear.scatter [tilespmem:s19], [sflag:$0x9], $0x500, $0x38;
	[tilespmem:$0xADE0] =	vst v63  }
0x20a: {  	s22 =	sadd.s32 $0x280, s22;
	s16 =	sadd.s32 $0x280, s16;
	_ =	swait.ge [sflag:s26], $0x500  }
0x20b: {  	s24 =	sshra.s32 s21, $0x2;
	s17 =	sadd.s32 $0xC80, s17;
	[sflag:s26] =	ssyncset.done $0x0  }
0x20c: {  	s14 =	sadd.s32 $0x1F40, s24;
	[sflag:s26] =	ssyncadd.s32 $0xFFFFFB00  }
0x20d: {  	[tilespmem:s29], [sflag:$0x1] =	stream.indirect.gather [hbm4b:s3+s28], $0x50, s14, s28, $0xb8;
	[tilespmem:$0xADE0] =	vst v63  }
0x20e: {  	s21 =	sadd.s32 $0x1F90, s24  }
0x20f: {  	[tilespmem:s30], [sflag:$0x2] =	stream.indirect.gather [hbm4b:s3+s28], $0x50, s21, s28, $0xb8;
	[tilespmem:$0xADE0] =	vst v63  }
0x210: {  	s25 =	sadd.s32 $0x1FE0, s24  }
0x211: {  	[tilespmem:s31], [sflag:$0x3] =	stream.indirect.gather [hbm4b:s3+s28], $0x50, s25, s28, $0xb8;
	[tilespmem:$0xADE0] =	vst v63  }
0x212: {  	s15 =	sadd.s32 $0x2030, s24  }
0x213: {  	[tilespmem:s1], [sflag:$0x4] =	stream.indirect.gather [hbm4b:s3+s28], $0x50, s15, s28, $0xb8;
	[tilespmem:$0xADE0] =	vst v63  }
0x214: {  	s21 =	sadd.s32 $0x2580, s24  }
0x215: {  	[tilespmem:s10], [sflag:$0x5] =	stream.indirect.gather [hbm4b:s4+s28], $0x10, s21, s28, $0xb8;
	[tilespmem:$0xADE0] =	vst v63  }
0x216: {  	s25 =	sadd.s32 $0x25D0, s24  }
0x217: {  	[tilespmem:s11], [sflag:$0x6] =	stream.indirect.gather [hbm4b:s4+s28], $0x10, s25, s28, $0xb8;
	[tilespmem:$0xADE0] =	vst v63  }
0x218: {  	s15 =	sadd.s32 $0x2620, s24  }
0x219: {  	[tilespmem:s18], [sflag:$0x7] =	stream.indirect.gather [hbm4b:s4+s28], $0x10, s15, s28, $0xb8;
	[tilespmem:$0xADE0] =	vst v63  }
0x21a: {  	s21 =	sadd.s32 $0x2670, s24  }
0x21b: {  	[tilespmem:s19], [sflag:$0x8] =	stream.indirect.gather [hbm4b:s4+s28], $0x10, s21, s28, $0xb8;
	[tilespmem:$0xADE0] =	vst v63  }
0x21c: {  	_ =	swait.ge [sflag:s0], $0x1900  }
0x21d: {  	[sflag:s0] =	ssyncset.done $0x0  }
0x21e: {  	s24 =	sadd.s32 $0xFFFFF6A0, s17;
	[sflag:s0] =	ssyncadd.s32 $0xFFFFE700  }
0x21f: {  	[hbm4b:s24+s2] =	stream.linear.scatter [tilespmem:s29], [sflag:$0x9], $0x1900, $0x38;
	[tilespmem:$0xADE0] =	vst v63  }
0x220: {  	_ =	swait.ge [sflag:s26], $0x1900  }
0x221: {  	[sflag:s26] =	ssyncset.done $0x0  }
0x222: {  	[sflag:s26] =	ssyncadd.s32 $0xFFFFE700  }
0x223: {  	_ =	swait.ge [sflag:s20], $0x500  }
0x224: {  	[sflag:s20] =	ssyncset.done $0x0  }
0x225: {  	[sflag:s20] =	ssyncadd.s32 $0xFFFFFB00  }
0x226: {  	[hbm4b:s13+s2] =	stream.linear.scatter [tilespmem:s10], [sflag:$0x9], $0x500, $0x38;
	[tilespmem:$0xADE0] =	vst v63  }
0x227: {  	_ =	swait.ge [sflag:s26], $0x500  }
0x228: {  	[sflag:s26] =	ssyncset.done $0x0  }
0x229: {  	[sflag:s26] =	ssyncadd.s32 $0xFFFFFB00  }
0x22a: {  	_ =	swait.ge [sflag:s5], $0x1900  }
0x22b: {  	[sflag:s5] =	ssyncset.done $0x0  }
0x22c: {  	s25 =	sadd.s32 $0xFFFFF9C0, s17;
	[sflag:s5] =	ssyncadd.s32 $0xFFFFE700  }
0x22d: {  	[hbm4b:s25+s2] =	stream.linear.scatter [tilespmem:s30], [sflag:$0x9], $0x1900, $0x38;
	[tilespmem:$0xADE0] =	vst v63  }
0x22e: {  	_ =	swait.ge [sflag:s26], $0x1900  }
0x22f: {  	[sflag:s26] =	ssyncset.done $0x0  }
0x230: {  	[sflag:s26] =	ssyncadd.s32 $0xFFFFE700  }
0x231: {  	_ =	swait.ge [sflag:s8], $0x500  }
0x232: {  	[sflag:s8] =	ssyncset.done $0x0  }
0x233: {  	[sflag:s8] =	ssyncadd.s32 $0xFFFFFB00  }
0x234: {  	[hbm4b:s23+s2] =	stream.linear.scatter [tilespmem:s11], [sflag:$0x9], $0x500, $0x38;
	[tilespmem:$0xADE0] =	vst v63  }
0x235: {  	_ =	swait.ge [sflag:s26], $0x500  }
0x236: {  	[sflag:s26] =	ssyncset.done $0x0  }
0x237: {  	[sflag:s26] =	ssyncadd.s32 $0xFFFFFB00  }
0x238: {  	_ =	swait.ge [sflag:s6], $0x1900  }
0x239: {  	[sflag:s6] =	ssyncset.done $0x0  }
0x23a: {  	s14 =	sadd.s32 $0xFFFFFCE0, s17;
	[sflag:s6] =	ssyncadd.s32 $0xFFFFE700  }
0x23b: {  	[hbm4b:s14+s2] =	stream.linear.scatter [tilespmem:s31], [sflag:$0x9], $0x1900, $0x38;
	[tilespmem:$0xADE0] =	vst v63  }
0x23c: {  	_ =	swait.ge [sflag:s26], $0x1900  }
0x23d: {  	[sflag:s26] =	ssyncset.done $0x0  }
0x23e: {  	[sflag:s26] =	ssyncadd.s32 $0xFFFFE700  }
0x23f: {  	_ =	swait.ge [sflag:s9], $0x500  }
0x240: {  	[sflag:s9] =	ssyncset.done $0x0  }
0x241: {  	[sflag:s9] =	ssyncadd.s32 $0xFFFFFB00  }
0x242: {  	[hbm4b:s22+s2] =	stream.linear.scatter [tilespmem:s18], [sflag:$0x9], $0x500, $0x38;
	[tilespmem:$0xADE0] =	vst v63  }
0x243: {  	_ =	swait.ge [sflag:s26], $0x500  }
0x244: {  	[sflag:s26] =	ssyncset.done $0x0  }
0x245: {  	[sflag:s26] =	ssyncadd.s32 $0xFFFFFB00  }
0x246: {  	_ =	swait.ge [sflag:s7], $0x1900  }
0x247: {  	[sflag:s7] =	ssyncset.done $0x0  }
0x248: {  	[sflag:s7] =	ssyncadd.s32 $0xFFFFE700  }
0x249: {  	[hbm4b:s17+s2] =	stream.linear.scatter [tilespmem:s1], [sflag:$0x9], $0x1900, $0x38;
	[tilespmem:$0xADE0] =	vst v63  }
0x24a: {  	_ =	swait.ge [sflag:s26], $0x1900  }
0x24b: {  	[sflag:s26] =	ssyncset.done $0x0  }
0x24c: {  	[sflag:s26] =	ssyncadd.s32 $0xFFFFE700  }
0x24d: {  	_ =	swait.ge [sflag:s12], $0x500  }
0x24e: {  	[sflag:s12] =	ssyncset.done $0x0  }
0x24f: {  	[sflag:s12] =	ssyncadd.s32 $0xFFFFFB00  }
0x250: {  	[hbm4b:s16+s2] =	stream.linear.scatter [tilespmem:s19], [sflag:$0x9], $0x500, $0x38;
	[tilespmem:$0xADE0] =	vst v63  }
0x251: {  	_ =	swait.ge [sflag:s26], $0x500  }
0x252: {  	[sflag:s26] =	ssyncset.done $0x0  }
0x253: {  	s16 =	simm.s32 $0xA3C0;
	s15 =	rddreg [dreg:$0xb];
	[sflag:s26] =	ssyncadd.s32 $0xFFFFFB00  }
0x254: {  	[tilespmem:s16], [sflag:$0x9] =	stream.linear.gather [hbm4b:s15+s2], $0x20, $0x38;
	[tilespmem:$0xADE0] =	vst v63  }
0x255: {  	_ =	swait.ge [sflag:s26], $0x20  }
0x256: {  	[sflag:s26] =	ssyncset.done $0x0  }
0x257: {  	s17 =	simm.s32 $0xA3E0;
	s15 =	simm.s32 $0x20;
	[sflag:s26] =	ssyncadd.s32 $0xFFFFFFE0  }
0x258: {  	[tilespmem:s17], [sflag:$0x1] =	stream.indirect.gather [hbm4b:s3+s15], $0x50, s16, s15, $0xb8;
	[tilespmem:$0xADE0] =	vst v63  }
0x259: {  	_ =	swait.ge [sflag:s0], $0xA00  }
0x25a: {  	[sflag:s0] =	ssyncset.done $0x0  }
0x25b: {  	s21 =	rddreg [dreg:$0x13];
	[sflag:s0] =	ssyncadd.s32 $0xFFFFF600  }
0x25c: {  	[hbm4b:s21+s2] =	stream.linear.scatter [tilespmem:s17], [sflag:$0x9], $0xA00, $0x38;
	[tilespmem:$0xADE0] =	vst v63  }
0x25d: {  	_ =	swait.ge [sflag:s26], $0xA00  }
0x25e: {  	[sflag:s26] =	ssyncset.done $0x0  }
0x25f: {  	s22 =	rddreg [dreg:$0xc];
	[sflag:s26] =	ssyncadd.s32 $0xFFFFF600  }
0x260: {  	[tilespmem:s16], [sflag:$0x9] =	stream.linear.gather [hbm4b:s22+s2], $0x20, $0x38;
	[tilespmem:$0xADE0] =	vst v63  }
0x261: {  	_ =	swait.ge [sflag:s26], $0x20  }
0x262: {  	[sflag:s26] =	ssyncset.done $0x0  }
0x263: {  	[sflag:s26] =	ssyncadd.s32 $0xFFFFFFE0  }
0x264: {  	[tilespmem:s17], [sflag:$0x1] =	stream.indirect.gather [hbm4b:s3+s15], $0x50, s16, s15, $0xb8;
	[tilespmem:$0xADE0] =	vst v63  }
0x265: {  	_ =	swait.ge [sflag:s0], $0xA00  }
0x266: {  	[sflag:s0] =	ssyncset.done $0x0  }
0x267: {  	s23 =	rddreg [dreg:$0x14];
	[sflag:s0] =	ssyncadd.s32 $0xFFFFF600  }
0x268: {  	[hbm4b:s23+s2] =	stream.linear.scatter [tilespmem:s17], [sflag:$0x9], $0xA00, $0x38;
	[tilespmem:$0xADE0] =	vst v63  }
0x269: {  	_ =	swait.ge [sflag:s26], $0xA00  }
0x26a: {  	s24 =	rddreg [dreg:$0x1b]  }
0x26b: {  	s25 =	rddreg [dreg:$0x15];
	s14 =	sadd.s32 $0x1, s24  }
0x26c: {  	p0 =	sne.s32 s14, s25  }
.Ltmp3:
0x26d: {  	_ = 	snop;
	(pc) =	sbr.rel @p0 .LBB2_1-.Ltmp3, $3  }
0x26e: {  	_ =	sdelay $0x1  }
0x26f: {  	[sflag:s26] =	ssyncset.done $0x0  }
0x270: {  	[sflag:s26] =	ssyncadd.s32 $0xFFFFF600  }
0x271: {  	_ =	sfence.sel $0x180000  }
0x272: {  	[bflag:$0x0] =	sbarrier.arrive $0xFFFF  }
0x273: {  	_ =	strace $0x9000004A  }
0x274: {  	s0 =	stileid.u32;
	[bflag:$0x2] =	sbarrier.arrive $0xFFFF  }
0x275: {  	p0 =	sne.s32 s0, $0x0;
	s0 =	rddreg [dreg:$0x5]  }
0x276: {  	s0 =	sadd.s32 @!p0 $0x100000, s0  }
0x277: {  	[sflag:s0] =	ssyncadd.tile.s32 @!p0 $0x1;
	_ =	shalt  }
.Lfunc_end2:
_tile_overlayer_lowered:
.L_overlay_start_2:
0x278: {  	(tag) =	ssettag $0x2  }
0x279: {  	s0 =	rddreg [dreg:$0x0];
	s2 =	stileid.u32  }
0x27a: {  	s1 =	rddreg [dreg:$0x1];
	p0 =	sne.s32 s2, $0x0  }
0x27b: {  	s3 =	rddreg [dreg:$0x2];
	[bflag:$0x3] =	sbarrier.arrive $0xFFFF;
	s2 =	simm.s32 @!p0 $0x1C09  }
0x27c: {  	[timem:s3], [sflag:s2] =	dma.local @!p0 [hbm:s0], s1  }
0x27d: {  	s0 =	simm.s32 @!p0 $0x9  }
0x27e: {  	_ =	swait.ge @!p0 [sflag:s0], s1  }
0x27f: {  	s1 =	ssub.s32 @!p0 $0x0, s1;
	[sflag:s0] =	ssyncset.done @!p0 $0x0  }
0x280: {  	[sflag:s0] =	ssyncadd.s32 @!p0 s1  }
0x281: {  	[bflag:$0x3] =	sbarrier.arrive $0xFFFF  }
0x282: {  	_ =	shalt  }

// kernel: kernel.8.cloned.1.call-start
scs
__scs_entry_jumppad:
0x0: {  	(pc) =	sbr.rel $0x88, $3  }
0x1: {  	(tag) =	ssettag $0x0;
	lr =	simm.s32 $0x1  }
0x2: {  	[smem:$0x3F7D] =	sst lr;
	_ =	strace $0xD0000000  }
0x3: {  	_ = 	snop  }
0x4: {  	_ = 	snop  }
0x5: {  	_ = 	snop  }
0x6: {  	_ = 	snop  }
0x7: {  	_ = 	snop  }
__scs_overlays_trampoline_lowered:
0x8: {  	[smem:$0x3F8C] =	sst s0  }
0x9: {  	[smem:$0x3F8D] =	sst s1  }
0xa: {  	[smem:$0x3F8E] =	sst s2  }
0xb: {  	[smem:$0x3F8F] =	sst s3  }
0xc: {  	[smem:$0x3F90] =	sst s4  }
0xd: {  	[smem:$0x3F91] =	sst s5  }
0xe: {  	[smem:$0x3F92] =	sst s6  }
0xf: {  	[smem:$0x3F93] =	sst s7  }
0x10: {  	[smem:$0x3F94] =	sst s8  }
0x11: {  	[smem:$0x3F95] =	sst s9;
	s0 =	simm.s32 @!p0 $0x0  }
0x12: {  	s1 =	sld [smem:$0x3F7B];
	s0 =	simm.s32 @p0 $0x1  }
0x13: {  	[smem:$0x3F96] =	sst s0;
	s0 =	simm.s32 @!p1 $0x0  }
0x14: {  	s2 =	sld [smem:$0x3F7A];
	s0 =	simm.s32 @p1 $0x1  }
0x15: {  	[smem:$0x3F97] =	sst s0;
	s0 =	simm.s32 @!p2 $0x0  }
0x16: {  	s3 =	sld [smem:$0x3FDB];
	s0 =	simm.s32 @p2 $0x1  }
0x17: {  	s4 =	simm.s32 $0x1BF5;
	[smem:$0x3F99] =	sst s0  }
0x18: {  	s0 =	sld [smem:$0x3F7C];
	_ =	swait.ge [sflag:s4], $0x0  }
0x19: {  	s7 =	sld [smem:$0x3F7D]  }
0x1a: {  	s8 =	sadd.s32 $0xFFFFE003, lr  }
0x1b: {  	s9 =	sadd.s32 $0xFFFFFEF7, lr;
	s5 =	simm.s32 $0xFFFFFFFF;
	p2 =	slt.u32 s8, $0xFFFFF086  }
0x1c: {  	p1 =	slt.u32 s9, $0xF7A;
	s5 =	simm.s32 @!p2 $0x0  }
0x1d: {  	s5 =	simm.s32 @p1 $0x1;
	p0 =	seq.s32 s7, s2  }
0x1e: {  	s7 =	smul.u32 @!p0 $0xF7A, s2;
	p2 =	seq.s32 @!p0 s5, $0x0  }
0x1f: {  	s9 =	smul.u32 $0xF7A, s1;
	s8 =	simm.s32 @!p0 $0x1BF5;
	p2 =	por !p2, p0  }
0x20: {  	[sflag:s8] =	ssyncset.s32 @!p0 $0xFFFFF086;
	s6 =	sadd.s32 @!p0 s3, s7;
	s7 =	simm.s32 @!p0 $0x108  }
0x21: {  	s3 =	sadd.s32 s3, s9;
	s6 =	sadd.s32 @!p0 $0x88, s6;
	s7 =	simm.s32 @p2 $0x1082  }
0x22: {  	[simem:s7], [sflag:s8] =	dma.local @!p0 [hbm:s6], $0xF7A  }
0x23: {  	s9 =	sor.u32 $0xD0000000, s2;
	s6 =	simm.s32 $0x108;
	_ =	swait.ge @!p0 [sflag:s8], $0x0  }
0x24: {  	s3 =	sadd.s32 $0x88, s3;
	s6 =	simm.s32 @!p1 $0x1082;
	[sflag:s4] =	ssyncset.s32 $0xFFFFF086  }
0x25: {  	[simem:s6], [sflag:s4] =	dma.local [hbm:s3], $0xF7A  }
0x26: {  	[smem:$0x3F7D] =	sst s1;
	(tag) =	ssettag s2;
	_ =	strace s9  }
0x27: {  	s1 =	sld [smem:$0x3F8D]  }
0x28: {  	s2 =	sld [smem:$0x3F8E]  }
0x29: {  	s4 =	sld [smem:$0x3F90]  }
0x2a: {  	p0 =	seq.s32 s5, $0x0;
	s5 =	sld [smem:$0x3F91]  }
0x2b: {  	s6 =	sld [smem:$0x3F92]  }
0x2c: {  	s7 =	sld [smem:$0x3F93]  }
0x2d: {  	s3 =	simm.s32 $0x108;
	s8 =	sld [smem:$0x3F94]  }
0x2e: {  	s3 =	simm.s32 @!p0 $0x1082;
	s9 =	sld [smem:$0x3F95]  }
0x2f: {  	lr =	sadd.s32 s0, s3;
	s0 =	sld [smem:$0x3F8C]  }
0x30: {  	s3 =	sld [smem:$0x3F8F]  }
0x31: {  	[smem:$0x3F98] =	sst s10  }
0x32: {  	s10 =	sld [smem:$0x3F96];
	_ =	sdelay $0x3  }
0x33: {  	p0 =	seq.s32 s10, $0x1;
	s10 =	sld [smem:$0x3F98];
	_ =	sdelay $0x3  }
0x34: {  	[smem:$0x3F98] =	sst s10  }
0x35: {  	s10 =	sld [smem:$0x3F97];
	_ =	sdelay $0x3  }
0x36: {  	p1 =	seq.s32 s10, $0x1;
	s10 =	sld [smem:$0x3F98];
	_ =	sdelay $0x3  }
0x37: {  	[smem:$0x3F98] =	sst s10  }
0x38: {  	s10 =	sld [smem:$0x3F99]  }
0x39: {  	_ = 	snop;
	(pc) =	sbr.ind lr, $3  }
0x3a: {  	_ = 	snop  }
0x3b: {  	_ = 	snop  }
0x3c: {  	p2 =	seq.s32 s10, $0x1;
	s10 =	sld [smem:$0x3F98]  }
0x3d: {  	_ =	shalt  }
0x3e: {  	_ =	shalt  }
0x3f: {  	_ =	shalt  }
0x40: {  	_ =	shalt  }
0x41: {  	_ =	shalt  }
0x42: {  	_ =	shalt  }
0x43: {  	_ =	shalt  }
0x44: {  	_ =	shalt  }
0x45: {  	_ =	shalt  }
0x46: {  	_ =	shalt  }
0x47: {  	_ =	shalt  }
0x48: {  	_ =	shalt  }
0x49: {  	_ =	shalt  }
0x4a: {  	_ =	shalt  }
0x4b: {  	_ =	shalt  }
0x4c: {  	_ =	shalt  }
0x4d: {  	_ =	shalt  }
0x4e: {  	_ =	shalt  }
0x4f: {  	_ =	shalt  }
0x50: {  	_ =	shalt  }
0x51: {  	_ =	shalt  }
0x52: {  	_ =	shalt  }
0x53: {  	_ =	shalt  }
0x54: {  	_ =	shalt  }
0x55: {  	_ =	shalt  }
0x56: {  	_ =	shalt  }
0x57: {  	_ =	shalt  }
0x58: {  	_ =	shalt  }
0x59: {  	_ =	shalt  }
0x5a: {  	_ =	shalt  }
0x5b: {  	_ =	shalt  }
0x5c: {  	_ =	shalt  }
0x5d: {  	_ =	shalt  }
0x5e: {  	_ =	shalt  }
0x5f: {  	_ =	shalt  }
0x60: {  	_ =	shalt  }
0x61: {  	_ =	shalt  }
0x62: {  	_ =	shalt  }
0x63: {  	_ =	shalt  }
0x64: {  	_ =	shalt  }
0x65: {  	_ =	shalt  }
0x66: {  	_ =	shalt  }
0x67: {  	_ =	shalt  }
0x68: {  	_ =	shalt  }
0x69: {  	_ =	shalt  }
0x6a: {  	_ =	shalt  }
0x6b: {  	_ =	shalt  }
0x6c: {  	_ =	shalt  }
0x6d: {  	_ =	shalt  }
0x6e: {  	_ =	shalt  }
0x6f: {  	_ =	shalt  }
0x70: {  	_ =	shalt  }
0x71: {  	_ =	shalt  }
0x72: {  	_ =	shalt  }
0x73: {  	_ =	shalt  }
0x74: {  	_ =	shalt  }
0x75: {  	_ =	shalt  }
0x76: {  	_ =	shalt  }
0x77: {  	_ =	shalt  }
0x78: {  	_ =	shalt  }
0x79: {  	_ =	shalt  }
0x7a: {  	_ =	shalt  }
0x7b: {  	_ =	shalt  }
0x7c: {  	_ =	shalt  }
0x7d: {  	_ =	shalt  }
0x7e: {  	_ =	shalt  }
0x7f: {  	_ =	shalt  }
0x80: {  	_ =	shalt  }
0x81: {  	_ =	shalt  }
0x82: {  	_ =	shalt  }
0x83: {  	_ =	shalt  }
0x84: {  	_ =	shalt  }
0x85: {  	_ =	shalt  }
0x86: {  	_ =	shalt  }
0x87: {  	_ =	shalt  }
.Lfunc_end0:
.L_simem_size_0:
called_computation_lowered:
.L_overlay_start_0:
0x88: {  	s2 =	sld [smem:$0x3FD9]  }
0x89: {  	s3 =	sld [smem:$0x3FFE];
	_ =	sdelay $0x1  }
0x8a: {  	s1 =	srdreg.scid  }
0x8b: {  	s0 =	sand.u32 $0x1, s1  }
0x8c: {  	s16 =	sshll.u32 s0, $0xA;
	s2 =	sadd.s32 s3, s2  }
0x8d: {  	s2 =	sadd.s32 s2, s16  }
0x8e: {  	[smem:$0x3FA4] =	sst s2  }
0x8f: {  	_ = 	snop  }
0x90: {  	(tm) =	ssettm $0x1  }
0x91: {  	s17 =	sld [smem:$0x3FFB];
	_ =	sdelay $0x3  }
0x92: {  	_ =	strace s17  }
0x93: {  	s2 =	sld [smem:$0x3FFC];
	_ =	sdelay $0x3  }
0x94: {  	_ =	strace s2  }
0x95: {  	s2 =	sld [smem:$0x3FFD];
	_ =	sdelay $0x3  }
0x96: {  	_ =	strace s2  }
0x97: {  	_ =	strace $0x8FFFFFFF  }
0x98: {  	s18 =	sld [smem:$0x3FDB];
	_ =	sdelay $0x1  }
0x99: {  	s19 =	simm.s32 $_scs_section_size  }
0x9a: {  	s4 =	simm.s32 $_size__tile_overlayer_lowered;
	s5 =	simm.s32 $_tile_overlayer_lowered  }
0x9b: {  	s22 =	simm.s32 $0x1BFF;
	s21 =	sshll.u32 s5, $0x1;
	s2 =	sadd.s32 s19, s18  }
0x9c: {  	s6 =	simm.s32 $0x0;
	s20 =	sshll.u32 s4, $0x1;
	s4 =	sadd.s32 s21, s2  }
0x9d: {  	[timem:s6], [sflag:s22] =	dma.local [hbm:s4], s20  }
0x9e: {  	_ =	swait.ge [sflag:s22], s20  }
0x9f: {  	s3 =	ssub.s32 $0x0, s20;
	[sflag:s22] =	ssyncset.done $0x0  }
0xa0: {  	[sflag:s22] =	ssyncadd.s32 s3;
	_ =	sdelay $0x1  }
0xa1: {  	s23 =	simm.s32 $0x1B8B  }
0xa2: {  	_ =	swait.ge [sflag:s23], $0x1  }
0xa3: {  	[sflag:s23] =	ssyncset.done $0x0  }
0xa4: {  	s25 =	simm.s32 $0x1B8E;
	s24 =	sld [smem:$0x3FFE];
	[sflag:s23] =	ssyncadd.s32 $0xFFFFFFFF  }
0xa5: {  	s26 =	simm.s32 $execute0_lowered;
	[smem:$0x3FD2] =	sst s25  }
0xa6: {  	s4 =	sshll.u32 s26, $0x1;
	_ =	strace $0x80000046;
	[dreg:$0x1] =	wrdreg $0xFFFFFFFF  }
0xa7: {  	s28 =	simm.s32 $_size_execute0_lowered;
	s2 =	sadd.s32 s2, s4;
	[dreg:$0x0] =	wrdreg $0x0  }
0xa8: {  	s4 =	sshll.u32 s28, $0x1;
	[dreg:$0x2] =	wrdreg s2  }
0xa9: {  	[dreg:$0x3] =	wrdreg s4  }
0xaa: {  	[dreg:$0x4] =	wrdreg $0xC0  }
0xab: {  	_ =	task [dreg:s6], $0x5FFFF  }
0xac: {  	[dreg:$0x1] =	wrdreg $0xFFFFFFFF  }
0xad: {  	[dreg:$0x0] =	wrdreg $0x60  }
0xae: {  	[dreg:$0x2] =	wrdreg s24  }
0xaf: {  	[dreg:$0x3] =	wrdreg $0x9  }
0xb0: {  	_ =	task.clear_ibuf [dreg:s6], $0x4FFFF;
	_ =	strace $0x90000046  }
0xb1: {  	s29 =	simm.s32 $0x9;
	_ =	strace $0x80000048  }
0xb2: {  	_ =	swait.ge [sflag:s29], $0x1  }
0xb3: {  	[sflag:s29] =	ssyncadd.s32 $0xFFFFFFFF  }
0xb4: {  	_ =	strace $0x90000048  }
0xb5: {  	_ =	sfence  }
0xb6: {  	s30 =	sld [smem:$0x0];
	_ =	sdelay $0x2  }
0xb7: {  	s31 =	sshll.u32 s1, $0xD;
	s1 =	sshrl.u32 s1, $0x2  }
0xb8: {  	s3 =	sand.u32 $0x4000, s31;
	s1 =	sadd.s32 s1, s30  }
0xb9: {  	s0 =	sor.u32 s3, s0;
	s1 =	sshll.u32 s1, $0x11  }
0xba: {  	s0 =	sor.u32 s1, s0  }
0xbb: {  	s0 =	sadd.s32 $0x8F2B, s0  }
0xbc: {  	[sflag:s0] =	ssyncadd.remote.s32 $0x1  }
0xbd: {  	_ =	sfence.sel $0xFFFF  }
0xbe: {  	[dreg:$0x0] =	wrdreg $0xFFFFFFFF;
	(pc) =	sbr.abs _section_cstart, $3  }
0xbf: {  	[dreg:$0x1] =	wrdreg $0xFFFFFFFF  }
0xc0: {  	_ =	task.clear_ibuf [dreg:s6], $0x2FFFF;
	_ =	strace $0x9FFFFFFF  }
0xc1: {  	(tm) =	ssettm $0x7FFFFFFF  }
tec
execute0_lowered:
.L_overlay_start_1:
0x0: {  	(tag) =	ssettag $0x1  }
0x1: {  	s1 =	srdreg.scid;
	s0 =	stileid.u32  }
0x2: {  	s11 =	sand.u32 $0x1, s1;
	s30 =	sshll.u32 s0, $0x1  }
0x3: {  	s12 =	sor.u32 s11, s30  }
0x4: {  	s10 =	rddreg [dreg:$0x0];
	s3 =	smul.u32 $0x14, s12  }
0x5: {  	s2 =	simm.s32 $0x0;
	s1 =	rddreg [dreg:$0x1]  }
0x6: {  	[smem:$0x7FF] =	sst s2;
	s3 =	sadd.s32 s3, s10  }
0x7: {  	_ =	strace $0x80000047;
	s4 =	sadd.s32 $0x1AC00, s3;
	s3 =	simm.s32 $0x3  }
0x8: {  	[tilespmem:s2], [sflag:$0x3] =	stream.linear.gather [hbm4b:s4+s2], $0xA0, $0x38;
	[tilespmem:$0x28A0] =	vst v63  }
0x9: {  	_ =	swait.ge [sflag:s3], $0xA0  }
0xa: {  	s6 =	simm.s32 $0x50;
	[sflag:s3] =	ssyncset.done $0x0  }
0xb: {  	s7 =	simm.s32 $0xA0;
	s5 =	sadd.s32 $0x7200, s10;
	[sflag:s3] =	ssyncadd.s32 $0xFFFFFF60  }
0xc: {  	[tilespmem:s7], [sflag:$0x1] =	stream.indirect.gather [hbm4b:s5+s6], $0x40, s2, s6, $0xb8;
	[tilespmem:$0x28A0] =	vst v63  }
0xd: {  	s8 =	simm.s32 $0x14A0;
	s9 =	simm.s32 $0x1  }
0xe: {  	[tilespmem:s8], [sflag:$0x2] =	stream.indirect.gather [hbm4b:s5+s6], $0x40, s6, s6, $0xb8;
	[tilespmem:$0x28A0] =	vst v63  }
0xf: {  	s13 =	smul.u32 $0x500, s12;
	_ =	swait.ge [sflag:s9], $0x1400  }
0x10: {  	s14 =	sadd.s32 $0x1B000, s10;
	[sflag:s9] =	ssyncset.done $0x0  }
0x11: {  	s31 =	ssub.s32 $0x2, s11;
	s10 =	sadd.s32 s14, s13;
	[sflag:s9] =	ssyncadd.s32 $0xFFFFEC00  }
0x12: {  	[hbm4b:s10+s2] =	stream.linear.scatter [tilespmem:s7], [sflag:$0x3], $0x1400, $0x38;
	[tilespmem:$0x28A0] =	vst v63  }
0x13: {  	s15 =	sshrl.u32 s31, $0x1;
	_ =	swait.ge [sflag:s3], $0x1400  }
0x14: {  	s12 =	smul.u32 $0x2800, s12;
	s13 =	ssub.s32 s31, s15;
	[sflag:s3] =	ssyncset.done $0x0  }
0x15: {  	s11 =	simm.s32 $0x2;
	s13 =	smax.u32 s13, $0x1;
	[sflag:s3] =	ssyncadd.s32 $0xFFFFEC00  }
0x16: {  	s12 =	sshrl.u32 s12, $0x3;
	p0 =	sne.s32 s13, $0x1;
	_ =	swait.ge [sflag:s11], $0x1400  }
.Ltmp0:
0x17: {  	s12 =	sadd.s32 s14, s12;
	[sflag:s11] =	ssyncset.done $0x0;
	(pc) =	sbr.rel @!p0 .LBB2_2-.Ltmp0, $4  }
0x18: {  	s12 =	sadd.s32 $0x280, s12;
	[sflag:s11] =	ssyncadd.s32 $0xFFFFEC00  }
0x19: {  	[hbm4b:s12+s2] =	stream.linear.scatter [tilespmem:s8], [sflag:$0x3], $0x1400, $0x38;
	[tilespmem:$0x28A0] =	vst v63  }
0x1a: {  	_ =	swait.ge [sflag:s3], $0x1400  }
0x1b: {  	s13 =	sadd.s32 $0xFFFFFFFF, s13;
	[sflag:s3] =	ssyncset.done $0x0  }
.LBB2_1:
0x1c: {  	p0 =	sne.s32 s13, $0x1;
	s13 =	sadd.s32 $0xFFFFFFFF, s13;
	[sflag:s3] =	ssyncadd.s32 $0xFFFFEC00  }
0x1d: {  	[tilespmem:s2], [sflag:$0x3] =	stream.linear.gather [hbm4b:s4+s2], $0xA0, $0x38;
	[tilespmem:$0x28A0] =	vst v63  }
0x1e: {  	_ =	swait.ge [sflag:s3], $0xA0  }
0x1f: {  	[sflag:s3] =	ssyncset.done $0x0  }
0x20: {  	[sflag:s3] =	ssyncadd.s32 $0xFFFFFF60  }
0x21: {  	[tilespmem:s7], [sflag:$0x1] =	stream.indirect.gather [hbm4b:s5+s6], $0x40, s2, s6, $0xb8;
	[tilespmem:$0x28A0] =	vst v63  }
0x22: {  	_ = 	snop  }
0x23: {  	[tilespmem:s8], [sflag:$0x2] =	stream.indirect.gather [hbm4b:s5+s6], $0x40, s6, s6, $0xb8;
	[tilespmem:$0x28A0] =	vst v63  }
0x24: {  	_ =	swait.ge [sflag:s9], $0x1400  }
0x25: {  	[sflag:s9] =	ssyncset.done $0x0  }
0x26: {  	[sflag:s9] =	ssyncadd.s32 $0xFFFFEC00  }
0x27: {  	[hbm4b:s10+s2] =	stream.linear.scatter [tilespmem:s7], [sflag:$0x3], $0x1400, $0x38;
	[tilespmem:$0x28A0] =	vst v63  }
0x28: {  	_ =	swait.ge [sflag:s3], $0x1400  }
0x29: {  	[sflag:s3] =	ssyncset.done $0x0  }
0x2a: {  	[sflag:s3] =	ssyncadd.s32 $0xFFFFEC00  }
0x2b: {  	_ =	swait.ge [sflag:s11], $0x1400  }
.Ltmp1:
0x2c: {  	[sflag:s11] =	ssyncset.done $0x0;
	(pc) =	sbr.rel @p0 .LBB2_1-.Ltmp1, $4  }
0x2d: {  	[sflag:s11] =	ssyncadd.s32 $0xFFFFEC00  }
0x2e: {  	[hbm4b:s12+s2] =	stream.linear.scatter [tilespmem:s8], [sflag:$0x3], $0x1400, $0x38;
	[tilespmem:$0x28A0] =	vst v63  }
0x2f: {  	_ =	swait.ge [sflag:s3], $0x1400  }
0x30: {  	[sflag:s3] =	ssyncset.done $0x0  }
.LBB2_2:
0x31: {  	[sflag:s3] =	ssyncadd.s32 $0xFFFFEC00  }
0x32: {  	_ =	sfence.sel $0x180000  }
0x33: {  	[bflag:$0x0] =	sbarrier.arrive $0xFFFF  }
0x34: {  	p0 =	sne.s32 s0, $0x0;
	_ =	strace $0x90000047  }
0x35: {  	s0 =	sadd.s32 @!p0 $0x100000, s1;
	[bflag:$0x2] =	sbarrier.arrive $0xFFFF  }
0x36: {  	[sflag:s0] =	ssyncadd.tile.s32 @!p0 $0x1;
	_ =	shalt  }
.Lfunc_end2:
_tile_overlayer_lowered:
.L_overlay_start_2:
0x37: {  	(tag) =	ssettag $0x2  }
0x38: {  	s0 =	rddreg [dreg:$0x0];
	s2 =	stileid.u32  }
0x39: {  	s1 =	rddreg [dreg:$0x1];
	p0 =	sne.s32 s2, $0x0  }
0x3a: {  	s3 =	rddreg [dreg:$0x2];
	[bflag:$0x3] =	sbarrier.arrive $0xFFFF;
	s2 =	simm.s32 @!p0 $0x1C03  }
0x3b: {  	[timem:s3], [sflag:s2] =	dma.local @!p0 [hbm:s0], s1  }
0x3c: {  	s0 =	simm.s32 @!p0 $0x3  }
0x3d: {  	_ =	swait.ge @!p0 [sflag:s0], s1  }
0x3e: {  	s1 =	ssub.s32 @!p0 $0x0, s1;
	[sflag:s0] =	ssyncset.done @!p0 $0x0  }
0x3f: {  	[sflag:s0] =	ssyncadd.s32 @!p0 s1  }
0x40: {  	[bflag:$0x3] =	sbarrier.arrive $0xFFFF  }
0x41: {  	_ =	shalt  }

</sc_bundles>
